<compile_context>
chip_gen: v7x
topology: tpu7x:2x2x1
jax: 0.10.2.dev20260603
libtpu: 0.0.44.dev20260713+nightly
codegen_flags: <defaults>
</compile_context>

<pallas_src>
import functools

import jax
import jax.numpy as jnp
import numpy as np
from jax import lax
from jax.experimental import pallas as pl
from jax.experimental.pallas import tpu as pltpu
from jax.experimental.pallas import tpu_sc as plsc

_N = 10000
_NP = 10240
_E = 320000
_EP = 327680
_EW = _EP // 32
_CH = _EW // 128
_D = 128
_R = 512
_GB = _NP // _R

_PAD_IDX = np.asarray(_N + (np.arange(_EP - _E) % (_NP - _N)), np.int32)

_mesh = plsc.VectorSubcoreMesh(core_axis_name="c", subcore_axis_name="s")


@functools.partial(
    pl.kernel,
    out_type=jax.ShapeDtypeStruct((2, _NP), jnp.float32),
    mesh=_mesh,
    scratch_types=[
        pltpu.VMEM((_CH, 128), jnp.int32),
        pltpu.VMEM((128,), jnp.float32),
        pltpu.VMEM((128,), jnp.float32),
        pltpu.VMEM_SHARED((_NP,), jnp.float32),
        pltpu.SemaphoreType.DMA,
    ],
)
def _deg_kernel(dst_hbm, out_hbm, di_all, ones_v, zero_v, deg_sp, sem):
    cid = lax.axis_index("c")
    sid = lax.axis_index("s")
    w = cid * 16 + sid
    for j in range(8):
        ones_v[pl.ds(j * 16, 16)] = jnp.full((16,), 1.0, jnp.float32)
        zero_v[pl.ds(j * 16, 16)] = jnp.zeros((16,), jnp.float32)
    pltpu.sync_copy(dst_hbm.at[pl.ds(w * _CH, _CH), :], di_all)
    for j in range(5):
        pltpu.sync_copy(zero_v, deg_sp.at[pl.ds(sid * 640 + j * 128, 128)])
    plsc.subcore_barrier()

    def group(g, carry):
        def fire(k, c):
            pltpu.async_copy(ones_v, deg_sp.at[di_all.at[g * 16 + k]], sem, add=True)
            return c

        lax.fori_loop(0, 16, fire, 0)

        def drain(k, c):
            pltpu.make_async_copy(ones_v, deg_sp.at[di_all.at[g * 16 + k]], sem).wait()
            return c

        lax.fori_loop(0, 16, drain, 0)
        return carry

    lax.fori_loop(0, _CH // 16, group, 0)
    plsc.subcore_barrier()
    for j in range(5):
        r0 = sid * 640 + j * 128
        pltpu.sync_copy(deg_sp.at[pl.ds(r0, 128)], out_hbm.at[cid, pl.ds(r0, 128)])


def _mm_body(x_ref, w_ref, dv_ref, u_ref):
    h = jnp.dot(x_ref[...], w_ref[...], preferred_element_type=jnp.float32)
    dv = dv_ref[0]
    eye = (jax.lax.broadcasted_iota(jnp.int32, (128, 128), 0)
           == jax.lax.broadcasted_iota(jnp.int32, (128, 128), 1))
    for g in range(_R // 128):
        dg = jnp.where(eye, jnp.broadcast_to(dv[g:g + 1, :], (128, 128)), 0.0)
        u_ref[pl.ds(g * 128, 128), :] = jnp.dot(
            dg, h[g * 128:(g + 1) * 128, :], preferred_element_type=jnp.float32)


_mm = pl.pallas_call(
    _mm_body,
    grid=(_GB,),
    in_specs=[
        pl.BlockSpec((_R, _D), lambda i: (i, 0)),
        pl.BlockSpec((_D, _D), lambda i: (0, 0)),
        pl.BlockSpec((1, _R // 128, 128), lambda i: (i, 0, 0)),
    ],
    out_specs=pl.BlockSpec((_R, _D), lambda i: (i, 0)),
    out_shape=jax.ShapeDtypeStruct((_NP, _D), jnp.float32),
)


@functools.partial(
    pl.kernel,
    out_type=(
        jax.ShapeDtypeStruct((2, _NP, _D), jnp.float32),
        jax.ShapeDtypeStruct((2, _NP), jnp.float32),
    ),
    mesh=_mesh,
    scratch_types=[
        pltpu.VMEM((_CH // 5, 128), jnp.int32),
        pltpu.VMEM((_CH // 5, 128), jnp.int32),
        pltpu.VMEM((128, _D), jnp.float32),
        pltpu.VMEM((128, _D), jnp.float32),
        pltpu.VMEM((128,), jnp.float32),
        pltpu.VMEM_SHARED((_NP, _D), jnp.float32),
        pltpu.VMEM_SHARED((_NP,), jnp.float32),
        pltpu.VMEM_SHARED((_NP,), jnp.float32),
        pltpu.SemaphoreType.DMA,
        pltpu.SemaphoreType.DMA,
    ],
)
def _agg_kernel(u_hbm, src_hbm, dst_hbm, dinv_hbm, agg_out, s_out,
                si_q, di_q, rows0, rows1, vals_v, agg_sp, s_sp, dinv_sh,
                gu0, gu1):
    cid = lax.axis_index("c")
    sid = lax.axis_index("s")
    w = cid * 16 + sid
    pc = _CH // 5

    def zb(i, carry):
        r = i // 8
        c = (i % 8) * 16
        rows0[r, pl.ds(c, 16)] = jnp.zeros((16,), jnp.float32)
        return carry

    lax.fori_loop(0, 1024, zb, 0)
    for j in range(8):
        vals_v[pl.ds(j * 16, 16)] = jnp.zeros((16,), jnp.float32)
    for j in range(5):
        r0 = sid * 640 + j * 128
        pltpu.sync_copy(rows0, agg_sp.at[pl.ds(r0, 128), :])
        pltpu.sync_copy(vals_v, s_sp.at[pl.ds(r0, 128)])
        pltpu.sync_copy(dinv_hbm.at[pl.ds(r0, 128)], dinv_sh.at[pl.ds(r0, 128)])
    plsc.subcore_barrier()

    def phase(p, carry):
        pltpu.sync_copy(src_hbm.at[pl.ds(w * _CH + p * pc, pc), :], si_q)
        pltpu.sync_copy(dst_hbm.at[pl.ds(w * _CH + p * pc, pc), :], di_q)
        pltpu.async_copy(u_hbm.at[si_q.at[0]], rows0, gu0)
        pltpu.async_copy(u_hbm.at[si_q.at[1]], rows1, gu1)

        def body(i, c):
            c0 = i * 2
            c1 = i * 2 + 1
            pltpu.sync_copy(dinv_sh.at[di_q.at[c0]], vals_v)
            pltpu.sync_copy(vals_v, s_sp.at[si_q.at[c0]], add=True)
            pltpu.make_async_copy(u_hbm.at[si_q.at[c0]], rows0, gu0).wait()
            pltpu.sync_copy(rows0, agg_sp.at[di_q.at[c0]], add=True)

            @pl.when(c0 + 2 < pc)
            def _():
                pltpu.async_copy(u_hbm.at[si_q.at[c0 + 2]], rows0, gu0)

            pltpu.sync_copy(dinv_sh.at[di_q.at[c1]], vals_v)
            pltpu.sync_copy(vals_v, s_sp.at[si_q.at[c1]], add=True)
            pltpu.make_async_copy(u_hbm.at[si_q.at[c1]], rows1, gu1).wait()
            pltpu.sync_copy(rows1, agg_sp.at[di_q.at[c1]], add=True)

            @pl.when(c1 + 2 < pc)
            def _():
                pltpu.async_copy(u_hbm.at[si_q.at[c1 + 2]], rows1, gu1)

            return c

        lax.fori_loop(0, pc // 2, body, 0)
        return carry

    lax.fori_loop(0, 5, phase, 0)
    plsc.subcore_barrier()
    for j in range(5):
        r0 = sid * 640 + j * 128
        pltpu.sync_copy(agg_sp.at[pl.ds(r0, 128), :], agg_out.at[cid, pl.ds(r0, 128), :])
        pltpu.sync_copy(s_sp.at[pl.ds(r0, 128)], s_out.at[cid, pl.ds(r0, 128)])


def _fin_body(u_ref, agg_ref, dv_ref, s_ref, b1_ref, w2_ref, b2_ref,
              out_ref, acc_ref):
    i = pl.program_id(0)

    @pl.when(i == 0)
    def _():
        acc_ref[...] = jnp.zeros_like(acc_ref)

    dv44 = dv_ref[0]
    s44 = s_ref[0]
    w44 = dv44 * (s44 + dv44)
    gidx = (i * _R + 128 * jax.lax.broadcasted_iota(jnp.int32, (_R // 128, 128), 0)
            + jax.lax.broadcasted_iota(jnp.int32, (_R // 128, 128), 1))
    w44 = jnp.where(gidx < _N, w44, 0.0)
    eye = (jax.lax.broadcasted_iota(jnp.int32, (128, 128), 0)
           == jax.lax.broadcasted_iota(jnp.int32, (128, 128), 1))
    m = agg_ref[0] + agg_ref[1] + u_ref[...]
    part = jnp.zeros((1, _D), jnp.float32)
    for g in range(_R // 128):
        dg = jnp.where(eye, jnp.broadcast_to(dv44[g:g + 1, :], (128, 128)), 0.0)
        h1g = jnp.maximum(
            jnp.dot(dg, m[g * 128:(g + 1) * 128, :],
                    preferred_element_type=jnp.float32) + b1_ref[...], 0.0)
        part += jnp.dot(w44[g:g + 1, :], h1g, preferred_element_type=jnp.float32)
    acc_ref[...] += part

    @pl.when(i == _GB - 1)
    def _():
        v = jnp.dot(acc_ref[...], w2_ref[...], preferred_element_type=jnp.float32)
        out_ref[...] = jnp.tanh(v * (1.0 / _N) + b2_ref[...])


_fin = pl.pallas_call(
    _fin_body,
    grid=(_GB,),
    in_specs=[
        pl.BlockSpec((_R, _D), lambda i: (i, 0)),
        pl.BlockSpec((2, _R, _D), lambda i: (0, i, 0)),
        pl.BlockSpec((1, _R // 128, 128), lambda i: (i, 0, 0)),
        pl.BlockSpec((1, _R // 128, 128), lambda i: (i, 0, 0)),
        pl.BlockSpec((1, _D), lambda i: (0, 0)),
        pl.BlockSpec((_D, _D), lambda i: (0, 0)),
        pl.BlockSpec((1, _D), lambda i: (0, 0)),
    ],
    out_specs=pl.BlockSpec((1, _D), lambda i: (0, 0)),
    out_shape=jax.ShapeDtypeStruct((1, _D), jnp.float32),
    scratch_shapes=[pltpu.VMEM((1, _D), jnp.float32)],
)


def kernel(x, edge_index, W1, b1, W2, b2):
    pad2d = jnp.asarray(_PAD_IDX.reshape(-1, 128))
    src = jnp.concatenate([edge_index[0].reshape(_E // 128, 128), pad2d])
    dst = jnp.concatenate([edge_index[1].reshape(_E // 128, 128), pad2d])
    x_pad = jnp.pad(x, ((0, _NP - _N), (0, 0)))

    deg2 = _deg_kernel(dst)
    dinv = lax.rsqrt(deg2[0] + deg2[1] + 1.0)
    dinv_flat = dinv.reshape(_GB, _R // 128, 128)

    u_pad = _mm(x_pad, W1, dinv_flat)
    agg2, s2 = _agg_kernel(u_pad, src, dst, dinv)

    s_flat = (s2[0] + s2[1]).reshape(_GB, _R // 128, 128)

    return _fin(u_pad, agg2, dinv_flat, s_flat,
                b1.reshape(1, _D), W2, b2.reshape(1, _D))

# --- scband reference (transcript-rebuilt; emitter-appended) ---
"""Pipeline reference for scband-combined-model-41111426957575 (READ-ONLY COPY).

The authoritative reference and input builder live on the scoring server;
editing this copy changes nothing except your own understanding.
"""

import jax, jax.numpy as jnp
import numpy as np

N = 10000
E = 320000
D_IN = 128
D_H = 128


def setup_inputs(seed: int = 0) -> dict:
    key = jax.random.key(seed)
    ks = jax.random.split(key, 6)
    x = jax.random.normal(ks[0], (N, D_IN), dtype=jnp.float32)
    edge_index = jax.random.randint(ks[1], (2, E), 0, N, dtype=jnp.int32)
    W1 = jax.random.normal(ks[2], (D_IN, D_H), dtype=jnp.float32) * 0.05
    b1 = jnp.zeros((D_H,), dtype=jnp.float32)
    W2 = jax.random.normal(ks[3], (D_H, D_H), dtype=jnp.float32) * 0.05
    b2 = jnp.zeros((D_H,), dtype=jnp.float32)
    return {"x": x, "edge_index": edge_index, "W1": W1, "b1": b1, "W2": W2, "b2": b2}


def gcn_conv(x, edge_index, W, b):
    # GCNConv with self-loops and symmetric normalization: D^{-1/2} (A+I) D^{-1/2} X W + b
    n = x.shape[0]
    loops = jnp.arange(n, dtype=edge_index.dtype)
    src = jnp.concatenate([edge_index[0], loops])
    dst = jnp.concatenate([edge_index[1], loops])
    deg = jax.ops.segment_sum(jnp.ones_like(dst, dtype=x.dtype), dst, num_segments=n)
    dinv_sqrt = jnp.where(deg > 0, jax.lax.rsqrt(jnp.maximum(deg, 1e-12)), 0.0)
    norm = dinv_sqrt[src] * dinv_sqrt[dst]
    h = x @ W
    msg = h[src] * norm[:, None]
    out = jax.ops.segment_sum(msg, dst, num_segments=n)
    return out + b


def reference(x, edge_index, W1, b1, W2, b2):
    # GraphModel.pred path (eval mode: dropout is identity, no stochastic masking):
    # conv1 -> relu -> conv2 -> mean over nodes -> tanh -> [1, latent]
    h = gcn_conv(x, edge_index, W1, b1)
    h = jax.nn.relu(h)
    h = gcn_conv(h, edge_index, W2, b2)
    out = jnp.tanh(jnp.mean(h, axis=0))[None, :]
    return out

if __name__ == "__main__":
    import jax
    _d = setup_inputs()
    print(jax.jit(kernel)(*tuple(_d.values())))

</pallas_src>

<mosaic_0001>
#map = affine_map<(d0, d1) -> (0, 0)>
module attributes {stable_mosaic.version = 14 : i64} {
  func.func @_deg_kernel(%arg0: i32, %arg1: i32, %arg2: memref<2560x128xi32, #tpu.memory_space<hbm>>, %arg3: memref<2x10240xf32, #tpu.memory_space<hbm>>, %arg4: memref<80x128xi32, #tpu.memory_space<vmem>>, %arg5: memref<128xf32, #tpu.memory_space<vmem>>, %arg6: memref<128xf32, #tpu.memory_space<vmem>>, %arg7: memref<10240xf32, #tpu.memory_space<vmem_shared>>, %arg8: memref<!tpu.dma_semaphore, #tpu.memory_space<semaphore_mem>>) attributes {dimension_semantics = [#tpu.dimension_semantics<core_parallel>, #tpu.dimension_semantics<subcore_parallel>], iteration_bounds = array<i64: 2, 16>, scalar_prefetch = 0 : i64, scratch_operands = 5 : i64, tpu.core_type = #tpu.core_type<sc_vector_subcore>, window_params = [{transform_indices = #map}, {transform_indices = #map}]} {
    %mul3A = arith.constant 16 : i32
    %mul3A_0 = arith.muli %arg0, %mul3A : i32
    %add3A = arith.addi %mul3A_0, %arg1 : i32
    %broadcast_in_dim3A = arith.constant 1.000000e+00 : f32
    %broadcast_in_dim3A_1 = vector.broadcast %broadcast_in_dim3A : f32 to vector<16xf32>
    %swap3A = arith.constant 0 : index
    %swap3A_2 = tpu.vector_load %arg5[%swap3A] {strides = array<i32>} : memref<128xf32, #tpu.memory_space<vmem>>, vector<16xf32>,
    %swap3A_3 = vector.shape_cast %swap3A_2 : vector<16xf32> to vector<16xf32>
    %swap3A_4 = vector.shape_cast %broadcast_in_dim3A_1 : vector<16xf32> to vector<16xf32>
    tpu.vector_store %arg5[%swap3A], %swap3A_4 {strides = array<i32>} : memref<128xf32, #tpu.memory_space<vmem>>, vector<16xf32>,
    %broadcast_in_dim3A_5 = arith.constant 0.000000e+00 : f32
    %broadcast_in_dim3A_6 = vector.broadcast %broadcast_in_dim3A_5 : f32 to vector<16xf32>
    %swap3A_7 = arith.constant 0 : index
    %swap3A_8 = tpu.vector_load %arg6[%swap3A_7] {strides = array<i32>} : memref<128xf32, #tpu.memory_space<vmem>>, vector<16xf32>,
    %swap3A_9 = vector.shape_cast %swap3A_8 : vector<16xf32> to vector<16xf32>
    %swap3A_10 = vector.shape_cast %broadcast_in_dim3A_6 : vector<16xf32> to vector<16xf32>
    tpu.vector_store %arg6[%swap3A_7], %swap3A_10 {strides = array<i32>} : memref<128xf32, #tpu.memory_space<vmem>>, vector<16xf32>,
    %broadcast_in_dim3A_11 = arith.constant 1.000000e+00 : f32
    %broadcast_in_dim3A_12 = vector.broadcast %broadcast_in_dim3A_11 : f32 to vector<16xf32>
    %swap3A_13 = arith.constant 16 : index
    %swap3A_14 = tpu.vector_load %arg5[%swap3A_13] {strides = array<i32>} : memref<128xf32, #tpu.memory_space<vmem>>, vector<16xf32>,
    %swap3A_15 = vector.shape_cast %swap3A_14 : vector<16xf32> to vector<16xf32>
    %swap3A_16 = vector.shape_cast %broadcast_in_dim3A_12 : vector<16xf32> to vector<16xf32>
    tpu.vector_store %arg5[%swap3A_13], %swap3A_16 {strides = array<i32>} : memref<128xf32, #tpu.memory_space<vmem>>, vector<16xf32>,
    %broadcast_in_dim3A_17 = arith.constant 0.000000e+00 : f32
    %broadcast_in_dim3A_18 = vector.broadcast %broadcast_in_dim3A_17 : f32 to vector<16xf32>
    %swap3A_19 = arith.constant 16 : index
    %swap3A_20 = tpu.vector_load %arg6[%swap3A_19] {strides = array<i32>} : memref<128xf32, #tpu.memory_space<vmem>>, vector<16xf32>,
    %swap3A_21 = vector.shape_cast %swap3A_20 : vector<16xf32> to vector<16xf32>
    %swap3A_22 = vector.shape_cast %broadcast_in_dim3A_18 : vector<16xf32> to vector<16xf32>
    tpu.vector_store %arg6[%swap3A_19], %swap3A_22 {strides = array<i32>} : memref<128xf32, #tpu.memory_space<vmem>>, vector<16xf32>,
    %broadcast_in_dim3A_23 = arith.constant 1.000000e+00 : f32
    %broadcast_in_dim3A_24 = vector.broadcast %broadcast_in_dim3A_23 : f32 to vector<16xf32>
    %swap3A_25 = arith.constant 32 : index
    %swap3A_26 = tpu.vector_load %arg5[%swap3A_25] {strides = array<i32>} : memref<128xf32, #tpu.memory_space<vmem>>, vector<16xf32>,
    %swap3A_27 = vector.shape_cast %swap3A_26 : vector<16xf32> to vector<16xf32>
    %swap3A_28 = vector.shape_cast %broadcast_in_dim3A_24 : vector<16xf32> to vector<16xf32>
    tpu.vector_store %arg5[%swap3A_25], %swap3A_28 {strides = array<i32>} : memref<128xf32, #tpu.memory_space<vmem>>, vector<16xf32>,
    %broadcast_in_dim3A_29 = arith.constant 0.000000e+00 : f32
    %broadcast_in_dim3A_30 = vector.broadcast %broadcast_in_dim3A_29 : f32 to vector<16xf32>
    %swap3A_31 = arith.constant 32 : index
    %swap3A_32 = tpu.vector_load %arg6[%swap3A_31] {strides = array<i32>} : memref<128xf32, #tpu.memory_space<vmem>>, vector<16xf32>,
    %swap3A_33 = vector.shape_cast %swap3A_32 : vector<16xf32> to vector<16xf32>
    %swap3A_34 = vector.shape_cast %broadcast_in_dim3A_30 : vector<16xf32> to vector<16xf32>
    tpu.vector_store %arg6[%swap3A_31], %swap3A_34 {strides = array<i32>} : memref<128xf32, #tpu.memory_space<vmem>>, vector<16xf32>,
    %broadcast_in_dim3A_35 = arith.constant 1.000000e+00 : f32
    %broadcast_in_dim3A_36 = vector.broadcast %broadcast_in_dim3A_35 : f32 to vector<16xf32>
    %swap3A_37 = arith.constant 48 : index
    %swap3A_38 = tpu.vector_load %arg5[%swap3A_37] {strides = array<i32>} : memref<128xf32, #tpu.memory_space<vmem>>, vector<16xf32>,
    %swap3A_39 = vector.shape_cast %swap3A_38 : vector<16xf32> to vector<16xf32>
    %swap3A_40 = vector.shape_cast %broadcast_in_dim3A_36 : vector<16xf32> to vector<16xf32>
    tpu.vector_store %arg5[%swap3A_37], %swap3A_40 {strides = array<i32>} : memref<128xf32, #tpu.memory_space<vmem>>, vector<16xf32>,
    %broadcast_in_dim3A_41 = arith.constant 0.000000e+00 : f32
    %broadcast_in_dim3A_42 = vector.broadcast %broadcast_in_dim3A_41 : f32 to vector<16xf32>
    %swap3A_43 = arith.constant 48 : index
    %swap3A_44 = tpu.vector_load %arg6[%swap3A_43] {strides = array<i32>} : memref<128xf32, #tpu.memory_space<vmem>>, vector<16xf32>,
    %swap3A_45 = vector.shape_cast %swap3A_44 : vector<16xf32> to vector<16xf32>
    %swap3A_46 = vector.shape_cast %broadcast_in_dim3A_42 : vector<16xf32> to vector<16xf32>
    tpu.vector_store %arg6[%swap3A_43], %swap3A_46 {strides = array<i32>} : memref<128xf32, #tpu.memory_space<vmem>>, vector<16xf32>,
    %broadcast_in_dim3A_47 = arith.constant 1.000000e+00 : f32
    %broadcast_in_dim3A_48 = vector.broadcast %broadcast_in_dim3A_47 : f32 to vector<16xf32>
    %swap3A_49 = arith.constant 64 : index
    %swap3A_50 = tpu.vector_load %arg5[%swap3A_49] {strides = array<i32>} : memref<128xf32, #tpu.memory_space<vmem>>, vector<16xf32>,
    %swap3A_51 = vector.shape_cast %swap3A_50 : vector<16xf32> to vector<16xf32>
    %swap3A_52 = vector.shape_cast %broadcast_in_dim3A_48 : vector<16xf32> to vector<16xf32>
    tpu.vector_store %arg5[%swap3A_49], %swap3A_52 {strides = array<i32>} : memref<128xf32, #tpu.memory_space<vmem>>, vector<16xf32>,
    %broadcast_in_dim3A_53 = arith.constant 0.000000e+00 : f32
    %broadcast_in_dim3A_54 = vector.broadcast %broadcast_in_dim3A_53 : f32 to vector<16xf32>
    %swap3A_55 = arith.constant 64 : index
    %swap3A_56 = tpu.vector_load %arg6[%swap3A_55] {strides = array<i32>} : memref<128xf32, #tpu.memory_space<vmem>>, vector<16xf32>,
    %swap3A_57 = vector.shape_cast %swap3A_56 : vector<16xf32> to vector<16xf32>
    %swap3A_58 = vector.shape_cast %broadcast_in_dim3A_54 : vector<16xf32> to vector<16xf32>
    tpu.vector_store %arg6[%swap3A_55], %swap3A_58 {strides = array<i32>} : memref<128xf32, #tpu.memory_space<vmem>>, vector<16xf32>,
    %broadcast_in_dim3A_59 = arith.constant 1.000000e+00 : f32
    %broadcast_in_dim3A_60 = vector.broadcast %broadcast_in_dim3A_59 : f32 to vector<16xf32>
    %swap3A_61 = arith.constant 80 : index
    %swap3A_62 = tpu.vector_load %arg5[%swap3A_61] {strides = array<i32>} : memref<128xf32, #tpu.memory_space<vmem>>, vector<16xf32>,
    %swap3A_63 = vector.shape_cast %swap3A_62 : vector<16xf32> to vector<16xf32>
    %swap3A_64 = vector.shape_cast %broadcast_in_dim3A_60 : vector<16xf32> to vector<16xf32>
    tpu.vector_store %arg5[%swap3A_61], %swap3A_64 {strides = array<i32>} : memref<128xf32, #tpu.memory_space<vmem>>, vector<16xf32>,
    %broadcast_in_dim3A_65 = arith.constant 0.000000e+00 : f32
    %broadcast_in_dim3A_66 = vector.broadcast %broadcast_in_dim3A_65 : f32 to vector<16xf32>
    %swap3A_67 = arith.constant 80 : index
    %swap3A_68 = tpu.vector_load %arg6[%swap3A_67] {strides = array<i32>} : memref<128xf32, #tpu.memory_space<vmem>>, vector<16xf32>,
    %swap3A_69 = vector.shape_cast %swap3A_68 : vector<16xf32> to vector<16xf32>
    %swap3A_70 = vector.shape_cast %broadcast_in_dim3A_66 : vector<16xf32> to vector<16xf32>
    tpu.vector_store %arg6[%swap3A_67], %swap3A_70 {strides = array<i32>} : memref<128xf32, #tpu.memory_space<vmem>>, vector<16xf32>,
    %broadcast_in_dim3A_71 = arith.constant 1.000000e+00 : f32
    %broadcast_in_dim3A_72 = vector.broadcast %broadcast_in_dim3A_71 : f32 to vector<16xf32>
    %swap3A_73 = arith.constant 96 : index
    %swap3A_74 = tpu.vector_load %arg5[%swap3A_73] {strides = array<i32>} : memref<128xf32, #tpu.memory_space<vmem>>, vector<16xf32>,
    %swap3A_75 = vector.shape_cast %swap3A_74 : vector<16xf32> to vector<16xf32>
    %swap3A_76 = vector.shape_cast %broadcast_in_dim3A_72 : vector<16xf32> to vector<16xf32>
    tpu.vector_store %arg5[%swap3A_73], %swap3A_76 {strides = array<i32>} : memref<128xf32, #tpu.memory_space<vmem>>, vector<16xf32>,
    %broadcast_in_dim3A_77 = arith.constant 0.000000e+00 : f32
    %broadcast_in_dim3A_78 = vector.broadcast %broadcast_in_dim3A_77 : f32 to vector<16xf32>
    %swap3A_79 = arith.constant 96 : index
    %swap3A_80 = tpu.vector_load %arg6[%swap3A_79] {strides = array<i32>} : memref<128xf32, #tpu.memory_space<vmem>>, vector<16xf32>,
    %swap3A_81 = vector.shape_cast %swap3A_80 : vector<16xf32> to vector<16xf32>
    %swap3A_82 = vector.shape_cast %broadcast_in_dim3A_78 : vector<16xf32> to vector<16xf32>
    tpu.vector_store %arg6[%swap3A_79], %swap3A_82 {strides = array<i32>} : memref<128xf32, #tpu.memory_space<vmem>>, vector<16xf32>,
    %broadcast_in_dim3A_83 = arith.constant 1.000000e+00 : f32
    %broadcast_in_dim3A_84 = vector.broadcast %broadcast_in_dim3A_83 : f32 to vector<16xf32>
    %swap3A_85 = arith.constant 112 : index
    %swap3A_86 = tpu.vector_load %arg5[%swap3A_85] {strides = array<i32>} : memref<128xf32, #tpu.memory_space<vmem>>, vector<16xf32>,
    %swap3A_87 = vector.shape_cast %swap3A_86 : vector<16xf32> to vector<16xf32>
    %swap3A_88 = vector.shape_cast %broadcast_in_dim3A_84 : vector<16xf32> to vector<16xf32>
    tpu.vector_store %arg5[%swap3A_85], %swap3A_88 {strides = array<i32>} : memref<128xf32, #tpu.memory_space<vmem>>, vector<16xf32>,
    %broadcast_in_dim3A_89 = arith.constant 0.000000e+00 : f32
    %broadcast_in_dim3A_90 = vector.broadcast %broadcast_in_dim3A_89 : f32 to vector<16xf32>
    %swap3A_91 = arith.constant 112 : index
    %swap3A_92 = tpu.vector_load %arg6[%swap3A_91] {strides = array<i32>} : memref<128xf32, #tpu.memory_space<vmem>>, vector<16xf32>,
    %swap3A_93 = vector.shape_cast %swap3A_92 : vector<16xf32> to vector<16xf32>
    %swap3A_94 = vector.shape_cast %broadcast_in_dim3A_90 : vector<16xf32> to vector<16xf32>
    tpu.vector_store %arg6[%swap3A_91], %swap3A_94 {strides = array<i32>} : memref<128xf32, #tpu.memory_space<vmem>>, vector<16xf32>,
    %mul3A_95 = arith.constant 80 : i32
    %mul3A_96 = arith.muli %add3A, %mul3A_95 : i32
    "tpu.region"() ({
      %run_scoped3A = tpu.sem_alloc : memref<!tpu.dma_semaphore, #tpu.memory_space<semaphore_mem>>
      %dma_start3A = arith.constant 0 : i32
      %dma_start3A_143 = tpu.memref_slice %arg2[%mul3A_96, %dma_start3A] : memref<2560x128xi32, #tpu.memory_space<hbm>> -> memref<80x128xi32, #tpu.memory_space<hbm>>
      %dma_start3A_144 = arith.constant 0 : i32
      %dma_start3A_145 = tpu.memref_slice %arg2[%mul3A_96, %dma_start3A_144] : memref<2560x128xi32, #tpu.memory_space<hbm>> -> memref<80x128xi32, #tpu.memory_space<hbm>>
      tpu.enqueue_dma source(%dma_start3A_145 : memref<80x128xi32, #tpu.memory_space<hbm>>) target(%arg4 : memref<80x128xi32, #tpu.memory_space<vmem>>) target_semaphore(%run_scoped3A : memref<!tpu.dma_semaphore, #tpu.memory_space<semaphore_mem>>)
      %dma_wait3A = arith.constant 0 : i32
      %dma_wait3A_146 = tpu.memref_slice %arg2[%mul3A_96, %dma_wait3A] : memref<2560x128xi32, #tpu.memory_space<hbm>> -> memref<80x128xi32, #tpu.memory_space<hbm>>
      %dma_wait3A_147 = arith.constant 0 : i32
      %dma_wait3A_148 = tpu.memref_slice %arg2[%mul3A_96, %dma_wait3A_147] : memref<2560x128xi32, #tpu.memory_space<hbm>> -> memref<80x128xi32, #tpu.memory_space<hbm>>
      tpu.wait_dma2 semaphore(%run_scoped3A : memref<!tpu.dma_semaphore, #tpu.memory_space<semaphore_mem>>) src(%dma_wait3A_148 : memref<80x128xi32, #tpu.memory_space<hbm>>) dst(%arg4 : memref<80x128xi32, #tpu.memory_space<vmem>>)
      tpu.yield
    }) : () -> ()
    %mul3A_97 = arith.constant 640 : i32
    %mul3A_98 = arith.muli %arg1, %mul3A_97 : i32
    %add3A_99 = arith.constant 0 : i32
    %add3A_100 = arith.addi %mul3A_98, %add3A_99 : i32
    "tpu.region"() ({
      %run_scoped3A = tpu.sem_alloc : memref<!tpu.dma_semaphore, #tpu.memory_space<semaphore_mem>>
      %dma_start3A = tpu.memref_slice %arg7[%add3A_100] : memref<10240xf32, #tpu.memory_space<vmem_shared>> -> memref<128xf32, #tpu.memory_space<vmem_shared>>
      %dma_start3A_143 = tpu.memref_slice %arg7[%add3A_100] : memref<10240xf32, #tpu.memory_space<vmem_shared>> -> memref<128xf32, #tpu.memory_space<vmem_shared>>
      tpu.enqueue_dma source(%arg6 : memref<128xf32, #tpu.memory_space<vmem>>) target(%dma_start3A_143 : memref<128xf32, #tpu.memory_space<vmem_shared>>) target_semaphore(%run_scoped3A : memref<!tpu.dma_semaphore, #tpu.memory_space<semaphore_mem>>)
      %dma_wait3A = tpu.memref_slice %arg7[%add3A_100] : memref<10240xf32, #tpu.memory_space<vmem_shared>> -> memref<128xf32, #tpu.memory_space<vmem_shared>>
      %dma_wait3A_144 = tpu.memref_slice %arg7[%add3A_100] : memref<10240xf32, #tpu.memory_space<vmem_shared>> -> memref<128xf32, #tpu.memory_space<vmem_shared>>
      tpu.wait_dma2 semaphore(%run_scoped3A : memref<!tpu.dma_semaphore, #tpu.memory_space<semaphore_mem>>) src(%arg6 : memref<128xf32, #tpu.memory_space<vmem>>) dst(%dma_wait3A_144 : memref<128xf32, #tpu.memory_space<vmem_shared>>)
      tpu.yield
    }) : () -> ()
    %mul3A_101 = arith.constant 640 : i32
    %mul3A_102 = arith.muli %arg1, %mul3A_101 : i32
    %add3A_103 = arith.constant 128 : i32
    %add3A_104 = arith.addi %mul3A_102, %add3A_103 : i32
    "tpu.region"() ({
      %run_scoped3A = tpu.sem_alloc : memref<!tpu.dma_semaphore, #tpu.memory_space<semaphore_mem>>
      %dma_start3A = tpu.memref_slice %arg7[%add3A_104] : memref<10240xf32, #tpu.memory_space<vmem_shared>> -> memref<128xf32, #tpu.memory_space<vmem_shared>>
      %dma_start3A_143 = tpu.memref_slice %arg7[%add3A_104] : memref<10240xf32, #tpu.memory_space<vmem_shared>> -> memref<128xf32, #tpu.memory_space<vmem_shared>>
      tpu.enqueue_dma source(%arg6 : memref<128xf32, #tpu.memory_space<vmem>>) target(%dma_start3A_143 : memref<128xf32, #tpu.memory_space<vmem_shared>>) target_semaphore(%run_scoped3A : memref<!tpu.dma_semaphore, #tpu.memory_space<semaphore_mem>>)
      %dma_wait3A = tpu.memref_slice %arg7[%add3A_104] : memref<10240xf32, #tpu.memory_space<vmem_shared>> -> memref<128xf32, #tpu.memory_space<vmem_shared>>
      %dma_wait3A_144 = tpu.memref_slice %arg7[%add3A_104] : memref<10240xf32, #tpu.memory_space<vmem_shared>> -> memref<128xf32, #tpu.memory_space<vmem_shared>>
      tpu.wait_dma2 semaphore(%run_scoped3A : memref<!tpu.dma_semaphore, #tpu.memory_space<semaphore_mem>>) src(%arg6 : memref<128xf32, #tpu.memory_space<vmem>>) dst(%dma_wait3A_144 : memref<128xf32, #tpu.memory_space<vmem_shared>>)
      tpu.yield
    }) : () -> ()
    %mul3A_105 = arith.constant 640 : i32
    %mul3A_106 = arith.muli %arg1, %mul3A_105 : i32
    %add3A_107 = arith.constant 256 : i32
    %add3A_108 = arith.addi %mul3A_106, %add3A_107 : i32
    "tpu.region"() ({
      %run_scoped3A = tpu.sem_alloc : memref<!tpu.dma_semaphore, #tpu.memory_space<semaphore_mem>>
      %dma_start3A = tpu.memref_slice %arg7[%add3A_108] : memref<10240xf32, #tpu.memory_space<vmem_shared>> -> memref<128xf32, #tpu.memory_space<vmem_shared>>
      %dma_start3A_143 = tpu.memref_slice %arg7[%add3A_108] : memref<10240xf32, #tpu.memory_space<vmem_shared>> -> memref<128xf32, #tpu.memory_space<vmem_shared>>
      tpu.enqueue_dma source(%arg6 : memref<128xf32, #tpu.memory_space<vmem>>) target(%dma_start3A_143 : memref<128xf32, #tpu.memory_space<vmem_shared>>) target_semaphore(%run_scoped3A : memref<!tpu.dma_semaphore, #tpu.memory_space<semaphore_mem>>)
      %dma_wait3A = tpu.memref_slice %arg7[%add3A_108] : memref<10240xf32, #tpu.memory_space<vmem_shared>> -> memref<128xf32, #tpu.memory_space<vmem_shared>>
      %dma_wait3A_144 = tpu.memref_slice %arg7[%add3A_108] : memref<10240xf32, #tpu.memory_space<vmem_shared>> -> memref<128xf32, #tpu.memory_space<vmem_shared>>
      tpu.wait_dma2 semaphore(%run_scoped3A : memref<!tpu.dma_semaphore, #tpu.memory_space<semaphore_mem>>) src(%arg6 : memref<128xf32, #tpu.memory_space<vmem>>) dst(%dma_wait3A_144 : memref<128xf32, #tpu.memory_space<vmem_shared>>)
      tpu.yield
    }) : () -> ()
    %mul3A_109 = arith.constant 640 : i32
    %mul3A_110 = arith.muli %arg1, %mul3A_109 : i32
    %add3A_111 = arith.constant 384 : i32
    %add3A_112 = arith.addi %mul3A_110, %add3A_111 : i32
    "tpu.region"() ({
      %run_scoped3A = tpu.sem_alloc : memref<!tpu.dma_semaphore, #tpu.memory_space<semaphore_mem>>
      %dma_start3A = tpu.memref_slice %arg7[%add3A_112] : memref<10240xf32, #tpu.memory_space<vmem_shared>> -> memref<128xf32, #tpu.memory_space<vmem_shared>>
      %dma_start3A_143 = tpu.memref_slice %arg7[%add3A_112] : memref<10240xf32, #tpu.memory_space<vmem_shared>> -> memref<128xf32, #tpu.memory_space<vmem_shared>>
      tpu.enqueue_dma source(%arg6 : memref<128xf32, #tpu.memory_space<vmem>>) target(%dma_start3A_143 : memref<128xf32, #tpu.memory_space<vmem_shared>>) target_semaphore(%run_scoped3A : memref<!tpu.dma_semaphore, #tpu.memory_space<semaphore_mem>>)
      %dma_wait3A = tpu.memref_slice %arg7[%add3A_112] : memref<10240xf32, #tpu.memory_space<vmem_shared>> -> memref<128xf32, #tpu.memory_space<vmem_shared>>
      %dma_wait3A_144 = tpu.memref_slice %arg7[%add3A_112] : memref<10240xf32, #tpu.memory_space<vmem_shared>> -> memref<128xf32, #tpu.memory_space<vmem_shared>>
      tpu.wait_dma2 semaphore(%run_scoped3A : memref<!tpu.dma_semaphore, #tpu.memory_space<semaphore_mem>>) src(%arg6 : memref<128xf32, #tpu.memory_space<vmem>>) dst(%dma_wait3A_144 : memref<128xf32, #tpu.memory_space<vmem_shared>>)
      tpu.yield
    }) : () -> ()
    %mul3A_113 = arith.constant 640 : i32
    %mul3A_114 = arith.muli %arg1, %mul3A_113 : i32
    %add3A_115 = arith.constant 512 : i32
    %add3A_116 = arith.addi %mul3A_114, %add3A_115 : i32
    "tpu.region"() ({
      %run_scoped3A = tpu.sem_alloc : memref<!tpu.dma_semaphore, #tpu.memory_space<semaphore_mem>>
      %dma_start3A = tpu.memref_slice %arg7[%add3A_116] : memref<10240xf32, #tpu.memory_space<vmem_shared>> -> memref<128xf32, #tpu.memory_space<vmem_shared>>
      %dma_start3A_143 = tpu.memref_slice %arg7[%add3A_116] : memref<10240xf32, #tpu.memory_space<vmem_shared>> -> memref<128xf32, #tpu.memory_space<vmem_shared>>
      tpu.enqueue_dma source(%arg6 : memref<128xf32, #tpu.memory_space<vmem>>) target(%dma_start3A_143 : memref<128xf32, #tpu.memory_space<vmem_shared>>) target_semaphore(%run_scoped3A : memref<!tpu.dma_semaphore, #tpu.memory_space<semaphore_mem>>)
      %dma_wait3A = tpu.memref_slice %arg7[%add3A_116] : memref<10240xf32, #tpu.memory_space<vmem_shared>> -> memref<128xf32, #tpu.memory_space<vmem_shared>>
      %dma_wait3A_144 = tpu.memref_slice %arg7[%add3A_116] : memref<10240xf32, #tpu.memory_space<vmem_shared>> -> memref<128xf32, #tpu.memory_space<vmem_shared>>
      tpu.wait_dma2 semaphore(%run_scoped3A : memref<!tpu.dma_semaphore, #tpu.memory_space<semaphore_mem>>) src(%arg6 : memref<128xf32, #tpu.memory_space<vmem>>) dst(%dma_wait3A_144 : memref<128xf32, #tpu.memory_space<vmem_shared>>)
      tpu.yield
    }) : () -> ()
    %barrier3A = arith.constant 0 : index
    tpu.barrier barrier_id(%barrier3A)
    %scan3A = arith.constant 0 : i32
    %scan3A_117 = arith.constant 0 : i32
    %scan3A_118 = arith.constant 5 : i32
    %scan3A_119 = arith.addi %scan3A_117, %scan3A_118 : i32
    %scan3A_120 = arith.constant 1 : i32
    scf.for %scan3A_143 = %scan3A_117 to %scan3A_119 step %scan3A_120  : i32 {
      %scan3A_144 = arith.constant 0 : i32
      %scan3A_145 = arith.constant 0 : i32
      %scan3A_146 = arith.constant 16 : i32
      %scan3A_147 = arith.addi %scan3A_145, %scan3A_146 : i32
      %scan3A_148 = arith.constant 1 : i32
      scf.for %scan3A_156 = %scan3A_145 to %scan3A_147 step %scan3A_148  : i32 {
        %mul3A_157 = arith.constant 16 : i32
        %mul3A_158 = arith.muli %scan3A_143, %mul3A_157 : i32
        %add3A_159 = arith.addi %mul3A_158, %scan3A_156 : i32
        %dma_start3A = arith.constant 0 : i32
        %dma_start3A_160 = tpu.memref_slice %arg4[%add3A_159, %dma_start3A] : memref<80x128xi32, #tpu.memory_space<vmem>> -> memref<1x128xi32, #tpu.memory_space<vmem>>
        %dma_start3A_161 = tpu.memref_squeeze %dma_start3A_160 : memref<1x128xi32, #tpu.memory_space<vmem>> -> memref<128xi32, #tpu.memory_space<vmem>>
        %dma_start3A_162 = arith.constant 0 : i32
        %dma_start3A_163 = tpu.memref_slice %arg7[%dma_start3A_162] : memref<10240xf32, #tpu.memory_space<vmem_shared>> -> memref<10240xf32, #tpu.memory_space<vmem_shared>>
        tpu.enqueue_indirect_dma source(%arg5 : memref<128xf32, #tpu.memory_space<vmem>>) target(%dma_start3A_163 : memref<10240xf32, #tpu.memory_space<vmem_shared>>) offsets(%dma_start3A_161 : memref<128xi32, #tpu.memory_space<vmem>>) semaphore(%arg8 : memref<!tpu.dma_semaphore, #tpu.memory_space<semaphore_mem>>) {add = true}
      }
      %scan3A_149 = arith.constant 16 : i32
      %scan3A_150 = arith.constant 0 : i32
      %scan3A_151 = arith.constant 0 : i32
      %scan3A_152 = arith.constant 16 : i32
      %scan3A_153 = arith.addi %scan3A_151, %scan3A_152 : i32
      %scan3A_154 = arith.constant 1 : i32
      scf.for %scan3A_156 = %scan3A_151 to %scan3A_153 step %scan3A_154  : i32 {
        %mul3A_157 = arith.constant 16 : i32
        %mul3A_158 = arith.muli %scan3A_143, %mul3A_157 : i32
        %add3A_159 = arith.addi %mul3A_158, %scan3A_156 : i32
        %dma_wait3A = arith.constant 0 : i32
        %dma_wait3A_160 = tpu.memref_slice %arg4[%add3A_159, %dma_wait3A] : memref<80x128xi32, #tpu.memory_space<vmem>> -> memref<1x128xi32, #tpu.memory_space<vmem>>
        %dma_wait3A_161 = tpu.memref_squeeze %dma_wait3A_160 : memref<1x128xi32, #tpu.memory_space<vmem>> -> memref<128xi32, #tpu.memory_space<vmem>>
        %dma_wait3A_162 = arith.constant 0 : i32
        %dma_wait3A_163 = tpu.memref_slice %arg7[%dma_wait3A_162] : memref<10240xf32, #tpu.memory_space<vmem_shared>> -> memref<10240xf32, #tpu.memory_space<vmem_shared>>
        tpu.wait_indirect_dma semaphore(%arg8 : memref<!tpu.dma_semaphore, #tpu.memory_space<semaphore_mem>>) src(%arg5 : memref<128xf32, #tpu.memory_space<vmem>>) dst(%dma_wait3A_163 : memref<10240xf32, #tpu.memory_space<vmem_shared>>)
      }
      %scan3A_155 = arith.constant 16 : i32
    }
    %scan3A_121 = arith.constant 5 : i32
    %barrier3A_122 = arith.constant 0 : index
    tpu.barrier barrier_id(%barrier3A_122)
    %mul3A_123 = arith.constant 640 : i32
    %mul3A_124 = arith.muli %arg1, %mul3A_123 : i32
    %add3A_125 = arith.constant 0 : i32
    %add3A_126 = arith.addi %mul3A_124, %add3A_125 : i32
    "tpu.region"() ({
      %run_scoped3A = tpu.sem_alloc : memref<!tpu.dma_semaphore, #tpu.memory_space<semaphore_mem>>
      %dma_start3A = tpu.memref_slice %arg3[%arg0, %add3A_126] : memref<2x10240xf32, #tpu.memory_space<hbm>> -> memref<1x128xf32, #tpu.memory_space<hbm>>
      %dma_start3A_143 = tpu.memref_squeeze %dma_start3A : memref<1x128xf32, #tpu.memory_space<hbm>> -> memref<128xf32, #tpu.memory_space<hbm>>
      %dma_start3A_144 = tpu.memref_slice %arg7[%add3A_126] : memref<10240xf32, #tpu.memory_space<vmem_shared>> -> memref<128xf32, #tpu.memory_space<vmem_shared>>
      tpu.enqueue_dma source(%dma_start3A_144 : memref<128xf32, #tpu.memory_space<vmem_shared>>) target(%dma_start3A_143 : memref<128xf32, #tpu.memory_space<hbm>>) target_semaphore(%run_scoped3A : memref<!tpu.dma_semaphore, #tpu.memory_space<semaphore_mem>>)
      %dma_wait3A = tpu.memref_slice %arg3[%arg0, %add3A_126] : memref<2x10240xf32, #tpu.memory_space<hbm>> -> memref<1x128xf32, #tpu.memory_space<hbm>>
      %dma_wait3A_145 = tpu.memref_squeeze %dma_wait3A : memref<1x128xf32, #tpu.memory_space<hbm>> -> memref<128xf32, #tpu.memory_space<hbm>>
      %dma_wait3A_146 = tpu.memref_slice %arg7[%add3A_126] : memref<10240xf32, #tpu.memory_space<vmem_shared>> -> memref<128xf32, #tpu.memory_space<vmem_shared>>
      tpu.wait_dma2 semaphore(%run_scoped3A : memref<!tpu.dma_semaphore, #tpu.memory_space<semaphore_mem>>) src(%dma_wait3A_146 : memref<128xf32, #tpu.memory_space<vmem_shared>>) dst(%dma_wait3A_145 : memref<128xf32, #tpu.memory_space<hbm>>)
      tpu.yield
    }) : () -> ()
    %mul3A_127 = arith.constant 640 : i32
    %mul3A_128 = arith.muli %arg1, %mul3A_127 : i32
    %add3A_129 = arith.constant 128 : i32
    %add3A_130 = arith.addi %mul3A_128, %add3A_129 : i32
    "tpu.region"() ({
      %run_scoped3A = tpu.sem_alloc : memref<!tpu.dma_semaphore, #tpu.memory_space<semaphore_mem>>
      %dma_start3A = tpu.memref_slice %arg3[%arg0, %add3A_130] : memref<2x10240xf32, #tpu.memory_space<hbm>> -> memref<1x128xf32, #tpu.memory_space<hbm>>
      %dma_start3A_143 = tpu.memref_squeeze %dma_start3A : memref<1x128xf32, #tpu.memory_space<hbm>> -> memref<128xf32, #tpu.memory_space<hbm>>
      %dma_start3A_144 = tpu.memref_slice %arg7[%add3A_130] : memref<10240xf32, #tpu.memory_space<vmem_shared>> -> memref<128xf32, #tpu.memory_space<vmem_shared>>
      tpu.enqueue_dma source(%dma_start3A_144 : memref<128xf32, #tpu.memory_space<vmem_shared>>) target(%dma_start3A_143 : memref<128xf32, #tpu.memory_space<hbm>>) target_semaphore(%run_scoped3A : memref<!tpu.dma_semaphore, #tpu.memory_space<semaphore_mem>>)
      %dma_wait3A = tpu.memref_slice %arg3[%arg0, %add3A_130] : memref<2x10240xf32, #tpu.memory_space<hbm>> -> memref<1x128xf32, #tpu.memory_space<hbm>>
      %dma_wait3A_145 = tpu.memref_squeeze %dma_wait3A : memref<1x128xf32, #tpu.memory_space<hbm>> -> memref<128xf32, #tpu.memory_space<hbm>>
      %dma_wait3A_146 = tpu.memref_slice %arg7[%add3A_130] : memref<10240xf32, #tpu.memory_space<vmem_shared>> -> memref<128xf32, #tpu.memory_space<vmem_shared>>
      tpu.wait_dma2 semaphore(%run_scoped3A : memref<!tpu.dma_semaphore, #tpu.memory_space<semaphore_mem>>) src(%dma_wait3A_146 : memref<128xf32, #tpu.memory_space<vmem_shared>>) dst(%dma_wait3A_145 : memref<128xf32, #tpu.memory_space<hbm>>)
      tpu.yield
    }) : () -> ()
    %mul3A_131 = arith.constant 640 : i32
    %mul3A_132 = arith.muli %arg1, %mul3A_131 : i32
    %add3A_133 = arith.constant 256 : i32
    %add3A_134 = arith.addi %mul3A_132, %add3A_133 : i32
    "tpu.region"() ({
      %run_scoped3A = tpu.sem_alloc : memref<!tpu.dma_semaphore, #tpu.memory_space<semaphore_mem>>
      %dma_start3A = tpu.memref_slice %arg3[%arg0, %add3A_134] : memref<2x10240xf32, #tpu.memory_space<hbm>> -> memref<1x128xf32, #tpu.memory_space<hbm>>
      %dma_start3A_143 = tpu.memref_squeeze %dma_start3A : memref<1x128xf32, #tpu.memory_space<hbm>> -> memref<128xf32, #tpu.memory_space<hbm>>
      %dma_start3A_144 = tpu.memref_slice %arg7[%add3A_134] : memref<10240xf32, #tpu.memory_space<vmem_shared>> -> memref<128xf32, #tpu.memory_space<vmem_shared>>
      tpu.enqueue_dma source(%dma_start3A_144 : memref<128xf32, #tpu.memory_space<vmem_shared>>) target(%dma_start3A_143 : memref<128xf32, #tpu.memory_space<hbm>>) target_semaphore(%run_scoped3A : memref<!tpu.dma_semaphore, #tpu.memory_space<semaphore_mem>>)
      %dma_wait3A = tpu.memref_slice %arg3[%arg0, %add3A_134] : memref<2x10240xf32, #tpu.memory_space<hbm>> -> memref<1x128xf32, #tpu.memory_space<hbm>>
      %dma_wait3A_145 = tpu.memref_squeeze %dma_wait3A : memref<1x128xf32, #tpu.memory_space<hbm>> -> memref<128xf32, #tpu.memory_space<hbm>>
      %dma_wait3A_146 = tpu.memref_slice %arg7[%add3A_134] : memref<10240xf32, #tpu.memory_space<vmem_shared>> -> memref<128xf32, #tpu.memory_space<vmem_shared>>
      tpu.wait_dma2 semaphore(%run_scoped3A : memref<!tpu.dma_semaphore, #tpu.memory_space<semaphore_mem>>) src(%dma_wait3A_146 : memref<128xf32, #tpu.memory_space<vmem_shared>>) dst(%dma_wait3A_145 : memref<128xf32, #tpu.memory_space<hbm>>)
      tpu.yield
    }) : () -> ()
    %mul3A_135 = arith.constant 640 : i32
    %mul3A_136 = arith.muli %arg1, %mul3A_135 : i32
    %add3A_137 = arith.constant 384 : i32
    %add3A_138 = arith.addi %mul3A_136, %add3A_137 : i32
    "tpu.region"() ({
      %run_scoped3A = tpu.sem_alloc : memref<!tpu.dma_semaphore, #tpu.memory_space<semaphore_mem>>
      %dma_start3A = tpu.memref_slice %arg3[%arg0, %add3A_138] : memref<2x10240xf32, #tpu.memory_space<hbm>> -> memref<1x128xf32, #tpu.memory_space<hbm>>
      %dma_start3A_143 = tpu.memref_squeeze %dma_start3A : memref<1x128xf32, #tpu.memory_space<hbm>> -> memref<128xf32, #tpu.memory_space<hbm>>
      %dma_start3A_144 = tpu.memref_slice %arg7[%add3A_138] : memref<10240xf32, #tpu.memory_space<vmem_shared>> -> memref<128xf32, #tpu.memory_space<vmem_shared>>
      tpu.enqueue_dma source(%dma_start3A_144 : memref<128xf32, #tpu.memory_space<vmem_shared>>) target(%dma_start3A_143 : memref<128xf32, #tpu.memory_space<hbm>>) target_semaphore(%run_scoped3A : memref<!tpu.dma_semaphore, #tpu.memory_space<semaphore_mem>>)
      %dma_wait3A = tpu.memref_slice %arg3[%arg0, %add3A_138] : memref<2x10240xf32, #tpu.memory_space<hbm>> -> memref<1x128xf32, #tpu.memory_space<hbm>>
      %dma_wait3A_145 = tpu.memref_squeeze %dma_wait3A : memref<1x128xf32, #tpu.memory_space<hbm>> -> memref<128xf32, #tpu.memory_space<hbm>>
      %dma_wait3A_146 = tpu.memref_slice %arg7[%add3A_138] : memref<10240xf32, #tpu.memory_space<vmem_shared>> -> memref<128xf32, #tpu.memory_space<vmem_shared>>
      tpu.wait_dma2 semaphore(%run_scoped3A : memref<!tpu.dma_semaphore, #tpu.memory_space<semaphore_mem>>) src(%dma_wait3A_146 : memref<128xf32, #tpu.memory_space<vmem_shared>>) dst(%dma_wait3A_145 : memref<128xf32, #tpu.memory_space<hbm>>)
      tpu.yield
    }) : () -> ()
    %mul3A_139 = arith.constant 640 : i32
    %mul3A_140 = arith.muli %arg1, %mul3A_139 : i32
    %add3A_141 = arith.constant 512 : i32
    %add3A_142 = arith.addi %mul3A_140, %add3A_141 : i32
    "tpu.region"() ({
      %run_scoped3A = tpu.sem_alloc : memref<!tpu.dma_semaphore, #tpu.memory_space<semaphore_mem>>
      %dma_start3A = tpu.memref_slice %arg3[%arg0, %add3A_142] : memref<2x10240xf32, #tpu.memory_space<hbm>> -> memref<1x128xf32, #tpu.memory_space<hbm>>
      %dma_start3A_143 = tpu.memref_squeeze %dma_start3A : memref<1x128xf32, #tpu.memory_space<hbm>> -> memref<128xf32, #tpu.memory_space<hbm>>
      %dma_start3A_144 = tpu.memref_slice %arg7[%add3A_142] : memref<10240xf32, #tpu.memory_space<vmem_shared>> -> memref<128xf32, #tpu.memory_space<vmem_shared>>
      tpu.enqueue_dma source(%dma_start3A_144 : memref<128xf32, #tpu.memory_space<vmem_shared>>) target(%dma_start3A_143 : memref<128xf32, #tpu.memory_space<hbm>>) target_semaphore(%run_scoped3A : memref<!tpu.dma_semaphore, #tpu.memory_space<semaphore_mem>>)
      %dma_wait3A = tpu.memref_slice %arg3[%arg0, %add3A_142] : memref<2x10240xf32, #tpu.memory_space<hbm>> -> memref<1x128xf32, #tpu.memory_space<hbm>>
      %dma_wait3A_145 = tpu.memref_squeeze %dma_wait3A : memref<1x128xf32, #tpu.memory_space<hbm>> -> memref<128xf32, #tpu.memory_space<hbm>>
      %dma_wait3A_146 = tpu.memref_slice %arg7[%add3A_142] : memref<10240xf32, #tpu.memory_space<vmem_shared>> -> memref<128xf32, #tpu.memory_space<vmem_shared>>
      tpu.wait_dma2 semaphore(%run_scoped3A : memref<!tpu.dma_semaphore, #tpu.memory_space<semaphore_mem>>) src(%dma_wait3A_146 : memref<128xf32, #tpu.memory_space<vmem_shared>>) dst(%dma_wait3A_145 : memref<128xf32, #tpu.memory_space<hbm>>)
      tpu.yield
    }) : () -> ()
    return
  }
}

#map = affine_map<(d0, d1) -> (0, 0)>
#map1 = affine_map<(d0, d1) -> (0)>
#map2 = affine_map<(d0, d1) -> (0, 0, 0)>
module attributes {stable_mosaic.version = 14 : i64} {
  func.func @_agg_kernel(%arg0: i32, %arg1: i32, %arg2: memref<10240x128xf32, #tpu.memory_space<hbm>>, %arg3: memref<2560x128xi32, #tpu.memory_space<hbm>>, %arg4: memref<2560x128xi32, #tpu.memory_space<hbm>>, %arg5: memref<10240xf32, #tpu.memory_space<hbm>>, %arg6: memref<2x10240x128xf32, #tpu.memory_space<hbm>>, %arg7: memref<2x10240xf32, #tpu.memory_space<hbm>>, %arg8: memref<16x128xi32, #tpu.memory_space<vmem>>, %arg9: memref<16x128xi32, #tpu.memory_space<vmem>>, %arg10: memref<128x128xf32, #tpu.memory_space<vmem>>, %arg11: memref<128x128xf32, #tpu.memory_space<vmem>>, %arg12: memref<128xf32, #tpu.memory_space<vmem>>, %arg13: memref<10240x128xf32, #tpu.memory_space<vmem_shared>>, %arg14: memref<10240xf32, #tpu.memory_space<vmem_shared>>, %arg15: memref<10240xf32, #tpu.memory_space<vmem_shared>>, %arg16: memref<!tpu.dma_semaphore, #tpu.memory_space<semaphore_mem>>, %arg17: memref<!tpu.dma_semaphore, #tpu.memory_space<semaphore_mem>>) attributes {dimension_semantics = [#tpu.dimension_semantics<core_parallel>, #tpu.dimension_semantics<subcore_parallel>], iteration_bounds = array<i64: 2, 16>, scalar_prefetch = 0 : i64, scratch_operands = 10 : i64, tpu.core_type = #tpu.core_type<sc_vector_subcore>, window_params = [{transform_indices = #map}, {transform_indices = #map}, {transform_indices = #map}, {transform_indices = #map1}, {transform_indices = #map2}, {transform_indices = #map}]} {
    %mul3A = arith.constant 16 : i32
    %mul3A_0 = arith.muli %arg0, %mul3A : i32
    %add3A = arith.addi %mul3A_0, %arg1 : i32
    %scan3A = arith.constant 0 : i32
    %scan3A_1 = arith.constant 0 : i32
    %scan3A_2 = arith.constant 1024 : i32
    %scan3A_3 = arith.addi %scan3A_1, %scan3A_2 : i32
    %scan3A_4 = arith.constant 1 : i32
    scf.for %scan3A_99 = %scan3A_1 to %scan3A_3 step %scan3A_4  : i32 {
      %jit3A = arith.constant 8 : i32
      %div3A = arith.divsi %scan3A_99, %jit3A : i32
      %sign3A = arith.constant 0 : i32
      %sign3A_100 = arith.cmpi sgt, %scan3A_99, %sign3A : i32
      %sign3A_101 = arith.extui %sign3A_100 : i1 to i32
      %sign3A_102 = arith.constant 0 : i32
      %sign3A_103 = arith.cmpi slt, %scan3A_99, %sign3A_102 : i32
      %sign3A_104 = arith.extui %sign3A_103 : i1 to i32
      %sign3A_105 = arith.subi %sign3A_101, %sign3A_104 : i32
      %sign3A_106 = arith.constant 0 : i32
      %sign3A_107 = arith.cmpi sgt, %jit3A, %sign3A_106 : i32
      %sign3A_108 = arith.extui %sign3A_107 : i1 to i32
      %sign3A_109 = arith.constant 0 : i32
      %sign3A_110 = arith.cmpi slt, %jit3A, %sign3A_109 : i32
      %sign3A_111 = arith.extui %sign3A_110 : i1 to i32
      %sign3A_112 = arith.subi %sign3A_108, %sign3A_111 : i32
      %ne3A = arith.cmpi ne, %sign3A_105, %sign3A_112 : i32
      %rem3A = arith.remsi %scan3A_99, %jit3A : i32
      %ne3A_113 = arith.constant 0 : i32
      %ne3A_114 = arith.cmpi ne, %rem3A, %ne3A_113 : i32
      %and3A = arith.andi %ne3A, %ne3A_114 : i1
      %sub3A = arith.constant 1 : i32
      %sub3A_115 = arith.subi %div3A, %sub3A : i32
      %select_n3A = arith.select %and3A, %sub3A_115, %div3A : i32
      %jit3A_116 = arith.constant 8 : i32
      %eq3A = arith.constant 0 : i32
      %eq3A_117 = arith.cmpi eq, %jit3A_116, %eq3A : i32
      %jit3A_118 = arith.constant 1 : i32
      %select_n3A_119 = arith.select %eq3A_117, %jit3A_118, %jit3A_116 : i32
      %rem3A_120 = arith.remsi %scan3A_99, %select_n3A_119 : i32
      %ne3A_121 = arith.constant 0 : i32
      %ne3A_122 = arith.cmpi ne, %rem3A_120, %ne3A_121 : i32
      %lt3A = arith.constant 0 : i32
      %lt3A_123 = arith.cmpi slt, %rem3A_120, %lt3A : i32
      %lt3A_124 = arith.constant 0 : i32
      %lt3A_125 = arith.cmpi slt, %select_n3A_119, %lt3A_124 : i32
      %ne3A_126 = arith.xori %lt3A_123, %lt3A_125 : i1
      %and3A_127 = arith.andi %ne3A_126, %ne3A_122 : i1
      %add3A_128 = arith.addi %rem3A_120, %select_n3A_119 : i32
      %select_n3A_129 = arith.select %and3A_127, %add3A_128, %rem3A_120 : i32
      %mul3A_130 = arith.constant 16 : i32
      %mul3A_131 = arith.muli %select_n3A_129, %mul3A_130 : i32
      %broadcast_in_dim3A_132 = arith.constant 0.000000e+00 : f32
      %broadcast_in_dim3A_133 = vector.broadcast %broadcast_in_dim3A_132 : f32 to vector<16xf32>
      %swap3A_134 = arith.index_cast %select_n3A : i32 to index
      %swap3A_135 = arith.index_cast %mul3A_131 : i32 to index
      %swap3A_136 = tpu.vector_load %arg10[%swap3A_134, %swap3A_135] {strides = array<i32>} : memref<128x128xf32, #tpu.memory_space<vmem>>, vector<1x16xf32>,
      %swap3A_137 = vector.shape_cast %swap3A_136 : vector<1x16xf32> to vector<16xf32>
      %swap3A_138 = vector.shape_cast %broadcast_in_dim3A_133 : vector<16xf32> to vector<1x16xf32>
      tpu.vector_store %arg10[%swap3A_134, %swap3A_135], %swap3A_138 {strides = array<i32>} : memref<128x128xf32, #tpu.memory_space<vmem>>, vector<1x16xf32>,
    }
    %scan3A_5 = arith.constant 1024 : i32
    %broadcast_in_dim3A = arith.constant 0.000000e+00 : f32
    %broadcast_in_dim3A_6 = vector.broadcast %broadcast_in_dim3A : f32 to vector<16xf32>
    %swap3A = arith.constant 0 : index
    %swap3A_7 = tpu.vector_load %arg12[%swap3A] {strides = array<i32>} : memref<128xf32, #tpu.memory_space<vmem>>, vector<16xf32>,
    %swap3A_8 = vector.shape_cast %swap3A_7 : vector<16xf32> to vector<16xf32>
    %swap3A_9 = vector.shape_cast %broadcast_in_dim3A_6 : vector<16xf32> to vector<16xf32>
    tpu.vector_store %arg12[%swap3A], %swap3A_9 {strides = array<i32>} : memref<128xf32, #tpu.memory_space<vmem>>, vector<16xf32>,
    %broadcast_in_dim3A_10 = arith.constant 0.000000e+00 : f32
    %broadcast_in_dim3A_11 = vector.broadcast %broadcast_in_dim3A_10 : f32 to vector<16xf32>
    %swap3A_12 = arith.constant 16 : index
    %swap3A_13 = tpu.vector_load %arg12[%swap3A_12] {strides = array<i32>} : memref<128xf32, #tpu.memory_space<vmem>>, vector<16xf32>,
    %swap3A_14 = vector.shape_cast %swap3A_13 : vector<16xf32> to vector<16xf32>
    %swap3A_15 = vector.shape_cast %broadcast_in_dim3A_11 : vector<16xf32> to vector<16xf32>
    tpu.vector_store %arg12[%swap3A_12], %swap3A_15 {strides = array<i32>} : memref<128xf32, #tpu.memory_space<vmem>>, vector<16xf32>,
    %broadcast_in_dim3A_16 = arith.constant 0.000000e+00 : f32
    %broadcast_in_dim3A_17 = vector.broadcast %broadcast_in_dim3A_16 : f32 to vector<16xf32>
    %swap3A_18 = arith.constant 32 : index
    %swap3A_19 = tpu.vector_load %arg12[%swap3A_18] {strides = array<i32>} : memref<128xf32, #tpu.memory_space<vmem>>, vector<16xf32>,
    %swap3A_20 = vector.shape_cast %swap3A_19 : vector<16xf32> to vector<16xf32>
    %swap3A_21 = vector.shape_cast %broadcast_in_dim3A_17 : vector<16xf32> to vector<16xf32>
    tpu.vector_store %arg12[%swap3A_18], %swap3A_21 {strides = array<i32>} : memref<128xf32, #tpu.memory_space<vmem>>, vector<16xf32>,
    %broadcast_in_dim3A_22 = arith.constant 0.000000e+00 : f32
    %broadcast_in_dim3A_23 = vector.broadcast %broadcast_in_dim3A_22 : f32 to vector<16xf32>
    %swap3A_24 = arith.constant 48 : index
    %swap3A_25 = tpu.vector_load %arg12[%swap3A_24] {strides = array<i32>} : memref<128xf32, #tpu.memory_space<vmem>>, vector<16xf32>,
    %swap3A_26 = vector.shape_cast %swap3A_25 : vector<16xf32> to vector<16xf32>
    %swap3A_27 = vector.shape_cast %broadcast_in_dim3A_23 : vector<16xf32> to vector<16xf32>
    tpu.vector_store %arg12[%swap3A_24], %swap3A_27 {strides = array<i32>} : memref<128xf32, #tpu.memory_space<vmem>>, vector<16xf32>,
    %broadcast_in_dim3A_28 = arith.constant 0.000000e+00 : f32
    %broadcast_in_dim3A_29 = vector.broadcast %broadcast_in_dim3A_28 : f32 to vector<16xf32>
    %swap3A_30 = arith.constant 64 : index
    %swap3A_31 = tpu.vector_load %arg12[%swap3A_30] {strides = array<i32>} : memref<128xf32, #tpu.memory_space<vmem>>, vector<16xf32>,
    %swap3A_32 = vector.shape_cast %swap3A_31 : vector<16xf32> to vector<16xf32>
    %swap3A_33 = vector.shape_cast %broadcast_in_dim3A_29 : vector<16xf32> to vector<16xf32>
    tpu.vector_store %arg12[%swap3A_30], %swap3A_33 {strides = array<i32>} : memref<128xf32, #tpu.memory_space<vmem>>, vector<16xf32>,
    %broadcast_in_dim3A_34 = arith.constant 0.000000e+00 : f32
    %broadcast_in_dim3A_35 = vector.broadcast %broadcast_in_dim3A_34 : f32 to vector<16xf32>
    %swap3A_36 = arith.constant 80 : index
    %swap3A_37 = tpu.vector_load %arg12[%swap3A_36] {strides = array<i32>} : memref<128xf32, #tpu.memory_space<vmem>>, vector<16xf32>,
    %swap3A_38 = vector.shape_cast %swap3A_37 : vector<16xf32> to vector<16xf32>
    %swap3A_39 = vector.shape_cast %broadcast_in_dim3A_35 : vector<16xf32> to vector<16xf32>
    tpu.vector_store %arg12[%swap3A_36], %swap3A_39 {strides = array<i32>} : memref<128xf32, #tpu.memory_space<vmem>>, vector<16xf32>,
    %broadcast_in_dim3A_40 = arith.constant 0.000000e+00 : f32
    %broadcast_in_dim3A_41 = vector.broadcast %broadcast_in_dim3A_40 : f32 to vector<16xf32>
    %swap3A_42 = arith.constant 96 : index
    %swap3A_43 = tpu.vector_load %arg12[%swap3A_42] {strides = array<i32>} : memref<128xf32, #tpu.memory_space<vmem>>, vector<16xf32>,
    %swap3A_44 = vector.shape_cast %swap3A_43 : vector<16xf32> to vector<16xf32>
    %swap3A_45 = vector.shape_cast %broadcast_in_dim3A_41 : vector<16xf32> to vector<16xf32>
    tpu.vector_store %arg12[%swap3A_42], %swap3A_45 {strides = array<i32>} : memref<128xf32, #tpu.memory_space<vmem>>, vector<16xf32>,
    %broadcast_in_dim3A_46 = arith.constant 0.000000e+00 : f32
    %broadcast_in_dim3A_47 = vector.broadcast %broadcast_in_dim3A_46 : f32 to vector<16xf32>
    %swap3A_48 = arith.constant 112 : index
    %swap3A_49 = tpu.vector_load %arg12[%swap3A_48] {strides = array<i32>} : memref<128xf32, #tpu.memory_space<vmem>>, vector<16xf32>,
    %swap3A_50 = vector.shape_cast %swap3A_49 : vector<16xf32> to vector<16xf32>
    %swap3A_51 = vector.shape_cast %broadcast_in_dim3A_47 : vector<16xf32> to vector<16xf32>
    tpu.vector_store %arg12[%swap3A_48], %swap3A_51 {strides = array<i32>} : memref<128xf32, #tpu.memory_space<vmem>>, vector<16xf32>,
    %mul3A_52 = arith.constant 640 : i32
    %mul3A_53 = arith.muli %arg1, %mul3A_52 : i32
    %add3A_54 = arith.constant 0 : i32
    %add3A_55 = arith.addi %mul3A_53, %add3A_54 : i32
    "tpu.region"() ({
      %run_scoped3A = tpu.sem_alloc : memref<!tpu.dma_semaphore, #tpu.memory_space<semaphore_mem>>
      %dma_start3A = arith.constant 0 : i32
      %dma_start3A_99 = tpu.memref_slice %arg13[%add3A_55, %dma_start3A] : memref<10240x128xf32, #tpu.memory_space<vmem_shared>> -> memref<128x128xf32, #tpu.memory_space<vmem_shared>>
      %dma_start3A_100 = arith.constant 0 : i32
      %dma_start3A_101 = tpu.memref_slice %arg13[%add3A_55, %dma_start3A_100] : memref<10240x128xf32, #tpu.memory_space<vmem_shared>> -> memref<128x128xf32, #tpu.memory_space<vmem_shared>>
      tpu.enqueue_dma source(%arg10 : memref<128x128xf32, #tpu.memory_space<vmem>>) target(%dma_start3A_101 : memref<128x128xf32, #tpu.memory_space<vmem_shared>>) target_semaphore(%run_scoped3A : memref<!tpu.dma_semaphore, #tpu.memory_space<semaphore_mem>>)
      %dma_wait3A = arith.constant 0 : i32
      %dma_wait3A_102 = tpu.memref_slice %arg13[%add3A_55, %dma_wait3A] : memref<10240x128xf32, #tpu.memory_space<vmem_shared>> -> memref<128x128xf32, #tpu.memory_space<vmem_shared>>
      %dma_wait3A_103 = arith.constant 0 : i32
      %dma_wait3A_104 = tpu.memref_slice %arg13[%add3A_55, %dma_wait3A_103] : memref<10240x128xf32, #tpu.memory_space<vmem_shared>> -> memref<128x128xf32, #tpu.memory_space<vmem_shared>>
      tpu.wait_dma2 semaphore(%run_scoped3A : memref<!tpu.dma_semaphore, #tpu.memory_space<semaphore_mem>>) src(%arg10 : memref<128x128xf32, #tpu.memory_space<vmem>>) dst(%dma_wait3A_104 : memref<128x128xf32, #tpu.memory_space<vmem_shared>>)
      tpu.yield
    }) : () -> ()
    "tpu.region"() ({
      %run_scoped3A = tpu.sem_alloc : memref<!tpu.dma_semaphore, #tpu.memory_space<semaphore_mem>>
      %dma_start3A = tpu.memref_slice %arg14[%add3A_55] : memref<10240xf32, #tpu.memory_space<vmem_shared>> -> memref<128xf32, #tpu.memory_space<vmem_shared>>
      %dma_start3A_99 = tpu.memref_slice %arg14[%add3A_55] : memref<10240xf32, #tpu.memory_space<vmem_shared>> -> memref<128xf32, #tpu.memory_space<vmem_shared>>
      tpu.enqueue_dma source(%arg12 : memref<128xf32, #tpu.memory_space<vmem>>) target(%dma_start3A_99 : memref<128xf32, #tpu.memory_space<vmem_shared>>) target_semaphore(%run_scoped3A : memref<!tpu.dma_semaphore, #tpu.memory_space<semaphore_mem>>)
      %dma_wait3A = tpu.memref_slice %arg14[%add3A_55] : memref<10240xf32, #tpu.memory_space<vmem_shared>> -> memref<128xf32, #tpu.memory_space<vmem_shared>>
      %dma_wait3A_100 = tpu.memref_slice %arg14[%add3A_55] : memref<10240xf32, #tpu.memory_space<vmem_shared>> -> memref<128xf32, #tpu.memory_space<vmem_shared>>
      tpu.wait_dma2 semaphore(%run_scoped3A : memref<!tpu.dma_semaphore, #tpu.memory_space<semaphore_mem>>) src(%arg12 : memref<128xf32, #tpu.memory_space<vmem>>) dst(%dma_wait3A_100 : memref<128xf32, #tpu.memory_space<vmem_shared>>)
      tpu.yield
    }) : () -> ()
    "tpu.region"() ({
      %run_scoped3A = tpu.sem_alloc : memref<!tpu.dma_semaphore, #tpu.memory_space<semaphore_mem>>
      %dma_start3A = tpu.memref_slice %arg15[%add3A_55] : memref<10240xf32, #tpu.memory_space<vmem_shared>> -> memref<128xf32, #tpu.memory_space<vmem_shared>>
      %dma_start3A_99 = tpu.memref_slice %arg5[%add3A_55] : memref<10240xf32, #tpu.memory_space<hbm>> -> memref<128xf32, #tpu.memory_space<hbm>>
      tpu.enqueue_dma source(%dma_start3A_99 : memref<128xf32, #tpu.memory_space<hbm>>) target(%dma_start3A : memref<128xf32, #tpu.memory_space<vmem_shared>>) target_semaphore(%run_scoped3A : memref<!tpu.dma_semaphore, #tpu.memory_space<semaphore_mem>>)
      %dma_wait3A = tpu.memref_slice %arg15[%add3A_55] : memref<10240xf32, #tpu.memory_space<vmem_shared>> -> memref<128xf32, #tpu.memory_space<vmem_shared>>
      %dma_wait3A_100 = tpu.memref_slice %arg5[%add3A_55] : memref<10240xf32, #tpu.memory_space<hbm>> -> memref<128xf32, #tpu.memory_space<hbm>>
      tpu.wait_dma2 semaphore(%run_scoped3A : memref<!tpu.dma_semaphore, #tpu.memory_space<semaphore_mem>>) src(%dma_wait3A_100 : memref<128xf32, #tpu.memory_space<hbm>>) dst(%dma_wait3A : memref<128xf32, #tpu.memory_space<vmem_shared>>)
      tpu.yield
    }) : () -> ()
    %mul3A_56 = arith.constant 640 : i32
    %mul3A_57 = arith.muli %arg1, %mul3A_56 : i32
    %add3A_58 = arith.constant 128 : i32
    %add3A_59 = arith.addi %mul3A_57, %add3A_58 : i32
    "tpu.region"() ({
      %run_scoped3A = tpu.sem_alloc : memref<!tpu.dma_semaphore, #tpu.memory_space<semaphore_mem>>
      %dma_start3A = arith.constant 0 : i32
      %dma_start3A_99 = tpu.memref_slice %arg13[%add3A_59, %dma_start3A] : memref<10240x128xf32, #tpu.memory_space<vmem_shared>> -> memref<128x128xf32, #tpu.memory_space<vmem_shared>>
      %dma_start3A_100 = arith.constant 0 : i32
      %dma_start3A_101 = tpu.memref_slice %arg13[%add3A_59, %dma_start3A_100] : memref<10240x128xf32, #tpu.memory_space<vmem_shared>> -> memref<128x128xf32, #tpu.memory_space<vmem_shared>>
      tpu.enqueue_dma source(%arg10 : memref<128x128xf32, #tpu.memory_space<vmem>>) target(%dma_start3A_101 : memref<128x128xf32, #tpu.memory_space<vmem_shared>>) target_semaphore(%run_scoped3A : memref<!tpu.dma_semaphore, #tpu.memory_space<semaphore_mem>>)
      %dma_wait3A = arith.constant 0 : i32
      %dma_wait3A_102 = tpu.memref_slice %arg13[%add3A_59, %dma_wait3A] : memref<10240x128xf32, #tpu.memory_space<vmem_shared>> -> memref<128x128xf32, #tpu.memory_space<vmem_shared>>
      %dma_wait3A_103 = arith.constant 0 : i32
      %dma_wait3A_104 = tpu.memref_slice %arg13[%add3A_59, %dma_wait3A_103] : memref<10240x128xf32, #tpu.memory_space<vmem_shared>> -> memref<128x128xf32, #tpu.memory_space<vmem_shared>>
      tpu.wait_dma2 semaphore(%run_scoped3A : memref<!tpu.dma_semaphore, #tpu.memory_space<semaphore_mem>>) src(%arg10 : memref<128x128xf32, #tpu.memory_space<vmem>>) dst(%dma_wait3A_104 : memref<128x128xf32, #tpu.memory_space<vmem_shared>>)
      tpu.yield
    }) : () -> ()
    "tpu.region"() ({
      %run_scoped3A = tpu.sem_alloc : memref<!tpu.dma_semaphore, #tpu.memory_space<semaphore_mem>>
      %dma_start3A = tpu.memref_slice %arg14[%add3A_59] : memref<10240xf32, #tpu.memory_space<vmem_shared>> -> memref<128xf32, #tpu.memory_space<vmem_shared>>
      %dma_start3A_99 = tpu.memref_slice %arg14[%add3A_59] : memref<10240xf32, #tpu.memory_space<vmem_shared>> -> memref<128xf32, #tpu.memory_space<vmem_shared>>
      tpu.enqueue_dma source(%arg12 : memref<128xf32, #tpu.memory_space<vmem>>) target(%dma_start3A_99 : memref<128xf32, #tpu.memory_space<vmem_shared>>) target_semaphore(%run_scoped3A : memref<!tpu.dma_semaphore, #tpu.memory_space<semaphore_mem>>)
      %dma_wait3A = tpu.memref_slice %arg14[%add3A_59] : memref<10240xf32, #tpu.memory_space<vmem_shared>> -> memref<128xf32, #tpu.memory_space<vmem_shared>>
      %dma_wait3A_100 = tpu.memref_slice %arg14[%add3A_59] : memref<10240xf32, #tpu.memory_space<vmem_shared>> -> memref<128xf32, #tpu.memory_space<vmem_shared>>
      tpu.wait_dma2 semaphore(%run_scoped3A : memref<!tpu.dma_semaphore, #tpu.memory_space<semaphore_mem>>) src(%arg12 : memref<128xf32, #tpu.memory_space<vmem>>) dst(%dma_wait3A_100 : memref<128xf32, #tpu.memory_space<vmem_shared>>)
      tpu.yield
    }) : () -> ()
    "tpu.region"() ({
      %run_scoped3A = tpu.sem_alloc : memref<!tpu.dma_semaphore, #tpu.memory_space<semaphore_mem>>
      %dma_start3A = tpu.memref_slice %arg15[%add3A_59] : memref<10240xf32, #tpu.memory_space<vmem_shared>> -> memref<128xf32, #tpu.memory_space<vmem_shared>>
      %dma_start3A_99 = tpu.memref_slice %arg5[%add3A_59] : memref<10240xf32, #tpu.memory_space<hbm>> -> memref<128xf32, #tpu.memory_space<hbm>>
      tpu.enqueue_dma source(%dma_start3A_99 : memref<128xf32, #tpu.memory_space<hbm>>) target(%dma_start3A : memref<128xf32, #tpu.memory_space<vmem_shared>>) target_semaphore(%run_scoped3A : memref<!tpu.dma_semaphore, #tpu.memory_space<semaphore_mem>>)
      %dma_wait3A = tpu.memref_slice %arg15[%add3A_59] : memref<10240xf32, #tpu.memory_space<vmem_shared>> -> memref<128xf32, #tpu.memory_space<vmem_shared>>
      %dma_wait3A_100 = tpu.memref_slice %arg5[%add3A_59] : memref<10240xf32, #tpu.memory_space<hbm>> -> memref<128xf32, #tpu.memory_space<hbm>>
      tpu.wait_dma2 semaphore(%run_scoped3A : memref<!tpu.dma_semaphore, #tpu.memory_space<semaphore_mem>>) src(%dma_wait3A_100 : memref<128xf32, #tpu.memory_space<hbm>>) dst(%dma_wait3A : memref<128xf32, #tpu.memory_space<vmem_shared>>)
      tpu.yield
    }) : () -> ()
    %mul3A_60 = arith.constant 640 : i32
    %mul3A_61 = arith.muli %arg1, %mul3A_60 : i32
    %add3A_62 = arith.constant 256 : i32
    %add3A_63 = arith.addi %mul3A_61, %add3A_62 : i32
    "tpu.region"() ({
      %run_scoped3A = tpu.sem_alloc : memref<!tpu.dma_semaphore, #tpu.memory_space<semaphore_mem>>
      %dma_start3A = arith.constant 0 : i32
      %dma_start3A_99 = tpu.memref_slice %arg13[%add3A_63, %dma_start3A] : memref<10240x128xf32, #tpu.memory_space<vmem_shared>> -> memref<128x128xf32, #tpu.memory_space<vmem_shared>>
      %dma_start3A_100 = arith.constant 0 : i32
      %dma_start3A_101 = tpu.memref_slice %arg13[%add3A_63, %dma_start3A_100] : memref<10240x128xf32, #tpu.memory_space<vmem_shared>> -> memref<128x128xf32, #tpu.memory_space<vmem_shared>>
      tpu.enqueue_dma source(%arg10 : memref<128x128xf32, #tpu.memory_space<vmem>>) target(%dma_start3A_101 : memref<128x128xf32, #tpu.memory_space<vmem_shared>>) target_semaphore(%run_scoped3A : memref<!tpu.dma_semaphore, #tpu.memory_space<semaphore_mem>>)
      %dma_wait3A = arith.constant 0 : i32
      %dma_wait3A_102 = tpu.memref_slice %arg13[%add3A_63, %dma_wait3A] : memref<10240x128xf32, #tpu.memory_space<vmem_shared>> -> memref<128x128xf32, #tpu.memory_space<vmem_shared>>
      %dma_wait3A_103 = arith.constant 0 : i32
      %dma_wait3A_104 = tpu.memref_slice %arg13[%add3A_63, %dma_wait3A_103] : memref<10240x128xf32, #tpu.memory_space<vmem_shared>> -> memref<128x128xf32, #tpu.memory_space<vmem_shared>>
      tpu.wait_dma2 semaphore(%run_scoped3A : memref<!tpu.dma_semaphore, #tpu.memory_space<semaphore_mem>>) src(%arg10 : memref<128x128xf32, #tpu.memory_space<vmem>>) dst(%dma_wait3A_104 : memref<128x128xf32, #tpu.memory_space<vmem_shared>>)
      tpu.yield
    }) : () -> ()
    "tpu.region"() ({
      %run_scoped3A = tpu.sem_alloc : memref<!tpu.dma_semaphore, #tpu.memory_space<semaphore_mem>>
      %dma_start3A = tpu.memref_slice %arg14[%add3A_63] : memref<10240xf32, #tpu.memory_space<vmem_shared>> -> memref<128xf32, #tpu.memory_space<vmem_shared>>
      %dma_start3A_99 = tpu.memref_slice %arg14[%add3A_63] : memref<10240xf32, #tpu.memory_space<vmem_shared>> -> memref<128xf32, #tpu.memory_space<vmem_shared>>
      tpu.enqueue_dma source(%arg12 : memref<128xf32, #tpu.memory_space<vmem>>) target(%dma_start3A_99 : memref<128xf32, #tpu.memory_space<vmem_shared>>) target_semaphore(%run_scoped3A : memref<!tpu.dma_semaphore, #tpu.memory_space<semaphore_mem>>)
      %dma_wait3A = tpu.memref_slice %arg14[%add3A_63] : memref<10240xf32, #tpu.memory_space<vmem_shared>> -> memref<128xf32, #tpu.memory_space<vmem_shared>>
      %dma_wait3A_100 = tpu.memref_slice %arg14[%add3A_63] : memref<10240xf32, #tpu.memory_space<vmem_shared>> -> memref<128xf32, #tpu.memory_space<vmem_shared>>
      tpu.wait_dma2 semaphore(%run_scoped3A : memref<!tpu.dma_semaphore, #tpu.memory_space<semaphore_mem>>) src(%arg12 : memref<128xf32, #tpu.memory_space<vmem>>) dst(%dma_wait3A_100 : memref<128xf32, #tpu.memory_space<vmem_shared>>)
      tpu.yield
    }) : () -> ()
    "tpu.region"() ({
      %run_scoped3A = tpu.sem_alloc : memref<!tpu.dma_semaphore, #tpu.memory_space<semaphore_mem>>
      %dma_start3A = tpu.memref_slice %arg15[%add3A_63] : memref<10240xf32, #tpu.memory_space<vmem_shared>> -> memref<128xf32, #tpu.memory_space<vmem_shared>>
      %dma_start3A_99 = tpu.memref_slice %arg5[%add3A_63] : memref<10240xf32, #tpu.memory_space<hbm>> -> memref<128xf32, #tpu.memory_space<hbm>>
      tpu.enqueue_dma source(%dma_start3A_99 : memref<128xf32, #tpu.memory_space<hbm>>) target(%dma_start3A : memref<128xf32, #tpu.memory_space<vmem_shared>>) target_semaphore(%run_scoped3A : memref<!tpu.dma_semaphore, #tpu.memory_space<semaphore_mem>>)
      %dma_wait3A = tpu.memref_slice %arg15[%add3A_63] : memref<10240xf32, #tpu.memory_space<vmem_shared>> -> memref<128xf32, #tpu.memory_space<vmem_shared>>
      %dma_wait3A_100 = tpu.memref_slice %arg5[%add3A_63] : memref<10240xf32, #tpu.memory_space<hbm>> -> memref<128xf32, #tpu.memory_space<hbm>>
      tpu.wait_dma2 semaphore(%run_scoped3A : memref<!tpu.dma_semaphore, #tpu.memory_space<semaphore_mem>>) src(%dma_wait3A_100 : memref<128xf32, #tpu.memory_space<hbm>>) dst(%dma_wait3A : memref<128xf32, #tpu.memory_space<vmem_shared>>)
      tpu.yield
    }) : () -> ()
    %mul3A_64 = arith.constant 640 : i32
    %mul3A_65 = arith.muli %arg1, %mul3A_64 : i32
    %add3A_66 = arith.constant 384 : i32
    %add3A_67 = arith.addi %mul3A_65, %add3A_66 : i32
    "tpu.region"() ({
      %run_scoped3A = tpu.sem_alloc : memref<!tpu.dma_semaphore, #tpu.memory_space<semaphore_mem>>
      %dma_start3A = arith.constant 0 : i32
      %dma_start3A_99 = tpu.memref_slice %arg13[%add3A_67, %dma_start3A] : memref<10240x128xf32, #tpu.memory_space<vmem_shared>> -> memref<128x128xf32, #tpu.memory_space<vmem_shared>>
      %dma_start3A_100 = arith.constant 0 : i32
      %dma_start3A_101 = tpu.memref_slice %arg13[%add3A_67, %dma_start3A_100] : memref<10240x128xf32, #tpu.memory_space<vmem_shared>> -> memref<128x128xf32, #tpu.memory_space<vmem_shared>>
      tpu.enqueue_dma source(%arg10 : memref<128x128xf32, #tpu.memory_space<vmem>>) target(%dma_start3A_101 : memref<128x128xf32, #tpu.memory_space<vmem_shared>>) target_semaphore(%run_scoped3A : memref<!tpu.dma_semaphore, #tpu.memory_space<semaphore_mem>>)
      %dma_wait3A = arith.constant 0 : i32
      %dma_wait3A_102 = tpu.memref_slice %arg13[%add3A_67, %dma_wait3A] : memref<10240x128xf32, #tpu.memory_space<vmem_shared>> -> memref<128x128xf32, #tpu.memory_space<vmem_shared>>
      %dma_wait3A_103 = arith.constant 0 : i32
      %dma_wait3A_104 = tpu.memref_slice %arg13[%add3A_67, %dma_wait3A_103] : memref<10240x128xf32, #tpu.memory_space<vmem_shared>> -> memref<128x128xf32, #tpu.memory_space<vmem_shared>>
      tpu.wait_dma2 semaphore(%run_scoped3A : memref<!tpu.dma_semaphore, #tpu.memory_space<semaphore_mem>>) src(%arg10 : memref<128x128xf32, #tpu.memory_space<vmem>>) dst(%dma_wait3A_104 : memref<128x128xf32, #tpu.memory_space<vmem_shared>>)
      tpu.yield
    }) : () -> ()
    "tpu.region"() ({
      %run_scoped3A = tpu.sem_alloc : memref<!tpu.dma_semaphore, #tpu.memory_space<semaphore_mem>>
      %dma_start3A = tpu.memref_slice %arg14[%add3A_67] : memref<10240xf32, #tpu.memory_space<vmem_shared>> -> memref<128xf32, #tpu.memory_space<vmem_shared>>
      %dma_start3A_99 = tpu.memref_slice %arg14[%add3A_67] : memref<10240xf32, #tpu.memory_space<vmem_shared>> -> memref<128xf32, #tpu.memory_space<vmem_shared>>
      tpu.enqueue_dma source(%arg12 : memref<128xf32, #tpu.memory_space<vmem>>) target(%dma_start3A_99 : memref<128xf32, #tpu.memory_space<vmem_shared>>) target_semaphore(%run_scoped3A : memref<!tpu.dma_semaphore, #tpu.memory_space<semaphore_mem>>)
      %dma_wait3A = tpu.memref_slice %arg14[%add3A_67] : memref<10240xf32, #tpu.memory_space<vmem_shared>> -> memref<128xf32, #tpu.memory_space<vmem_shared>>
      %dma_wait3A_100 = tpu.memref_slice %arg14[%add3A_67] : memref<10240xf32, #tpu.memory_space<vmem_shared>> -> memref<128xf32, #tpu.memory_space<vmem_shared>>
      tpu.wait_dma2 semaphore(%run_scoped3A : memref<!tpu.dma_semaphore, #tpu.memory_space<semaphore_mem>>) src(%arg12 : memref<128xf32, #tpu.memory_space<vmem>>) dst(%dma_wait3A_100 : memref<128xf32, #tpu.memory_space<vmem_shared>>)
      tpu.yield
    }) : () -> ()
    "tpu.region"() ({
      %run_scoped3A = tpu.sem_alloc : memref<!tpu.dma_semaphore, #tpu.memory_space<semaphore_mem>>
      %dma_start3A = tpu.memref_slice %arg15[%add3A_67] : memref<10240xf32, #tpu.memory_space<vmem_shared>> -> memref<128xf32, #tpu.memory_space<vmem_shared>>
      %dma_start3A_99 = tpu.memref_slice %arg5[%add3A_67] : memref<10240xf32, #tpu.memory_space<hbm>> -> memref<128xf32, #tpu.memory_space<hbm>>
      tpu.enqueue_dma source(%dma_start3A_99 : memref<128xf32, #tpu.memory_space<hbm>>) target(%dma_start3A : memref<128xf32, #tpu.memory_space<vmem_shared>>) target_semaphore(%run_scoped3A : memref<!tpu.dma_semaphore, #tpu.memory_space<semaphore_mem>>)
      %dma_wait3A = tpu.memref_slice %arg15[%add3A_67] : memref<10240xf32, #tpu.memory_space<vmem_shared>> -> memref<128xf32, #tpu.memory_space<vmem_shared>>
      %dma_wait3A_100 = tpu.memref_slice %arg5[%add3A_67] : memref<10240xf32, #tpu.memory_space<hbm>> -> memref<128xf32, #tpu.memory_space<hbm>>
      tpu.wait_dma2 semaphore(%run_scoped3A : memref<!tpu.dma_semaphore, #tpu.memory_space<semaphore_mem>>) src(%dma_wait3A_100 : memref<128xf32, #tpu.memory_space<hbm>>) dst(%dma_wait3A : memref<128xf32, #tpu.memory_space<vmem_shared>>)
      tpu.yield
    }) : () -> ()
    %mul3A_68 = arith.constant 640 : i32
    %mul3A_69 = arith.muli %arg1, %mul3A_68 : i32
    %add3A_70 = arith.constant 512 : i32
    %add3A_71 = arith.addi %mul3A_69, %add3A_70 : i32
    "tpu.region"() ({
      %run_scoped3A = tpu.sem_alloc : memref<!tpu.dma_semaphore, #tpu.memory_space<semaphore_mem>>
      %dma_start3A = arith.constant 0 : i32
      %dma_start3A_99 = tpu.memref_slice %arg13[%add3A_71, %dma_start3A] : memref<10240x128xf32, #tpu.memory_space<vmem_shared>> -> memref<128x128xf32, #tpu.memory_space<vmem_shared>>
      %dma_start3A_100 = arith.constant 0 : i32
      %dma_start3A_101 = tpu.memref_slice %arg13[%add3A_71, %dma_start3A_100] : memref<10240x128xf32, #tpu.memory_space<vmem_shared>> -> memref<128x128xf32, #tpu.memory_space<vmem_shared>>
      tpu.enqueue_dma source(%arg10 : memref<128x128xf32, #tpu.memory_space<vmem>>) target(%dma_start3A_101 : memref<128x128xf32, #tpu.memory_space<vmem_shared>>) target_semaphore(%run_scoped3A : memref<!tpu.dma_semaphore, #tpu.memory_space<semaphore_mem>>)
      %dma_wait3A = arith.constant 0 : i32
      %dma_wait3A_102 = tpu.memref_slice %arg13[%add3A_71, %dma_wait3A] : memref<10240x128xf32, #tpu.memory_space<vmem_shared>> -> memref<128x128xf32, #tpu.memory_space<vmem_shared>>
      %dma_wait3A_103 = arith.constant 0 : i32
      %dma_wait3A_104 = tpu.memref_slice %arg13[%add3A_71, %dma_wait3A_103] : memref<10240x128xf32, #tpu.memory_space<vmem_shared>> -> memref<128x128xf32, #tpu.memory_space<vmem_shared>>
      tpu.wait_dma2 semaphore(%run_scoped3A : memref<!tpu.dma_semaphore, #tpu.memory_space<semaphore_mem>>) src(%arg10 : memref<128x128xf32, #tpu.memory_space<vmem>>) dst(%dma_wait3A_104 : memref<128x128xf32, #tpu.memory_space<vmem_shared>>)
      tpu.yield
    }) : () -> ()
    "tpu.region"() ({
      %run_scoped3A = tpu.sem_alloc : memref<!tpu.dma_semaphore, #tpu.memory_space<semaphore_mem>>
      %dma_start3A = tpu.memref_slice %arg14[%add3A_71] : memref<10240xf32, #tpu.memory_space<vmem_shared>> -> memref<128xf32, #tpu.memory_space<vmem_shared>>
      %dma_start3A_99 = tpu.memref_slice %arg14[%add3A_71] : memref<10240xf32, #tpu.memory_space<vmem_shared>> -> memref<128xf32, #tpu.memory_space<vmem_shared>>
      tpu.enqueue_dma source(%arg12 : memref<128xf32, #tpu.memory_space<vmem>>) target(%dma_start3A_99 : memref<128xf32, #tpu.memory_space<vmem_shared>>) target_semaphore(%run_scoped3A : memref<!tpu.dma_semaphore, #tpu.memory_space<semaphore_mem>>)
      %dma_wait3A = tpu.memref_slice %arg14[%add3A_71] : memref<10240xf32, #tpu.memory_space<vmem_shared>> -> memref<128xf32, #tpu.memory_space<vmem_shared>>
      %dma_wait3A_100 = tpu.memref_slice %arg14[%add3A_71] : memref<10240xf32, #tpu.memory_space<vmem_shared>> -> memref<128xf32, #tpu.memory_space<vmem_shared>>
      tpu.wait_dma2 semaphore(%run_scoped3A : memref<!tpu.dma_semaphore, #tpu.memory_space<semaphore_mem>>) src(%arg12 : memref<128xf32, #tpu.memory_space<vmem>>) dst(%dma_wait3A_100 : memref<128xf32, #tpu.memory_space<vmem_shared>>)
      tpu.yield
    }) : () -> ()
    "tpu.region"() ({
      %run_scoped3A = tpu.sem_alloc : memref<!tpu.dma_semaphore, #tpu.memory_space<semaphore_mem>>
      %dma_start3A = tpu.memref_slice %arg15[%add3A_71] : memref<10240xf32, #tpu.memory_space<vmem_shared>> -> memref<128xf32, #tpu.memory_space<vmem_shared>>
      %dma_start3A_99 = tpu.memref_slice %arg5[%add3A_71] : memref<10240xf32, #tpu.memory_space<hbm>> -> memref<128xf32, #tpu.memory_space<hbm>>
      tpu.enqueue_dma source(%dma_start3A_99 : memref<128xf32, #tpu.memory_space<hbm>>) target(%dma_start3A : memref<128xf32, #tpu.memory_space<vmem_shared>>) target_semaphore(%run_scoped3A : memref<!tpu.dma_semaphore, #tpu.memory_space<semaphore_mem>>)
      %dma_wait3A = tpu.memref_slice %arg15[%add3A_71] : memref<10240xf32, #tpu.memory_space<vmem_shared>> -> memref<128xf32, #tpu.memory_space<vmem_shared>>
      %dma_wait3A_100 = tpu.memref_slice %arg5[%add3A_71] : memref<10240xf32, #tpu.memory_space<hbm>> -> memref<128xf32, #tpu.memory_space<hbm>>
      tpu.wait_dma2 semaphore(%run_scoped3A : memref<!tpu.dma_semaphore, #tpu.memory_space<semaphore_mem>>) src(%dma_wait3A_100 : memref<128xf32, #tpu.memory_space<hbm>>) dst(%dma_wait3A : memref<128xf32, #tpu.memory_space<vmem_shared>>)
      tpu.yield
    }) : () -> ()
    %barrier3A = arith.constant 0 : index
    tpu.barrier barrier_id(%barrier3A)
    %scan3A_72 = arith.constant 0 : i32
    %scan3A_73 = arith.constant 0 : i32
    %scan3A_74 = arith.constant 5 : i32
    %scan3A_75 = arith.addi %scan3A_73, %scan3A_74 : i32
    %scan3A_76 = arith.constant 1 : i32
    scf.for %scan3A_99 = %scan3A_73 to %scan3A_75 step %scan3A_76  : i32 {
      %mul3A_100 = arith.constant 80 : i32
      %mul3A_101 = arith.muli %add3A, %mul3A_100 : i32
      %mul3A_102 = arith.constant 16 : i32
      %mul3A_103 = arith.muli %scan3A_99, %mul3A_102 : i32
      %add3A_104 = arith.addi %mul3A_101, %mul3A_103 : i32
      "tpu.region"() ({
        %run_scoped3A = tpu.sem_alloc : memref<!tpu.dma_semaphore, #tpu.memory_space<semaphore_mem>>
        %dma_start3A_129 = arith.constant 0 : i32
        %dma_start3A_130 = tpu.memref_slice %arg3[%add3A_104, %dma_start3A_129] : memref<2560x128xi32, #tpu.memory_space<hbm>> -> memref<16x128xi32, #tpu.memory_space<hbm>>
        %dma_start3A_131 = arith.constant 0 : i32
        %dma_start3A_132 = tpu.memref_slice %arg3[%add3A_104, %dma_start3A_131] : memref<2560x128xi32, #tpu.memory_space<hbm>> -> memref<16x128xi32, #tpu.memory_space<hbm>>
        tpu.enqueue_dma source(%dma_start3A_132 : memref<16x128xi32, #tpu.memory_space<hbm>>) target(%arg8 : memref<16x128xi32, #tpu.memory_space<vmem>>) target_semaphore(%run_scoped3A : memref<!tpu.dma_semaphore, #tpu.memory_space<semaphore_mem>>)
        %dma_wait3A = arith.constant 0 : i32
        %dma_wait3A_133 = tpu.memref_slice %arg3[%add3A_104, %dma_wait3A] : memref<2560x128xi32, #tpu.memory_space<hbm>> -> memref<16x128xi32, #tpu.memory_space<hbm>>
        %dma_wait3A_134 = arith.constant 0 : i32
        %dma_wait3A_135 = tpu.memref_slice %arg3[%add3A_104, %dma_wait3A_134] : memref<2560x128xi32, #tpu.memory_space<hbm>> -> memref<16x128xi32, #tpu.memory_space<hbm>>
        tpu.wait_dma2 semaphore(%run_scoped3A : memref<!tpu.dma_semaphore, #tpu.memory_space<semaphore_mem>>) src(%dma_wait3A_135 : memref<16x128xi32, #tpu.memory_space<hbm>>) dst(%arg8 : memref<16x128xi32, #tpu.memory_space<vmem>>)
        tpu.yield
      }) : () -> ()
      %mul3A_105 = arith.constant 80 : i32
      %mul3A_106 = arith.muli %add3A, %mul3A_105 : i32
      %mul3A_107 = arith.constant 16 : i32
      %mul3A_108 = arith.muli %scan3A_99, %mul3A_107 : i32
      %add3A_109 = arith.addi %mul3A_106, %mul3A_108 : i32
      "tpu.region"() ({
        %run_scoped3A = tpu.sem_alloc : memref<!tpu.dma_semaphore, #tpu.memory_space<semaphore_mem>>
        %dma_start3A_129 = arith.constant 0 : i32
        %dma_start3A_130 = tpu.memref_slice %arg4[%add3A_109, %dma_start3A_129] : memref<2560x128xi32, #tpu.memory_space<hbm>> -> memref<16x128xi32, #tpu.memory_space<hbm>>
        %dma_start3A_131 = arith.constant 0 : i32
        %dma_start3A_132 = tpu.memref_slice %arg4[%add3A_109, %dma_start3A_131] : memref<2560x128xi32, #tpu.memory_space<hbm>> -> memref<16x128xi32, #tpu.memory_space<hbm>>
        tpu.enqueue_dma source(%dma_start3A_132 : memref<16x128xi32, #tpu.memory_space<hbm>>) target(%arg9 : memref<16x128xi32, #tpu.memory_space<vmem>>) target_semaphore(%run_scoped3A : memref<!tpu.dma_semaphore, #tpu.memory_space<semaphore_mem>>)
        %dma_wait3A = arith.constant 0 : i32
        %dma_wait3A_133 = tpu.memref_slice %arg4[%add3A_109, %dma_wait3A] : memref<2560x128xi32, #tpu.memory_space<hbm>> -> memref<16x128xi32, #tpu.memory_space<hbm>>
        %dma_wait3A_134 = arith.constant 0 : i32
        %dma_wait3A_135 = tpu.memref_slice %arg4[%add3A_109, %dma_wait3A_134] : memref<2560x128xi32, #tpu.memory_space<hbm>> -> memref<16x128xi32, #tpu.memory_space<hbm>>
        tpu.wait_dma2 semaphore(%run_scoped3A : memref<!tpu.dma_semaphore, #tpu.memory_space<semaphore_mem>>) src(%dma_wait3A_135 : memref<16x128xi32, #tpu.memory_space<hbm>>) dst(%arg9 : memref<16x128xi32, #tpu.memory_space<vmem>>)
        tpu.yield
      }) : () -> ()
      %dma_start3A = arith.constant 0 : i32
      %dma_start3A_110 = arith.constant 0 : i32
      %dma_start3A_111 = tpu.memref_slice %arg8[%dma_start3A, %dma_start3A_110] : memref<16x128xi32, #tpu.memory_space<vmem>> -> memref<1x128xi32, #tpu.memory_space<vmem>>
      %dma_start3A_112 = tpu.memref_squeeze %dma_start3A_111 : memref<1x128xi32, #tpu.memory_space<vmem>> -> memref<128xi32, #tpu.memory_space<vmem>>
      %dma_start3A_113 = arith.constant 0 : i32
      %dma_start3A_114 = arith.constant 0 : i32
      %dma_start3A_115 = tpu.memref_slice %arg2[%dma_start3A_113, %dma_start3A_114] : memref<10240x128xf32, #tpu.memory_space<hbm>> -> memref<10240x128xf32, #tpu.memory_space<hbm>>
      tpu.enqueue_indirect_dma source(%dma_start3A_115 : memref<10240x128xf32, #tpu.memory_space<hbm>>) target(%arg10 : memref<128x128xf32, #tpu.memory_space<vmem>>) offsets(%dma_start3A_112 : memref<128xi32, #tpu.memory_space<vmem>>) semaphore(%arg16 : memref<!tpu.dma_semaphore, #tpu.memory_space<semaphore_mem>>)
      %dma_start3A_116 = arith.constant 1 : i32
      %dma_start3A_117 = arith.constant 0 : i32
      %dma_start3A_118 = tpu.memref_slice %arg8[%dma_start3A_116, %dma_start3A_117] : memref<16x128xi32, #tpu.memory_space<vmem>> -> memref<1x128xi32, #tpu.memory_space<vmem>>
      %dma_start3A_119 = tpu.memref_squeeze %dma_start3A_118 : memref<1x128xi32, #tpu.memory_space<vmem>> -> memref<128xi32, #tpu.memory_space<vmem>>
      %dma_start3A_120 = arith.constant 0 : i32
      %dma_start3A_121 = arith.constant 0 : i32
      %dma_start3A_122 = tpu.memref_slice %arg2[%dma_start3A_120, %dma_start3A_121] : memref<10240x128xf32, #tpu.memory_space<hbm>> -> memref<10240x128xf32, #tpu.memory_space<hbm>>
      tpu.enqueue_indirect_dma source(%dma_start3A_122 : memref<10240x128xf32, #tpu.memory_space<hbm>>) target(%arg11 : memref<128x128xf32, #tpu.memory_space<vmem>>) offsets(%dma_start3A_119 : memref<128xi32, #tpu.memory_space<vmem>>) semaphore(%arg17 : memref<!tpu.dma_semaphore, #tpu.memory_space<semaphore_mem>>)
      %scan3A_123 = arith.constant 0 : i32
      %scan3A_124 = arith.constant 0 : i32
      %scan3A_125 = arith.constant 8 : i32
      %scan3A_126 = arith.addi %scan3A_124, %scan3A_125 : i32
      %scan3A_127 = arith.constant 1 : i32
      scf.for %scan3A_129 = %scan3A_124 to %scan3A_126 step %scan3A_127  : i32 {
        %mul3A_130 = arith.constant 2 : i32
        %mul3A_131 = arith.muli %scan3A_129, %mul3A_130 : i32
        %mul3A_132 = arith.constant 2 : i32
        %mul3A_133 = arith.muli %scan3A_129, %mul3A_132 : i32
        %add3A_134 = arith.constant 1 : i32
        %add3A_135 = arith.addi %mul3A_133, %add3A_134 : i32
        "tpu.region"() ({
          %run_scoped3A = tpu.sem_alloc : memref<!tpu.dma_semaphore, #tpu.memory_space<semaphore_mem>>
          %dma_start3A_158 = arith.constant 0 : i32
          %dma_start3A_159 = tpu.memref_slice %arg9[%mul3A_131, %dma_start3A_158] : memref<16x128xi32, #tpu.memory_space<vmem>> -> memref<1x128xi32, #tpu.memory_space<vmem>>
          %dma_start3A_160 = tpu.memref_squeeze %dma_start3A_159 : memref<1x128xi32, #tpu.memory_space<vmem>> -> memref<128xi32, #tpu.memory_space<vmem>>
          %dma_start3A_161 = arith.constant 0 : i32
          %dma_start3A_162 = tpu.memref_slice %arg15[%dma_start3A_161] : memref<10240xf32, #tpu.memory_space<vmem_shared>> -> memref<10240xf32, #tpu.memory_space<vmem_shared>>
          tpu.enqueue_indirect_dma source(%dma_start3A_162 : memref<10240xf32, #tpu.memory_space<vmem_shared>>) target(%arg12 : memref<128xf32, #tpu.memory_space<vmem>>) offsets(%dma_start3A_160 : memref<128xi32, #tpu.memory_space<vmem>>) semaphore(%run_scoped3A : memref<!tpu.dma_semaphore, #tpu.memory_space<semaphore_mem>>)
          %dma_wait3A_163 = arith.constant 0 : i32
          %dma_wait3A_164 = tpu.memref_slice %arg9[%mul3A_131, %dma_wait3A_163] : memref<16x128xi32, #tpu.memory_space<vmem>> -> memref<1x128xi32, #tpu.memory_space<vmem>>
          %dma_wait3A_165 = tpu.memref_squeeze %dma_wait3A_164 : memref<1x128xi32, #tpu.memory_space<vmem>> -> memref<128xi32, #tpu.memory_space<vmem>>
          %dma_wait3A_166 = arith.constant 0 : i32
          %dma_wait3A_167 = tpu.memref_slice %arg15[%dma_wait3A_166] : memref<10240xf32, #tpu.memory_space<vmem_shared>> -> memref<10240xf32, #tpu.memory_space<vmem_shared>>
          tpu.wait_indirect_dma semaphore(%run_scoped3A : memref<!tpu.dma_semaphore, #tpu.memory_space<semaphore_mem>>) src(%dma_wait3A_167 : memref<10240xf32, #tpu.memory_space<vmem_shared>>) dst(%arg12 : memref<128xf32, #tpu.memory_space<vmem>>)
          tpu.yield
        }) : () -> ()
        "tpu.region"() ({
          %run_scoped3A = tpu.sem_alloc : memref<!tpu.dma_semaphore, #tpu.memory_space<semaphore_mem>>
          %dma_start3A_158 = arith.constant 0 : i32
          %dma_start3A_159 = tpu.memref_slice %arg8[%mul3A_131, %dma_start3A_158] : memref<16x128xi32, #tpu.memory_space<vmem>> -> memref<1x128xi32, #tpu.memory_space<vmem>>
          %dma_start3A_160 = tpu.memref_squeeze %dma_start3A_159 : memref<1x128xi32, #tpu.memory_space<vmem>> -> memref<128xi32, #tpu.memory_space<vmem>>
          %dma_start3A_161 = arith.constant 0 : i32
          %dma_start3A_162 = tpu.memref_slice %arg14[%dma_start3A_161] : memref<10240xf32, #tpu.memory_space<vmem_shared>> -> memref<10240xf32, #tpu.memory_space<vmem_shared>>
          tpu.enqueue_indirect_dma source(%arg12 : memref<128xf32, #tpu.memory_space<vmem>>) target(%dma_start3A_162 : memref<10240xf32, #tpu.memory_space<vmem_shared>>) offsets(%dma_start3A_160 : memref<128xi32, #tpu.memory_space<vmem>>) semaphore(%run_scoped3A : memref<!tpu.dma_semaphore, #tpu.memory_space<semaphore_mem>>) {add = true}
          %dma_wait3A_163 = arith.constant 0 : i32
          %dma_wait3A_164 = tpu.memref_slice %arg8[%mul3A_131, %dma_wait3A_163] : memref<16x128xi32, #tpu.memory_space<vmem>> -> memref<1x128xi32, #tpu.memory_space<vmem>>
          %dma_wait3A_165 = tpu.memref_squeeze %dma_wait3A_164 : memref<1x128xi32, #tpu.memory_space<vmem>> -> memref<128xi32, #tpu.memory_space<vmem>>
          %dma_wait3A_166 = arith.constant 0 : i32
          %dma_wait3A_167 = tpu.memref_slice %arg14[%dma_wait3A_166] : memref<10240xf32, #tpu.memory_space<vmem_shared>> -> memref<10240xf32, #tpu.memory_space<vmem_shared>>
          tpu.wait_indirect_dma semaphore(%run_scoped3A : memref<!tpu.dma_semaphore, #tpu.memory_space<semaphore_mem>>) src(%arg12 : memref<128xf32, #tpu.memory_space<vmem>>) dst(%dma_wait3A_167 : memref<10240xf32, #tpu.memory_space<vmem_shared>>)
          tpu.yield
        }) : () -> ()
        %dma_wait3A = arith.constant 0 : i32
        %dma_wait3A_136 = tpu.memref_slice %arg8[%mul3A_131, %dma_wait3A] : memref<16x128xi32, #tpu.memory_space<vmem>> -> memref<1x128xi32, #tpu.memory_space<vmem>>
        %dma_wait3A_137 = tpu.memref_squeeze %dma_wait3A_136 : memref<1x128xi32, #tpu.memory_space<vmem>> -> memref<128xi32, #tpu.memory_space<vmem>>
        %dma_wait3A_138 = arith.constant 0 : i32
        %dma_wait3A_139 = arith.constant 0 : i32
        %dma_wait3A_140 = tpu.memref_slice %arg2[%dma_wait3A_138, %dma_wait3A_139] : memref<10240x128xf32, #tpu.memory_space<hbm>> -> memref<10240x128xf32, #tpu.memory_space<hbm>>
        tpu.wait_indirect_dma semaphore(%arg16 : memref<!tpu.dma_semaphore, #tpu.memory_space<semaphore_mem>>) src(%dma_wait3A_140 : memref<10240x128xf32, #tpu.memory_space<hbm>>) dst(%arg10 : memref<128x128xf32, #tpu.memory_space<vmem>>)
        "tpu.region"() ({
          %run_scoped3A = tpu.sem_alloc : memref<!tpu.dma_semaphore, #tpu.memory_space<semaphore_mem>>
          %dma_start3A_158 = arith.constant 0 : i32
          %dma_start3A_159 = tpu.memref_slice %arg9[%mul3A_131, %dma_start3A_158] : memref<16x128xi32, #tpu.memory_space<vmem>> -> memref<1x128xi32, #tpu.memory_space<vmem>>
          %dma_start3A_160 = tpu.memref_squeeze %dma_start3A_159 : memref<1x128xi32, #tpu.memory_space<vmem>> -> memref<128xi32, #tpu.memory_space<vmem>>
          %dma_start3A_161 = arith.constant 0 : i32
          %dma_start3A_162 = arith.constant 0 : i32
          %dma_start3A_163 = tpu.memref_slice %arg13[%dma_start3A_161, %dma_start3A_162] : memref<10240x128xf32, #tpu.memory_space<vmem_shared>> -> memref<10240x128xf32, #tpu.memory_space<vmem_shared>>
          tpu.enqueue_indirect_dma source(%arg10 : memref<128x128xf32, #tpu.memory_space<vmem>>) target(%dma_start3A_163 : memref<10240x128xf32, #tpu.memory_space<vmem_shared>>) offsets(%dma_start3A_160 : memref<128xi32, #tpu.memory_space<vmem>>) semaphore(%run_scoped3A : memref<!tpu.dma_semaphore, #tpu.memory_space<semaphore_mem>>) {add = true}
          %dma_wait3A_164 = arith.constant 0 : i32
          %dma_wait3A_165 = tpu.memref_slice %arg9[%mul3A_131, %dma_wait3A_164] : memref<16x128xi32, #tpu.memory_space<vmem>> -> memref<1x128xi32, #tpu.memory_space<vmem>>
          %dma_wait3A_166 = tpu.memref_squeeze %dma_wait3A_165 : memref<1x128xi32, #tpu.memory_space<vmem>> -> memref<128xi32, #tpu.memory_space<vmem>>
          %dma_wait3A_167 = arith.constant 0 : i32
          %dma_wait3A_168 = arith.constant 0 : i32
          %dma_wait3A_169 = tpu.memref_slice %arg13[%dma_wait3A_167, %dma_wait3A_168] : memref<10240x128xf32, #tpu.memory_space<vmem_shared>> -> memref<10240x128xf32, #tpu.memory_space<vmem_shared>>
          tpu.wait_indirect_dma semaphore(%run_scoped3A : memref<!tpu.dma_semaphore, #tpu.memory_space<semaphore_mem>>) src(%arg10 : memref<128x128xf32, #tpu.memory_space<vmem>>) dst(%dma_wait3A_169 : memref<10240x128xf32, #tpu.memory_space<vmem_shared>>)
          tpu.yield
        }) : () -> ()
        %add3A_141 = arith.constant 2 : i32
        %add3A_142 = arith.addi %mul3A_131, %add3A_141 : i32
        %lt3A = arith.constant 16 : i32
        %lt3A_143 = arith.cmpi slt, %add3A_142, %lt3A : i32
        %convert_element_type3A = arith.extui %lt3A_143 : i1 to i32
        %cond3A = arith.constant 0 : i32
        %cond3A_144 = arith.cmpi ne, %convert_element_type3A, %cond3A : i32
        scf.if %cond3A_144 {
          %add3A_158 = arith.constant 2 : i32
          %add3A_159 = arith.addi %mul3A_131, %add3A_158 : i32
          %dma_start3A_160 = arith.constant 0 : i32
          %dma_start3A_161 = tpu.memref_slice %arg8[%add3A_159, %dma_start3A_160] : memref<16x128xi32, #tpu.memory_space<vmem>> -> memref<1x128xi32, #tpu.memory_space<vmem>>
          %dma_start3A_162 = tpu.memref_squeeze %dma_start3A_161 : memref<1x128xi32, #tpu.memory_space<vmem>> -> memref<128xi32, #tpu.memory_space<vmem>>
          %dma_start3A_163 = arith.constant 0 : i32
          %dma_start3A_164 = arith.constant 0 : i32
          %dma_start3A_165 = tpu.memref_slice %arg2[%dma_start3A_163, %dma_start3A_164] : memref<10240x128xf32, #tpu.memory_space<hbm>> -> memref<10240x128xf32, #tpu.memory_space<hbm>>
          tpu.enqueue_indirect_dma source(%dma_start3A_165 : memref<10240x128xf32, #tpu.memory_space<hbm>>) target(%arg10 : memref<128x128xf32, #tpu.memory_space<vmem>>) offsets(%dma_start3A_162 : memref<128xi32, #tpu.memory_space<vmem>>) semaphore(%arg16 : memref<!tpu.dma_semaphore, #tpu.memory_space<semaphore_mem>>)
        } else {
        }
        "tpu.region"() ({
          %run_scoped3A = tpu.sem_alloc : memref<!tpu.dma_semaphore, #tpu.memory_space<semaphore_mem>>
          %dma_start3A_158 = arith.constant 0 : i32
          %dma_start3A_159 = tpu.memref_slice %arg9[%add3A_135, %dma_start3A_158] : memref<16x128xi32, #tpu.memory_space<vmem>> -> memref<1x128xi32, #tpu.memory_space<vmem>>
          %dma_start3A_160 = tpu.memref_squeeze %dma_start3A_159 : memref<1x128xi32, #tpu.memory_space<vmem>> -> memref<128xi32, #tpu.memory_space<vmem>>
          %dma_start3A_161 = arith.constant 0 : i32
          %dma_start3A_162 = tpu.memref_slice %arg15[%dma_start3A_161] : memref<10240xf32, #tpu.memory_space<vmem_shared>> -> memref<10240xf32, #tpu.memory_space<vmem_shared>>
          tpu.enqueue_indirect_dma source(%dma_start3A_162 : memref<10240xf32, #tpu.memory_space<vmem_shared>>) target(%arg12 : memref<128xf32, #tpu.memory_space<vmem>>) offsets(%dma_start3A_160 : memref<128xi32, #tpu.memory_space<vmem>>) semaphore(%run_scoped3A : memref<!tpu.dma_semaphore, #tpu.memory_space<semaphore_mem>>)
          %dma_wait3A_163 = arith.constant 0 : i32
          %dma_wait3A_164 = tpu.memref_slice %arg9[%add3A_135, %dma_wait3A_163] : memref<16x128xi32, #tpu.memory_space<vmem>> -> memref<1x128xi32, #tpu.memory_space<vmem>>
          %dma_wait3A_165 = tpu.memref_squeeze %dma_wait3A_164 : memref<1x128xi32, #tpu.memory_space<vmem>> -> memref<128xi32, #tpu.memory_space<vmem>>
          %dma_wait3A_166 = arith.constant 0 : i32
          %dma_wait3A_167 = tpu.memref_slice %arg15[%dma_wait3A_166] : memref<10240xf32, #tpu.memory_space<vmem_shared>> -> memref<10240xf32, #tpu.memory_space<vmem_shared>>
          tpu.wait_indirect_dma semaphore(%run_scoped3A : memref<!tpu.dma_semaphore, #tpu.memory_space<semaphore_mem>>) src(%dma_wait3A_167 : memref<10240xf32, #tpu.memory_space<vmem_shared>>) dst(%arg12 : memref<128xf32, #tpu.memory_space<vmem>>)
          tpu.yield
        }) : () -> ()
        "tpu.region"() ({
          %run_scoped3A = tpu.sem_alloc : memref<!tpu.dma_semaphore, #tpu.memory_space<semaphore_mem>>
          %dma_start3A_158 = arith.constant 0 : i32
          %dma_start3A_159 = tpu.memref_slice %arg8[%add3A_135, %dma_start3A_158] : memref<16x128xi32, #tpu.memory_space<vmem>> -> memref<1x128xi32, #tpu.memory_space<vmem>>
          %dma_start3A_160 = tpu.memref_squeeze %dma_start3A_159 : memref<1x128xi32, #tpu.memory_space<vmem>> -> memref<128xi32, #tpu.memory_space<vmem>>
          %dma_start3A_161 = arith.constant 0 : i32
          %dma_start3A_162 = tpu.memref_slice %arg14[%dma_start3A_161] : memref<10240xf32, #tpu.memory_space<vmem_shared>> -> memref<10240xf32, #tpu.memory_space<vmem_shared>>
          tpu.enqueue_indirect_dma source(%arg12 : memref<128xf32, #tpu.memory_space<vmem>>) target(%dma_start3A_162 : memref<10240xf32, #tpu.memory_space<vmem_shared>>) offsets(%dma_start3A_160 : memref<128xi32, #tpu.memory_space<vmem>>) semaphore(%run_scoped3A : memref<!tpu.dma_semaphore, #tpu.memory_space<semaphore_mem>>) {add = true}
          %dma_wait3A_163 = arith.constant 0 : i32
          %dma_wait3A_164 = tpu.memref_slice %arg8[%add3A_135, %dma_wait3A_163] : memref<16x128xi32, #tpu.memory_space<vmem>> -> memref<1x128xi32, #tpu.memory_space<vmem>>
          %dma_wait3A_165 = tpu.memref_squeeze %dma_wait3A_164 : memref<1x128xi32, #tpu.memory_space<vmem>> -> memref<128xi32, #tpu.memory_space<vmem>>
          %dma_wait3A_166 = arith.constant 0 : i32
          %dma_wait3A_167 = tpu.memref_slice %arg14[%dma_wait3A_166] : memref<10240xf32, #tpu.memory_space<vmem_shared>> -> memref<10240xf32, #tpu.memory_space<vmem_shared>>
          tpu.wait_indirect_dma semaphore(%run_scoped3A : memref<!tpu.dma_semaphore, #tpu.memory_space<semaphore_mem>>) src(%arg12 : memref<128xf32, #tpu.memory_space<vmem>>) dst(%dma_wait3A_167 : memref<10240xf32, #tpu.memory_space<vmem_shared>>)
          tpu.yield
        }) : () -> ()
        %dma_wait3A_145 = arith.constant 0 : i32
        %dma_wait3A_146 = tpu.memref_slice %arg8[%add3A_135, %dma_wait3A_145] : memref<16x128xi32, #tpu.memory_space<vmem>> -> memref<1x128xi32, #tpu.memory_space<vmem>>
        %dma_wait3A_147 = tpu.memref_squeeze %dma_wait3A_146 : memref<1x128xi32, #tpu.memory_space<vmem>> -> memref<128xi32, #tpu.memory_space<vmem>>
        %dma_wait3A_148 = arith.constant 0 : i32
        %dma_wait3A_149 = arith.constant 0 : i32
        %dma_wait3A_150 = tpu.memref_slice %arg2[%dma_wait3A_148, %dma_wait3A_149] : memref<10240x128xf32, #tpu.memory_space<hbm>> -> memref<10240x128xf32, #tpu.memory_space<hbm>>
        tpu.wait_indirect_dma semaphore(%arg17 : memref<!tpu.dma_semaphore, #tpu.memory_space<semaphore_mem>>) src(%dma_wait3A_150 : memref<10240x128xf32, #tpu.memory_space<hbm>>) dst(%arg11 : memref<128x128xf32, #tpu.memory_space<vmem>>)
        "tpu.region"() ({
          %run_scoped3A = tpu.sem_alloc : memref<!tpu.dma_semaphore, #tpu.memory_space<semaphore_mem>>
          %dma_start3A_158 = arith.constant 0 : i32
          %dma_start3A_159 = tpu.memref_slice %arg9[%add3A_135, %dma_start3A_158] : memref<16x128xi32, #tpu.memory_space<vmem>> -> memref<1x128xi32, #tpu.memory_space<vmem>>
          %dma_start3A_160 = tpu.memref_squeeze %dma_start3A_159 : memref<1x128xi32, #tpu.memory_space<vmem>> -> memref<128xi32, #tpu.memory_space<vmem>>
          %dma_start3A_161 = arith.constant 0 : i32
          %dma_start3A_162 = arith.constant 0 : i32
          %dma_start3A_163 = tpu.memref_slice %arg13[%dma_start3A_161, %dma_start3A_162] : memref<10240x128xf32, #tpu.memory_space<vmem_shared>> -> memref<10240x128xf32, #tpu.memory_space<vmem_shared>>
          tpu.enqueue_indirect_dma source(%arg11 : memref<128x128xf32, #tpu.memory_space<vmem>>) target(%dma_start3A_163 : memref<10240x128xf32, #tpu.memory_space<vmem_shared>>) offsets(%dma_start3A_160 : memref<128xi32, #tpu.memory_space<vmem>>) semaphore(%run_scoped3A : memref<!tpu.dma_semaphore, #tpu.memory_space<semaphore_mem>>) {add = true}
          %dma_wait3A_164 = arith.constant 0 : i32
          %dma_wait3A_165 = tpu.memref_slice %arg9[%add3A_135, %dma_wait3A_164] : memref<16x128xi32, #tpu.memory_space<vmem>> -> memref<1x128xi32, #tpu.memory_space<vmem>>
          %dma_wait3A_166 = tpu.memref_squeeze %dma_wait3A_165 : memref<1x128xi32, #tpu.memory_space<vmem>> -> memref<128xi32, #tpu.memory_space<vmem>>
          %dma_wait3A_167 = arith.constant 0 : i32
          %dma_wait3A_168 = arith.constant 0 : i32
          %dma_wait3A_169 = tpu.memref_slice %arg13[%dma_wait3A_167, %dma_wait3A_168] : memref<10240x128xf32, #tpu.memory_space<vmem_shared>> -> memref<10240x128xf32, #tpu.memory_space<vmem_shared>>
          tpu.wait_indirect_dma semaphore(%run_scoped3A : memref<!tpu.dma_semaphore, #tpu.memory_space<semaphore_mem>>) src(%arg11 : memref<128x128xf32, #tpu.memory_space<vmem>>) dst(%dma_wait3A_169 : memref<10240x128xf32, #tpu.memory_space<vmem_shared>>)
          tpu.yield
        }) : () -> ()
        %add3A_151 = arith.constant 2 : i32
        %add3A_152 = arith.addi %add3A_135, %add3A_151 : i32
        %lt3A_153 = arith.constant 16 : i32
        %lt3A_154 = arith.cmpi slt, %add3A_152, %lt3A_153 : i32
        %convert_element_type3A_155 = arith.extui %lt3A_154 : i1 to i32
        %cond3A_156 = arith.constant 0 : i32
        %cond3A_157 = arith.cmpi ne, %convert_element_type3A_155, %cond3A_156 : i32
        scf.if %cond3A_157 {
          %add3A_158 = arith.constant 2 : i32
          %add3A_159 = arith.addi %add3A_135, %add3A_158 : i32
          %dma_start3A_160 = arith.constant 0 : i32
          %dma_start3A_161 = tpu.memref_slice %arg8[%add3A_159, %dma_start3A_160] : memref<16x128xi32, #tpu.memory_space<vmem>> -> memref<1x128xi32, #tpu.memory_space<vmem>>
          %dma_start3A_162 = tpu.memref_squeeze %dma_start3A_161 : memref<1x128xi32, #tpu.memory_space<vmem>> -> memref<128xi32, #tpu.memory_space<vmem>>
          %dma_start3A_163 = arith.constant 0 : i32
          %dma_start3A_164 = arith.constant 0 : i32
          %dma_start3A_165 = tpu.memref_slice %arg2[%dma_start3A_163, %dma_start3A_164] : memref<10240x128xf32, #tpu.memory_space<hbm>> -> memref<10240x128xf32, #tpu.memory_space<hbm>>
          tpu.enqueue_indirect_dma source(%dma_start3A_165 : memref<10240x128xf32, #tpu.memory_space<hbm>>) target(%arg11 : memref<128x128xf32, #tpu.memory_space<vmem>>) offsets(%dma_start3A_162 : memref<128xi32, #tpu.memory_space<vmem>>) semaphore(%arg17 : memref<!tpu.dma_semaphore, #tpu.memory_space<semaphore_mem>>)
        } else {
        }
      }
      %scan3A_128 = arith.constant 8 : i32
    }
    %scan3A_77 = arith.constant 5 : i32
    %barrier3A_78 = arith.constant 0 : index
    tpu.barrier barrier_id(%barrier3A_78)
    %mul3A_79 = arith.constant 640 : i32
    %mul3A_80 = arith.muli %arg1, %mul3A_79 : i32
    %add3A_81 = arith.constant 0 : i32
    %add3A_82 = arith.addi %mul3A_80, %add3A_81 : i32
    "tpu.region"() ({
      %run_scoped3A = tpu.sem_alloc : memref<!tpu.dma_semaphore, #tpu.memory_space<semaphore_mem>>
      %dma_start3A = arith.constant 0 : i32
      %dma_start3A_99 = tpu.memref_slice %arg6[%arg0, %add3A_82, %dma_start3A] : memref<2x10240x128xf32, #tpu.memory_space<hbm>> -> memref<1x128x128xf32, #tpu.memory_space<hbm>>
      %dma_start3A_100 = tpu.memref_squeeze %dma_start3A_99 : memref<1x128x128xf32, #tpu.memory_space<hbm>> -> memref<128x128xf32, #tpu.memory_space<hbm>>
      %dma_start3A_101 = arith.constant 0 : i32
      %dma_start3A_102 = tpu.memref_slice %arg13[%add3A_82, %dma_start3A_101] : memref<10240x128xf32, #tpu.memory_space<vmem_shared>> -> memref<128x128xf32, #tpu.memory_space<vmem_shared>>
      tpu.enqueue_dma source(%dma_start3A_102 : memref<128x128xf32, #tpu.memory_space<vmem_shared>>) target(%dma_start3A_100 : memref<128x128xf32, #tpu.memory_space<hbm>>) target_semaphore(%run_scoped3A : memref<!tpu.dma_semaphore, #tpu.memory_space<semaphore_mem>>)
      %dma_wait3A = arith.constant 0 : i32
      %dma_wait3A_103 = tpu.memref_slice %arg6[%arg0, %add3A_82, %dma_wait3A] : memref<2x10240x128xf32, #tpu.memory_space<hbm>> -> memref<1x128x128xf32, #tpu.memory_space<hbm>>
      %dma_wait3A_104 = tpu.memref_squeeze %dma_wait3A_103 : memref<1x128x128xf32, #tpu.memory_space<hbm>> -> memref<128x128xf32, #tpu.memory_space<hbm>>
      %dma_wait3A_105 = arith.constant 0 : i32
      %dma_wait3A_106 = tpu.memref_slice %arg13[%add3A_82, %dma_wait3A_105] : memref<10240x128xf32, #tpu.memory_space<vmem_shared>> -> memref<128x128xf32, #tpu.memory_space<vmem_shared>>
      tpu.wait_dma2 semaphore(%run_scoped3A : memref<!tpu.dma_semaphore, #tpu.memory_space<semaphore_mem>>) src(%dma_wait3A_106 : memref<128x128xf32, #tpu.memory_space<vmem_shared>>) dst(%dma_wait3A_104 : memref<128x128xf32, #tpu.memory_space<hbm>>)
      tpu.yield
    }) : () -> ()
    "tpu.region"() ({
      %run_scoped3A = tpu.sem_alloc : memref<!tpu.dma_semaphore, #tpu.memory_space<semaphore_mem>>
      %dma_start3A = tpu.memref_slice %arg7[%arg0, %add3A_82] : memref<2x10240xf32, #tpu.memory_space<hbm>> -> memref<1x128xf32, #tpu.memory_space<hbm>>
      %dma_start3A_99 = tpu.memref_squeeze %dma_start3A : memref<1x128xf32, #tpu.memory_space<hbm>> -> memref<128xf32, #tpu.memory_space<hbm>>
      %dma_start3A_100 = tpu.memref_slice %arg14[%add3A_82] : memref<10240xf32, #tpu.memory_space<vmem_shared>> -> memref<128xf32, #tpu.memory_space<vmem_shared>>
      tpu.enqueue_dma source(%dma_start3A_100 : memref<128xf32, #tpu.memory_space<vmem_shared>>) target(%dma_start3A_99 : memref<128xf32, #tpu.memory_space<hbm>>) target_semaphore(%run_scoped3A : memref<!tpu.dma_semaphore, #tpu.memory_space<semaphore_mem>>)
      %dma_wait3A = tpu.memref_slice %arg7[%arg0, %add3A_82] : memref<2x10240xf32, #tpu.memory_space<hbm>> -> memref<1x128xf32, #tpu.memory_space<hbm>>
      %dma_wait3A_101 = tpu.memref_squeeze %dma_wait3A : memref<1x128xf32, #tpu.memory_space<hbm>> -> memref<128xf32, #tpu.memory_space<hbm>>
      %dma_wait3A_102 = tpu.memref_slice %arg14[%add3A_82] : memref<10240xf32, #tpu.memory_space<vmem_shared>> -> memref<128xf32, #tpu.memory_space<vmem_shared>>
      tpu.wait_dma2 semaphore(%run_scoped3A : memref<!tpu.dma_semaphore, #tpu.memory_space<semaphore_mem>>) src(%dma_wait3A_102 : memref<128xf32, #tpu.memory_space<vmem_shared>>) dst(%dma_wait3A_101 : memref<128xf32, #tpu.memory_space<hbm>>)
      tpu.yield
    }) : () -> ()
    %mul3A_83 = arith.constant 640 : i32
    %mul3A_84 = arith.muli %arg1, %mul3A_83 : i32
    %add3A_85 = arith.constant 128 : i32
    %add3A_86 = arith.addi %mul3A_84, %add3A_85 : i32
    "tpu.region"() ({
      %run_scoped3A = tpu.sem_alloc : memref<!tpu.dma_semaphore, #tpu.memory_space<semaphore_mem>>
      %dma_start3A = arith.constant 0 : i32
      %dma_start3A_99 = tpu.memref_slice %arg6[%arg0, %add3A_86, %dma_start3A] : memref<2x10240x128xf32, #tpu.memory_space<hbm>> -> memref<1x128x128xf32, #tpu.memory_space<hbm>>
      %dma_start3A_100 = tpu.memref_squeeze %dma_start3A_99 : memref<1x128x128xf32, #tpu.memory_space<hbm>> -> memref<128x128xf32, #tpu.memory_space<hbm>>
      %dma_start3A_101 = arith.constant 0 : i32
      %dma_start3A_102 = tpu.memref_slice %arg13[%add3A_86, %dma_start3A_101] : memref<10240x128xf32, #tpu.memory_space<vmem_shared>> -> memref<128x128xf32, #tpu.memory_space<vmem_shared>>
      tpu.enqueue_dma source(%dma_start3A_102 : memref<128x128xf32, #tpu.memory_space<vmem_shared>>) target(%dma_start3A_100 : memref<128x128xf32, #tpu.memory_space<hbm>>) target_semaphore(%run_scoped3A : memref<!tpu.dma_semaphore, #tpu.memory_space<semaphore_mem>>)
      %dma_wait3A = arith.constant 0 : i32
      %dma_wait3A_103 = tpu.memref_slice %arg6[%arg0, %add3A_86, %dma_wait3A] : memref<2x10240x128xf32, #tpu.memory_space<hbm>> -> memref<1x128x128xf32, #tpu.memory_space<hbm>>
      %dma_wait3A_104 = tpu.memref_squeeze %dma_wait3A_103 : memref<1x128x128xf32, #tpu.memory_space<hbm>> -> memref<128x128xf32, #tpu.memory_space<hbm>>
      %dma_wait3A_105 = arith.constant 0 : i32
      %dma_wait3A_106 = tpu.memref_slice %arg13[%add3A_86, %dma_wait3A_105] : memref<10240x128xf32, #tpu.memory_space<vmem_shared>> -> memref<128x128xf32, #tpu.memory_space<vmem_shared>>
      tpu.wait_dma2 semaphore(%run_scoped3A : memref<!tpu.dma_semaphore, #tpu.memory_space<semaphore_mem>>) src(%dma_wait3A_106 : memref<128x128xf32, #tpu.memory_space<vmem_shared>>) dst(%dma_wait3A_104 : memref<128x128xf32, #tpu.memory_space<hbm>>)
      tpu.yield
    }) : () -> ()
    "tpu.region"() ({
      %run_scoped3A = tpu.sem_alloc : memref<!tpu.dma_semaphore, #tpu.memory_space<semaphore_mem>>
      %dma_start3A = tpu.memref_slice %arg7[%arg0, %add3A_86] : memref<2x10240xf32, #tpu.memory_space<hbm>> -> memref<1x128xf32, #tpu.memory_space<hbm>>
      %dma_start3A_99 = tpu.memref_squeeze %dma_start3A : memref<1x128xf32, #tpu.memory_space<hbm>> -> memref<128xf32, #tpu.memory_space<hbm>>
      %dma_start3A_100 = tpu.memref_slice %arg14[%add3A_86] : memref<10240xf32, #tpu.memory_space<vmem_shared>> -> memref<128xf32, #tpu.memory_space<vmem_shared>>
      tpu.enqueue_dma source(%dma_start3A_100 : memref<128xf32, #tpu.memory_space<vmem_shared>>) target(%dma_start3A_99 : memref<128xf32, #tpu.memory_space<hbm>>) target_semaphore(%run_scoped3A : memref<!tpu.dma_semaphore, #tpu.memory_space<semaphore_mem>>)
      %dma_wait3A = tpu.memref_slice %arg7[%arg0, %add3A_86] : memref<2x10240xf32, #tpu.memory_space<hbm>> -> memref<1x128xf32, #tpu.memory_space<hbm>>
      %dma_wait3A_101 = tpu.memref_squeeze %dma_wait3A : memref<1x128xf32, #tpu.memory_space<hbm>> -> memref<128xf32, #tpu.memory_space<hbm>>
      %dma_wait3A_102 = tpu.memref_slice %arg14[%add3A_86] : memref<10240xf32, #tpu.memory_space<vmem_shared>> -> memref<128xf32, #tpu.memory_space<vmem_shared>>
      tpu.wait_dma2 semaphore(%run_scoped3A : memref<!tpu.dma_semaphore, #tpu.memory_space<semaphore_mem>>) src(%dma_wait3A_102 : memref<128xf32, #tpu.memory_space<vmem_shared>>) dst(%dma_wait3A_101 : memref<128xf32, #tpu.memory_space<hbm>>)
      tpu.yield
    }) : () -> ()
    %mul3A_87 = arith.constant 640 : i32
    %mul3A_88 = arith.muli %arg1, %mul3A_87 : i32
    %add3A_89 = arith.constant 256 : i32
    %add3A_90 = arith.addi %mul3A_88, %add3A_89 : i32
    "tpu.region"() ({
      %run_scoped3A = tpu.sem_alloc : memref<!tpu.dma_semaphore, #tpu.memory_space<semaphore_mem>>
      %dma_start3A = arith.constant 0 : i32
      %dma_start3A_99 = tpu.memref_slice %arg6[%arg0, %add3A_90, %dma_start3A] : memref<2x10240x128xf32, #tpu.memory_space<hbm>> -> memref<1x128x128xf32, #tpu.memory_space<hbm>>
      %dma_start3A_100 = tpu.memref_squeeze %dma_start3A_99 : memref<1x128x128xf32, #tpu.memory_space<hbm>> -> memref<128x128xf32, #tpu.memory_space<hbm>>
      %dma_start3A_101 = arith.constant 0 : i32
      %dma_start3A_102 = tpu.memref_slice %arg13[%add3A_90, %dma_start3A_101] : memref<10240x128xf32, #tpu.memory_space<vmem_shared>> -> memref<128x128xf32, #tpu.memory_space<vmem_shared>>
      tpu.enqueue_dma source(%dma_start3A_102 : memref<128x128xf32, #tpu.memory_space<vmem_shared>>) target(%dma_start3A_100 : memref<128x128xf32, #tpu.memory_space<hbm>>) target_semaphore(%run_scoped3A : memref<!tpu.dma_semaphore, #tpu.memory_space<semaphore_mem>>)
      %dma_wait3A = arith.constant 0 : i32
      %dma_wait3A_103 = tpu.memref_slice %arg6[%arg0, %add3A_90, %dma_wait3A] : memref<2x10240x128xf32, #tpu.memory_space<hbm>> -> memref<1x128x128xf32, #tpu.memory_space<hbm>>
      %dma_wait3A_104 = tpu.memref_squeeze %dma_wait3A_103 : memref<1x128x128xf32, #tpu.memory_space<hbm>> -> memref<128x128xf32, #tpu.memory_space<hbm>>
      %dma_wait3A_105 = arith.constant 0 : i32
      %dma_wait3A_106 = tpu.memref_slice %arg13[%add3A_90, %dma_wait3A_105] : memref<10240x128xf32, #tpu.memory_space<vmem_shared>> -> memref<128x128xf32, #tpu.memory_space<vmem_shared>>
      tpu.wait_dma2 semaphore(%run_scoped3A : memref<!tpu.dma_semaphore, #tpu.memory_space<semaphore_mem>>) src(%dma_wait3A_106 : memref<128x128xf32, #tpu.memory_space<vmem_shared>>) dst(%dma_wait3A_104 : memref<128x128xf32, #tpu.memory_space<hbm>>)
      tpu.yield
    }) : () -> ()
    "tpu.region"() ({
      %run_scoped3A = tpu.sem_alloc : memref<!tpu.dma_semaphore, #tpu.memory_space<semaphore_mem>>
      %dma_start3A = tpu.memref_slice %arg7[%arg0, %add3A_90] : memref<2x10240xf32, #tpu.memory_space<hbm>> -> memref<1x128xf32, #tpu.memory_space<hbm>>
      %dma_start3A_99 = tpu.memref_squeeze %dma_start3A : memref<1x128xf32, #tpu.memory_space<hbm>> -> memref<128xf32, #tpu.memory_space<hbm>>
      %dma_start3A_100 = tpu.memref_slice %arg14[%add3A_90] : memref<10240xf32, #tpu.memory_space<vmem_shared>> -> memref<128xf32, #tpu.memory_space<vmem_shared>>
      tpu.enqueue_dma source(%dma_start3A_100 : memref<128xf32, #tpu.memory_space<vmem_shared>>) target(%dma_start3A_99 : memref<128xf32, #tpu.memory_space<hbm>>) target_semaphore(%run_scoped3A : memref<!tpu.dma_semaphore, #tpu.memory_space<semaphore_mem>>)
      %dma_wait3A = tpu.memref_slice %arg7[%arg0, %add3A_90] : memref<2x10240xf32, #tpu.memory_space<hbm>> -> memref<1x128xf32, #tpu.memory_space<hbm>>
      %dma_wait3A_101 = tpu.memref_squeeze %dma_wait3A : memref<1x128xf32, #tpu.memory_space<hbm>> -> memref<128xf32, #tpu.memory_space<hbm>>
      %dma_wait3A_102 = tpu.memref_slice %arg14[%add3A_90] : memref<10240xf32, #tpu.memory_space<vmem_shared>> -> memref<128xf32, #tpu.memory_space<vmem_shared>>
      tpu.wait_dma2 semaphore(%run_scoped3A : memref<!tpu.dma_semaphore, #tpu.memory_space<semaphore_mem>>) src(%dma_wait3A_102 : memref<128xf32, #tpu.memory_space<vmem_shared>>) dst(%dma_wait3A_101 : memref<128xf32, #tpu.memory_space<hbm>>)
      tpu.yield
    }) : () -> ()
    %mul3A_91 = arith.constant 640 : i32
    %mul3A_92 = arith.muli %arg1, %mul3A_91 : i32
    %add3A_93 = arith.constant 384 : i32
    %add3A_94 = arith.addi %mul3A_92, %add3A_93 : i32
    "tpu.region"() ({
      %run_scoped3A = tpu.sem_alloc : memref<!tpu.dma_semaphore, #tpu.memory_space<semaphore_mem>>
      %dma_start3A = arith.constant 0 : i32
      %dma_start3A_99 = tpu.memref_slice %arg6[%arg0, %add3A_94, %dma_start3A] : memref<2x10240x128xf32, #tpu.memory_space<hbm>> -> memref<1x128x128xf32, #tpu.memory_space<hbm>>
      %dma_start3A_100 = tpu.memref_squeeze %dma_start3A_99 : memref<1x128x128xf32, #tpu.memory_space<hbm>> -> memref<128x128xf32, #tpu.memory_space<hbm>>
      %dma_start3A_101 = arith.constant 0 : i32
      %dma_start3A_102 = tpu.memref_slice %arg13[%add3A_94, %dma_start3A_101] : memref<10240x128xf32, #tpu.memory_space<vmem_shared>> -> memref<128x128xf32, #tpu.memory_space<vmem_shared>>
      tpu.enqueue_dma source(%dma_start3A_102 : memref<128x128xf32, #tpu.memory_space<vmem_shared>>) target(%dma_start3A_100 : memref<128x128xf32, #tpu.memory_space<hbm>>) target_semaphore(%run_scoped3A : memref<!tpu.dma_semaphore, #tpu.memory_space<semaphore_mem>>)
      %dma_wait3A = arith.constant 0 : i32
      %dma_wait3A_103 = tpu.memref_slice %arg6[%arg0, %add3A_94, %dma_wait3A] : memref<2x10240x128xf32, #tpu.memory_space<hbm>> -> memref<1x128x128xf32, #tpu.memory_space<hbm>>
      %dma_wait3A_104 = tpu.memref_squeeze %dma_wait3A_103 : memref<1x128x128xf32, #tpu.memory_space<hbm>> -> memref<128x128xf32, #tpu.memory_space<hbm>>
      %dma_wait3A_105 = arith.constant 0 : i32
      %dma_wait3A_106 = tpu.memref_slice %arg13[%add3A_94, %dma_wait3A_105] : memref<10240x128xf32, #tpu.memory_space<vmem_shared>> -> memref<128x128xf32, #tpu.memory_space<vmem_shared>>
      tpu.wait_dma2 semaphore(%run_scoped3A : memref<!tpu.dma_semaphore, #tpu.memory_space<semaphore_mem>>) src(%dma_wait3A_106 : memref<128x128xf32, #tpu.memory_space<vmem_shared>>) dst(%dma_wait3A_104 : memref<128x128xf32, #tpu.memory_space<hbm>>)
      tpu.yield
    }) : () -> ()
    "tpu.region"() ({
      %run_scoped3A = tpu.sem_alloc : memref<!tpu.dma_semaphore, #tpu.memory_space<semaphore_mem>>
      %dma_start3A = tpu.memref_slice %arg7[%arg0, %add3A_94] : memref<2x10240xf32, #tpu.memory_space<hbm>> -> memref<1x128xf32, #tpu.memory_space<hbm>>
      %dma_start3A_99 = tpu.memref_squeeze %dma_start3A : memref<1x128xf32, #tpu.memory_space<hbm>> -> memref<128xf32, #tpu.memory_space<hbm>>
      %dma_start3A_100 = tpu.memref_slice %arg14[%add3A_94] : memref<10240xf32, #tpu.memory_space<vmem_shared>> -> memref<128xf32, #tpu.memory_space<vmem_shared>>
      tpu.enqueue_dma source(%dma_start3A_100 : memref<128xf32, #tpu.memory_space<vmem_shared>>) target(%dma_start3A_99 : memref<128xf32, #tpu.memory_space<hbm>>) target_semaphore(%run_scoped3A : memref<!tpu.dma_semaphore, #tpu.memory_space<semaphore_mem>>)
      %dma_wait3A = tpu.memref_slice %arg7[%arg0, %add3A_94] : memref<2x10240xf32, #tpu.memory_space<hbm>> -> memref<1x128xf32, #tpu.memory_space<hbm>>
      %dma_wait3A_101 = tpu.memref_squeeze %dma_wait3A : memref<1x128xf32, #tpu.memory_space<hbm>> -> memref<128xf32, #tpu.memory_space<hbm>>
      %dma_wait3A_102 = tpu.memref_slice %arg14[%add3A_94] : memref<10240xf32, #tpu.memory_space<vmem_shared>> -> memref<128xf32, #tpu.memory_space<vmem_shared>>
      tpu.wait_dma2 semaphore(%run_scoped3A : memref<!tpu.dma_semaphore, #tpu.memory_space<semaphore_mem>>) src(%dma_wait3A_102 : memref<128xf32, #tpu.memory_space<vmem_shared>>) dst(%dma_wait3A_101 : memref<128xf32, #tpu.memory_space<hbm>>)
      tpu.yield
    }) : () -> ()
    %mul3A_95 = arith.constant 640 : i32
    %mul3A_96 = arith.muli %arg1, %mul3A_95 : i32
    %add3A_97 = arith.constant 512 : i32
    %add3A_98 = arith.addi %mul3A_96, %add3A_97 : i32
    "tpu.region"() ({
      %run_scoped3A = tpu.sem_alloc : memref<!tpu.dma_semaphore, #tpu.memory_space<semaphore_mem>>
      %dma_start3A = arith.constant 0 : i32
      %dma_start3A_99 = tpu.memref_slice %arg6[%arg0, %add3A_98, %dma_start3A] : memref<2x10240x128xf32, #tpu.memory_space<hbm>> -> memref<1x128x128xf32, #tpu.memory_space<hbm>>
      %dma_start3A_100 = tpu.memref_squeeze %dma_start3A_99 : memref<1x128x128xf32, #tpu.memory_space<hbm>> -> memref<128x128xf32, #tpu.memory_space<hbm>>
      %dma_start3A_101 = arith.constant 0 : i32
      %dma_start3A_102 = tpu.memref_slice %arg13[%add3A_98, %dma_start3A_101] : memref<10240x128xf32, #tpu.memory_space<vmem_shared>> -> memref<128x128xf32, #tpu.memory_space<vmem_shared>>
      tpu.enqueue_dma source(%dma_start3A_102 : memref<128x128xf32, #tpu.memory_space<vmem_shared>>) target(%dma_start3A_100 : memref<128x128xf32, #tpu.memory_space<hbm>>) target_semaphore(%run_scoped3A : memref<!tpu.dma_semaphore, #tpu.memory_space<semaphore_mem>>)
      %dma_wait3A = arith.constant 0 : i32
      %dma_wait3A_103 = tpu.memref_slice %arg6[%arg0, %add3A_98, %dma_wait3A] : memref<2x10240x128xf32, #tpu.memory_space<hbm>> -> memref<1x128x128xf32, #tpu.memory_space<hbm>>
      %dma_wait3A_104 = tpu.memref_squeeze %dma_wait3A_103 : memref<1x128x128xf32, #tpu.memory_space<hbm>> -> memref<128x128xf32, #tpu.memory_space<hbm>>
      %dma_wait3A_105 = arith.constant 0 : i32
      %dma_wait3A_106 = tpu.memref_slice %arg13[%add3A_98, %dma_wait3A_105] : memref<10240x128xf32, #tpu.memory_space<vmem_shared>> -> memref<128x128xf32, #tpu.memory_space<vmem_shared>>
      tpu.wait_dma2 semaphore(%run_scoped3A : memref<!tpu.dma_semaphore, #tpu.memory_space<semaphore_mem>>) src(%dma_wait3A_106 : memref<128x128xf32, #tpu.memory_space<vmem_shared>>) dst(%dma_wait3A_104 : memref<128x128xf32, #tpu.memory_space<hbm>>)
      tpu.yield
    }) : () -> ()
    "tpu.region"() ({
      %run_scoped3A = tpu.sem_alloc : memref<!tpu.dma_semaphore, #tpu.memory_space<semaphore_mem>>
      %dma_start3A = tpu.memref_slice %arg7[%arg0, %add3A_98] : memref<2x10240xf32, #tpu.memory_space<hbm>> -> memref<1x128xf32, #tpu.memory_space<hbm>>
      %dma_start3A_99 = tpu.memref_squeeze %dma_start3A : memref<1x128xf32, #tpu.memory_space<hbm>> -> memref<128xf32, #tpu.memory_space<hbm>>
      %dma_start3A_100 = tpu.memref_slice %arg14[%add3A_98] : memref<10240xf32, #tpu.memory_space<vmem_shared>> -> memref<128xf32, #tpu.memory_space<vmem_shared>>
      tpu.enqueue_dma source(%dma_start3A_100 : memref<128xf32, #tpu.memory_space<vmem_shared>>) target(%dma_start3A_99 : memref<128xf32, #tpu.memory_space<hbm>>) target_semaphore(%run_scoped3A : memref<!tpu.dma_semaphore, #tpu.memory_space<semaphore_mem>>)
      %dma_wait3A = tpu.memref_slice %arg7[%arg0, %add3A_98] : memref<2x10240xf32, #tpu.memory_space<hbm>> -> memref<1x128xf32, #tpu.memory_space<hbm>>
      %dma_wait3A_101 = tpu.memref_squeeze %dma_wait3A : memref<1x128xf32, #tpu.memory_space<hbm>> -> memref<128xf32, #tpu.memory_space<hbm>>
      %dma_wait3A_102 = tpu.memref_slice %arg14[%add3A_98] : memref<10240xf32, #tpu.memory_space<vmem_shared>> -> memref<128xf32, #tpu.memory_space<vmem_shared>>
      tpu.wait_dma2 semaphore(%run_scoped3A : memref<!tpu.dma_semaphore, #tpu.memory_space<semaphore_mem>>) src(%dma_wait3A_102 : memref<128xf32, #tpu.memory_space<vmem_shared>>) dst(%dma_wait3A_101 : memref<128xf32, #tpu.memory_space<hbm>>)
      tpu.yield
    }) : () -> ()
    return
  }
}

module attributes {stable_mosaic.version = 14 : i64} {
  func.func @_mm_body(%arg0: i32, %arg1: memref<512x128xf32, #tpu.memory_space<vmem>>, %arg2: memref<128x128xf32, #tpu.memory_space<vmem>>, %arg3: memref<1x4x128xf32, #tpu.memory_space<vmem>>, %arg4: memref<512x128xf32, #tpu.memory_space<vmem>>) attributes {dimension_semantics = [#tpu.dimension_semantics<arbitrary>], iteration_bounds = array<i64: 20>, scalar_prefetch = 0 : i64, scratch_operands = 0 : i64, tpu.core_type = #tpu.core_type<tc>, window_params = [{transform_indices = @transform_0, window_bounds = array<i64: 512, 128>}, {pipeline_mode = #tpu.pipeline_mode<synchronous>, transform_indices = @transform_1, window_bounds = array<i64: 128, 128>}, {transform_indices = @transform_2, window_bounds = array<i64: 1, 4, 128>}, {transform_indices = @transform_3, window_bounds = array<i64: 512, 128>}]} {
    %get3A = arith.constant 0 : index
    %get3A_0 = arith.constant 0 : index
    %get3A_1 = vector.load %arg1[%get3A, %get3A_0] : memref<512x128xf32, #tpu.memory_space<vmem>>, vector<512x128xf32>
    %get3A_2 = arith.constant 0 : index
    %get3A_3 = arith.constant 0 : index
    %get3A_4 = vector.load %arg2[%get3A_2, %get3A_3] : memref<128x128xf32, #tpu.memory_space<vmem>>, vector<128x128xf32>
    %dot_general3A = arith.constant dense<0.000000e+00> : vector<512x128xf32>
    %dot_general3A_5 = tpu.matmul %get3A_1, %get3A_4, %dot_general3A {dimension_numbers = #tpu.dot_dimension_numbers<[1], [0], [0], [1], [0, 0, 1, 1], [], []>, transpose_lhs_hint = false} : vector<512x128xf32>, vector<128x128xf32>, vector<512x128xf32> -> vector<512x128xf32>
    %get3A_6 = arith.constant 0 : index
    %get3A_7 = arith.constant 0 : index
    %get3A_8 = arith.constant 0 : index
    %get3A_9 = vector.load %arg3[%get3A_6, %get3A_7, %get3A_8] : memref<1x4x128xf32, #tpu.memory_space<vmem>>, vector<1x4x128xf32>
    %get3A_10 = vector.shape_cast %get3A_9 : vector<1x4x128xf32> to vector<4x128xf32>
    %iota3A = tpu.iota {dimensions = array<i32: 0>} : vector<128x128xi32>
    %iota3A_11 = tpu.iota {dimensions = array<i32: 1>} : vector<128x128xi32>
    %eq3A = arith.cmpi eq, %iota3A, %iota3A_11 : vector<128x128xi32>
    %slice3A = vector.extract_strided_slice %get3A_10 {offsets = [0, 0], sizes = [1, 128], strides = [1, 1]} : vector<4x128xf32> to vector<1x128xf32>
    %broadcast_in_dim3A = vector.shape_cast %slice3A : vector<1x128xf32> to vector<1x128xf32>
    %broadcast_in_dim3A_12 = vector.broadcast %broadcast_in_dim3A : vector<1x128xf32> to vector<128x128xf32>
    %jit3A = arith.constant 0.000000e+00 : f32
    %broadcast_in_dim3A_13 = vector.broadcast %jit3A : f32 to vector<128x128xf32>
    %select_n3A = arith.select %eq3A, %broadcast_in_dim3A_12, %broadcast_in_dim3A_13 : vector<128x128xi1>, vector<128x128xf32>
    %slice3A_14 = vector.extract_strided_slice %dot_general3A_5 {offsets = [0, 0], sizes = [128, 128], strides = [1, 1]} : vector<512x128xf32> to vector<128x128xf32>
    %dot_general3A_15 = arith.constant dense<0.000000e+00> : vector<128x128xf32>
    %dot_general3A_16 = tpu.matmul %select_n3A, %slice3A_14, %dot_general3A_15 {dimension_numbers = #tpu.dot_dimension_numbers<[1], [0], [0], [1], [0, 0, 1, 1], [], []>, transpose_lhs_hint = false} : vector<128x128xf32>, vector<128x128xf32>, vector<128x128xf32> -> vector<128x128xf32>
    %swap3A = arith.constant 0 : index
    %swap3A_17 = arith.constant 0 : index
    %swap3A_18 = vector.load %arg4[%swap3A, %swap3A_17] : memref<512x128xf32, #tpu.memory_space<vmem>>, vector<128x128xf32>
    tpu.vector_store %arg4[%swap3A, %swap3A_17], %dot_general3A_16 {strides = array<i32>} : memref<512x128xf32, #tpu.memory_space<vmem>>, vector<128x128xf32>,
    %slice3A_19 = vector.extract_strided_slice %get3A_10 {offsets = [1, 0], sizes = [1, 128], strides = [1, 1]} : vector<4x128xf32> to vector<1x128xf32>
    %broadcast_in_dim3A_20 = vector.shape_cast %slice3A_19 : vector<1x128xf32> to vector<1x128xf32>
    %broadcast_in_dim3A_21 = vector.broadcast %broadcast_in_dim3A_20 : vector<1x128xf32> to vector<128x128xf32>
    %jit3A_22 = arith.constant 0.000000e+00 : f32
    %broadcast_in_dim3A_23 = vector.broadcast %jit3A_22 : f32 to vector<128x128xf32>
    %select_n3A_24 = arith.select %eq3A, %broadcast_in_dim3A_21, %broadcast_in_dim3A_23 : vector<128x128xi1>, vector<128x128xf32>
    %slice3A_25 = vector.extract_strided_slice %dot_general3A_5 {offsets = [128, 0], sizes = [128, 128], strides = [1, 1]} : vector<512x128xf32> to vector<128x128xf32>
    %dot_general3A_26 = arith.constant dense<0.000000e+00> : vector<128x128xf32>
    %dot_general3A_27 = tpu.matmul %select_n3A_24, %slice3A_25, %dot_general3A_26 {dimension_numbers = #tpu.dot_dimension_numbers<[1], [0], [0], [1], [0, 0, 1, 1], [], []>, transpose_lhs_hint = false} : vector<128x128xf32>, vector<128x128xf32>, vector<128x128xf32> -> vector<128x128xf32>
    %swap3A_28 = arith.constant 128 : index
    %swap3A_29 = arith.constant 0 : index
    %swap3A_30 = vector.load %arg4[%swap3A_28, %swap3A_29] : memref<512x128xf32, #tpu.memory_space<vmem>>, vector<128x128xf32>
    tpu.vector_store %arg4[%swap3A_28, %swap3A_29], %dot_general3A_27 {strides = array<i32>} : memref<512x128xf32, #tpu.memory_space<vmem>>, vector<128x128xf32>,
    %slice3A_31 = vector.extract_strided_slice %get3A_10 {offsets = [2, 0], sizes = [1, 128], strides = [1, 1]} : vector<4x128xf32> to vector<1x128xf32>
    %broadcast_in_dim3A_32 = vector.shape_cast %slice3A_31 : vector<1x128xf32> to vector<1x128xf32>
    %broadcast_in_dim3A_33 = vector.broadcast %broadcast_in_dim3A_32 : vector<1x128xf32> to vector<128x128xf32>
    %jit3A_34 = arith.constant 0.000000e+00 : f32
    %broadcast_in_dim3A_35 = vector.broadcast %jit3A_34 : f32 to vector<128x128xf32>
    %select_n3A_36 = arith.select %eq3A, %broadcast_in_dim3A_33, %broadcast_in_dim3A_35 : vector<128x128xi1>, vector<128x128xf32>
    %slice3A_37 = vector.extract_strided_slice %dot_general3A_5 {offsets = [256, 0], sizes = [128, 128], strides = [1, 1]} : vector<512x128xf32> to vector<128x128xf32>
    %dot_general3A_38 = arith.constant dense<0.000000e+00> : vector<128x128xf32>
    %dot_general3A_39 = tpu.matmul %select_n3A_36, %slice3A_37, %dot_general3A_38 {dimension_numbers = #tpu.dot_dimension_numbers<[1], [0], [0], [1], [0, 0, 1, 1], [], []>, transpose_lhs_hint = false} : vector<128x128xf32>, vector<128x128xf32>, vector<128x128xf32> -> vector<128x128xf32>
    %swap3A_40 = arith.constant 256 : index
    %swap3A_41 = arith.constant 0 : index
    %swap3A_42 = vector.load %arg4[%swap3A_40, %swap3A_41] : memref<512x128xf32, #tpu.memory_space<vmem>>, vector<128x128xf32>
    tpu.vector_store %arg4[%swap3A_40, %swap3A_41], %dot_general3A_39 {strides = array<i32>} : memref<512x128xf32, #tpu.memory_space<vmem>>, vector<128x128xf32>,
    %slice3A_43 = vector.extract_strided_slice %get3A_10 {offsets = [3, 0], sizes = [1, 128], strides = [1, 1]} : vector<4x128xf32> to vector<1x128xf32>
    %broadcast_in_dim3A_44 = vector.shape_cast %slice3A_43 : vector<1x128xf32> to vector<1x128xf32>
    %broadcast_in_dim3A_45 = vector.broadcast %broadcast_in_dim3A_44 : vector<1x128xf32> to vector<128x128xf32>
    %jit3A_46 = arith.constant 0.000000e+00 : f32
    %broadcast_in_dim3A_47 = vector.broadcast %jit3A_46 : f32 to vector<128x128xf32>
    %select_n3A_48 = arith.select %eq3A, %broadcast_in_dim3A_45, %broadcast_in_dim3A_47 : vector<128x128xi1>, vector<128x128xf32>
    %slice3A_49 = vector.extract_strided_slice %dot_general3A_5 {offsets = [384, 0], sizes = [128, 128], strides = [1, 1]} : vector<512x128xf32> to vector<128x128xf32>
    %dot_general3A_50 = arith.constant dense<0.000000e+00> : vector<128x128xf32>
    %dot_general3A_51 = tpu.matmul %select_n3A_48, %slice3A_49, %dot_general3A_50 {dimension_numbers = #tpu.dot_dimension_numbers<[1], [0], [0], [1], [0, 0, 1, 1], [], []>, transpose_lhs_hint = false} : vector<128x128xf32>, vector<128x128xf32>, vector<128x128xf32> -> vector<128x128xf32>
    %swap3A_52 = arith.constant 384 : index
    %swap3A_53 = arith.constant 0 : index
    %swap3A_54 = vector.load %arg4[%swap3A_52, %swap3A_53] : memref<512x128xf32, #tpu.memory_space<vmem>>, vector<128x128xf32>
    tpu.vector_store %arg4[%swap3A_52, %swap3A_53], %dot_general3A_51 {strides = array<i32>} : memref<512x128xf32, #tpu.memory_space<vmem>>, vector<128x128xf32>,
    return
  }
  func.func @transform_0(%arg0: i32) -> (i32, i32) {
    %c0_i32 = arith.constant 0 : i32
    %c0_i32_0 = arith.constant 0 : i32
    return %arg0, %c0_i32 : i32, i32
  }
  func.func @transform_1(%arg0: i32) -> (i32, i32) {
    %c0_i32 = arith.constant 0 : i32
    %c0_i32_0 = arith.constant 0 : i32
    %c0_i32_1 = arith.constant 0 : i32
    return %c0_i32, %c0_i32_0 : i32, i32
  }
  func.func @transform_2(%arg0: i32) -> (i32, i32, i32) {
    %c0_i32 = arith.constant 0 : i32
    %c0_i32_0 = arith.constant 0 : i32
    %c0_i32_1 = arith.constant 0 : i32
    return %arg0, %c0_i32, %c0_i32_0 : i32, i32, i32
  }
  func.func @transform_3(%arg0: i32) -> (i32, i32) {
    %c0_i32 = arith.constant 0 : i32
    %c0_i32_0 = arith.constant 0 : i32
    return %arg0, %c0_i32 : i32, i32
  }
}

module attributes {stable_mosaic.version = 14 : i64} {
  func.func @_fin_body(%arg0: i32, %arg1: memref<512x128xf32, #tpu.memory_space<vmem>>, %arg2: memref<2x512x128xf32, #tpu.memory_space<vmem>>, %arg3: memref<1x4x128xf32, #tpu.memory_space<vmem>>, %arg4: memref<1x4x128xf32, #tpu.memory_space<vmem>>, %arg5: memref<1x128xf32, #tpu.memory_space<vmem>>, %arg6: memref<128x128xf32, #tpu.memory_space<vmem>>, %arg7: memref<1x128xf32, #tpu.memory_space<vmem>>, %arg8: memref<1x128xf32, #tpu.memory_space<vmem>>, %arg9: memref<1x128xf32, #tpu.memory_space<vmem>>) attributes {dimension_semantics = [#tpu.dimension_semantics<arbitrary>], iteration_bounds = array<i64: 20>, scalar_prefetch = 0 : i64, scratch_operands = 1 : i64, tpu.core_type = #tpu.core_type<tc>, window_params = [{transform_indices = @transform_0, window_bounds = array<i64: 512, 128>}, {transform_indices = @transform_1, window_bounds = array<i64: 2, 512, 128>}, {transform_indices = @transform_2, window_bounds = array<i64: 1, 4, 128>}, {transform_indices = @transform_3, window_bounds = array<i64: 1, 4, 128>}, {pipeline_mode = #tpu.pipeline_mode<synchronous>, transform_indices = @transform_4, window_bounds = array<i64: 1, 128>}, {pipeline_mode = #tpu.pipeline_mode<synchronous>, transform_indices = @transform_5, window_bounds = array<i64: 128, 128>}, {pipeline_mode = #tpu.pipeline_mode<synchronous>, transform_indices = @transform_6, window_bounds = array<i64: 1, 128>}, {pipeline_mode = #tpu.pipeline_mode<synchronous>, transform_indices = @transform_7, window_bounds = array<i64: 1, 128>}]} {
    %eq3A = arith.constant 0 : i32
    %eq3A_0 = arith.cmpi eq, %arg0, %eq3A : i32
    %convert_element_type3A = arith.extui %eq3A_0 : i1 to i32
    %cond3A = arith.constant 0 : i32
    %cond3A_1 = arith.cmpi ne, %convert_element_type3A, %cond3A : i32
    scf.if %cond3A_1 {
      %broadcast_in_dim3A_134 = arith.constant 0.000000e+00 : f32
      %broadcast_in_dim3A_135 = vector.broadcast %broadcast_in_dim3A_134 : f32 to vector<1x128xf32>
      %swap3A_136 = arith.constant 0 : index
      %swap3A_137 = arith.constant 0 : index
      %swap3A_138 = vector.load %arg9[%swap3A_136, %swap3A_137] : memref<1x128xf32, #tpu.memory_space<vmem>>, vector<1x128xf32>
      tpu.vector_store %arg9[%swap3A_136, %swap3A_137], %broadcast_in_dim3A_135 {strides = array<i32>} : memref<1x128xf32, #tpu.memory_space<vmem>>, vector<1x128xf32>,
    } else {
    }
    %get3A = arith.constant 0 : index
    %get3A_2 = arith.constant 0 : index
    %get3A_3 = arith.constant 0 : index
    %get3A_4 = vector.load %arg3[%get3A, %get3A_2, %get3A_3] : memref<1x4x128xf32, #tpu.memory_space<vmem>>, vector<1x4x128xf32>
    %get3A_5 = vector.shape_cast %get3A_4 : vector<1x4x128xf32> to vector<4x128xf32>
    %get3A_6 = arith.constant 0 : index
    %get3A_7 = arith.constant 0 : index
    %get3A_8 = arith.constant 0 : index
    %get3A_9 = vector.load %arg4[%get3A_6, %get3A_7, %get3A_8] : memref<1x4x128xf32, #tpu.memory_space<vmem>>, vector<1x4x128xf32>
    %get3A_10 = vector.shape_cast %get3A_9 : vector<1x4x128xf32> to vector<4x128xf32>
    %add3A = arith.addf %get3A_10, %get3A_5 : vector<4x128xf32>
    %mul3A = arith.mulf %get3A_5, %add3A : vector<4x128xf32>
    %mul3A_11 = arith.constant 512 : i32
    %mul3A_12 = arith.muli %arg0, %mul3A_11 : i32
    %iota3A = tpu.iota {dimensions = array<i32: 0>} : vector<4x128xi32>
    %mul3A_13 = arith.constant 128 : i32
    %mul3A_14 = vector.broadcast %mul3A_13 : i32 to vector<4x128xi32>
    %mul3A_15 = arith.muli %mul3A_14, %iota3A : vector<4x128xi32>
    %add3A_16 = vector.broadcast %mul3A_12 : i32 to vector<4x128xi32>
    %add3A_17 = arith.addi %add3A_16, %mul3A_15 : vector<4x128xi32>
    %iota3A_18 = tpu.iota {dimensions = array<i32: 1>} : vector<4x128xi32>
    %add3A_19 = arith.addi %add3A_17, %iota3A_18 : vector<4x128xi32>
    %lt3A = arith.constant 10000 : i32
    %lt3A_20 = vector.broadcast %lt3A : i32 to vector<4x128xi32>
    %lt3A_21 = arith.cmpi slt, %add3A_19, %lt3A_20 : vector<4x128xi32>
    %jit3A = arith.constant 0.000000e+00 : f32
    %broadcast_in_dim3A = vector.broadcast %jit3A : f32 to vector<4x128xf32>
    %select_n3A = arith.select %lt3A_21, %mul3A, %broadcast_in_dim3A : vector<4x128xi1>, vector<4x128xf32>
    %iota3A_22 = tpu.iota {dimensions = array<i32: 0>} : vector<128x128xi32>
    %iota3A_23 = tpu.iota {dimensions = array<i32: 1>} : vector<128x128xi32>
    %eq3A_24 = arith.cmpi eq, %iota3A_22, %iota3A_23 : vector<128x128xi32>
    %get3A_25 = arith.constant 0 : index
    %get3A_26 = arith.constant 0 : index
    %get3A_27 = arith.constant 0 : index
    %get3A_28 = vector.load %arg2[%get3A_25, %get3A_26, %get3A_27] : memref<2x512x128xf32, #tpu.memory_space<vmem>>, vector<1x512x128xf32>
    %get3A_29 = vector.shape_cast %get3A_28 : vector<1x512x128xf32> to vector<512x128xf32>
    %get3A_30 = arith.constant 1 : index
    %get3A_31 = arith.constant 0 : index
    %get3A_32 = arith.constant 0 : index
    %get3A_33 = vector.load %arg2[%get3A_30, %get3A_31, %get3A_32] : memref<2x512x128xf32, #tpu.memory_space<vmem>>, vector<1x512x128xf32>
    %get3A_34 = vector.shape_cast %get3A_33 : vector<1x512x128xf32> to vector<512x128xf32>
    %add3A_35 = arith.addf %get3A_29, %get3A_34 : vector<512x128xf32>
    %get3A_36 = arith.constant 0 : index
    %get3A_37 = arith.constant 0 : index
    %get3A_38 = vector.load %arg1[%get3A_36, %get3A_37] : memref<512x128xf32, #tpu.memory_space<vmem>>, vector<512x128xf32>
    %add3A_39 = arith.addf %add3A_35, %get3A_38 : vector<512x128xf32>
    %broadcast_in_dim3A_40 = arith.constant 0.000000e+00 : f32
    %broadcast_in_dim3A_41 = vector.broadcast %broadcast_in_dim3A_40 : f32 to vector<1x128xf32>
    %slice3A = vector.extract_strided_slice %get3A_5 {offsets = [0, 0], sizes = [1, 128], strides = [1, 1]} : vector<4x128xf32> to vector<1x128xf32>
    %broadcast_in_dim3A_42 = vector.shape_cast %slice3A : vector<1x128xf32> to vector<1x128xf32>
    %broadcast_in_dim3A_43 = vector.broadcast %broadcast_in_dim3A_42 : vector<1x128xf32> to vector<128x128xf32>
    %jit3A_44 = arith.constant 0.000000e+00 : f32
    %broadcast_in_dim3A_45 = vector.broadcast %jit3A_44 : f32 to vector<128x128xf32>
    %select_n3A_46 = arith.select %eq3A_24, %broadcast_in_dim3A_43, %broadcast_in_dim3A_45 : vector<128x128xi1>, vector<128x128xf32>
    %slice3A_47 = vector.extract_strided_slice %add3A_39 {offsets = [0, 0], sizes = [128, 128], strides = [1, 1]} : vector<512x128xf32> to vector<128x128xf32>
    %dot_general3A = arith.constant dense<0.000000e+00> : vector<128x128xf32>
    %dot_general3A_48 = tpu.matmul %select_n3A_46, %slice3A_47, %dot_general3A {dimension_numbers = #tpu.dot_dimension_numbers<[1], [0], [0], [1], [0, 0, 1, 1], [], []>, transpose_lhs_hint = false} : vector<128x128xf32>, vector<128x128xf32>, vector<128x128xf32> -> vector<128x128xf32>
    %get3A_49 = arith.constant 0 : index
    %get3A_50 = arith.constant 0 : index
    %get3A_51 = vector.load %arg5[%get3A_49, %get3A_50] : memref<1x128xf32, #tpu.memory_space<vmem>>, vector<1x128xf32>
    %add3A_52 = vector.broadcast %get3A_51 : vector<1x128xf32> to vector<128x128xf32>
    %add3A_53 = arith.addf %dot_general3A_48, %add3A_52 : vector<128x128xf32>
    %max3A = arith.constant 0.000000e+00 : f32
    %max3A_54 = vector.broadcast %max3A : f32 to vector<128x128xf32>
    %max3A_55 = arith.maximumf %add3A_53, %max3A_54 : vector<128x128xf32>
    %slice3A_56 = vector.extract_strided_slice %select_n3A {offsets = [0, 0], sizes = [1, 128], strides = [1, 1]} : vector<4x128xf32> to vector<1x128xf32>
    %dot_general3A_57 = arith.constant dense<0.000000e+00> : vector<1x128xf32>
    %dot_general3A_58 = tpu.matmul %slice3A_56, %max3A_55, %dot_general3A_57 {dimension_numbers = #tpu.dot_dimension_numbers<[1], [0], [0], [1], [0, 0, 1, 1], [], []>, transpose_lhs_hint = false} : vector<1x128xf32>, vector<128x128xf32>, vector<1x128xf32> -> vector<1x128xf32>
    %add3A_59 = arith.addf %broadcast_in_dim3A_41, %dot_general3A_58 : vector<1x128xf32>
    %slice3A_60 = vector.extract_strided_slice %get3A_5 {offsets = [1, 0], sizes = [1, 128], strides = [1, 1]} : vector<4x128xf32> to vector<1x128xf32>
    %broadcast_in_dim3A_61 = vector.shape_cast %slice3A_60 : vector<1x128xf32> to vector<1x128xf32>
    %broadcast_in_dim3A_62 = vector.broadcast %broadcast_in_dim3A_61 : vector<1x128xf32> to vector<128x128xf32>
    %jit3A_63 = arith.constant 0.000000e+00 : f32
    %broadcast_in_dim3A_64 = vector.broadcast %jit3A_63 : f32 to vector<128x128xf32>
    %select_n3A_65 = arith.select %eq3A_24, %broadcast_in_dim3A_62, %broadcast_in_dim3A_64 : vector<128x128xi1>, vector<128x128xf32>
    %slice3A_66 = vector.extract_strided_slice %add3A_39 {offsets = [128, 0], sizes = [128, 128], strides = [1, 1]} : vector<512x128xf32> to vector<128x128xf32>
    %dot_general3A_67 = arith.constant dense<0.000000e+00> : vector<128x128xf32>
    %dot_general3A_68 = tpu.matmul %select_n3A_65, %slice3A_66, %dot_general3A_67 {dimension_numbers = #tpu.dot_dimension_numbers<[1], [0], [0], [1], [0, 0, 1, 1], [], []>, transpose_lhs_hint = false} : vector<128x128xf32>, vector<128x128xf32>, vector<128x128xf32> -> vector<128x128xf32>
    %get3A_69 = arith.constant 0 : index
    %get3A_70 = arith.constant 0 : index
    %get3A_71 = vector.load %arg5[%get3A_69, %get3A_70] : memref<1x128xf32, #tpu.memory_space<vmem>>, vector<1x128xf32>
    %add3A_72 = vector.broadcast %get3A_71 : vector<1x128xf32> to vector<128x128xf32>
    %add3A_73 = arith.addf %dot_general3A_68, %add3A_72 : vector<128x128xf32>
    %max3A_74 = arith.constant 0.000000e+00 : f32
    %max3A_75 = vector.broadcast %max3A_74 : f32 to vector<128x128xf32>
    %max3A_76 = arith.maximumf %add3A_73, %max3A_75 : vector<128x128xf32>
    %slice3A_77 = vector.extract_strided_slice %select_n3A {offsets = [1, 0], sizes = [1, 128], strides = [1, 1]} : vector<4x128xf32> to vector<1x128xf32>
    %dot_general3A_78 = arith.constant dense<0.000000e+00> : vector<1x128xf32>
    %dot_general3A_79 = tpu.matmul %slice3A_77, %max3A_76, %dot_general3A_78 {dimension_numbers = #tpu.dot_dimension_numbers<[1], [0], [0], [1], [0, 0, 1, 1], [], []>, transpose_lhs_hint = false} : vector<1x128xf32>, vector<128x128xf32>, vector<1x128xf32> -> vector<1x128xf32>
    %add3A_80 = arith.addf %add3A_59, %dot_general3A_79 : vector<1x128xf32>
    %slice3A_81 = vector.extract_strided_slice %get3A_5 {offsets = [2, 0], sizes = [1, 128], strides = [1, 1]} : vector<4x128xf32> to vector<1x128xf32>
    %broadcast_in_dim3A_82 = vector.shape_cast %slice3A_81 : vector<1x128xf32> to vector<1x128xf32>
    %broadcast_in_dim3A_83 = vector.broadcast %broadcast_in_dim3A_82 : vector<1x128xf32> to vector<128x128xf32>
    %jit3A_84 = arith.constant 0.000000e+00 : f32
    %broadcast_in_dim3A_85 = vector.broadcast %jit3A_84 : f32 to vector<128x128xf32>
    %select_n3A_86 = arith.select %eq3A_24, %broadcast_in_dim3A_83, %broadcast_in_dim3A_85 : vector<128x128xi1>, vector<128x128xf32>
    %slice3A_87 = vector.extract_strided_slice %add3A_39 {offsets = [256, 0], sizes = [128, 128], strides = [1, 1]} : vector<512x128xf32> to vector<128x128xf32>
    %dot_general3A_88 = arith.constant dense<0.000000e+00> : vector<128x128xf32>
    %dot_general3A_89 = tpu.matmul %select_n3A_86, %slice3A_87, %dot_general3A_88 {dimension_numbers = #tpu.dot_dimension_numbers<[1], [0], [0], [1], [0, 0, 1, 1], [], []>, transpose_lhs_hint = false} : vector<128x128xf32>, vector<128x128xf32>, vector<128x128xf32> -> vector<128x128xf32>
    %get3A_90 = arith.constant 0 : index
    %get3A_91 = arith.constant 0 : index
    %get3A_92 = vector.load %arg5[%get3A_90, %get3A_91] : memref<1x128xf32, #tpu.memory_space<vmem>>, vector<1x128xf32>
    %add3A_93 = vector.broadcast %get3A_92 : vector<1x128xf32> to vector<128x128xf32>
    %add3A_94 = arith.addf %dot_general3A_89, %add3A_93 : vector<128x128xf32>
    %max3A_95 = arith.constant 0.000000e+00 : f32
    %max3A_96 = vector.broadcast %max3A_95 : f32 to vector<128x128xf32>
    %max3A_97 = arith.maximumf %add3A_94, %max3A_96 : vector<128x128xf32>
    %slice3A_98 = vector.extract_strided_slice %select_n3A {offsets = [2, 0], sizes = [1, 128], strides = [1, 1]} : vector<4x128xf32> to vector<1x128xf32>
    %dot_general3A_99 = arith.constant dense<0.000000e+00> : vector<1x128xf32>
    %dot_general3A_100 = tpu.matmul %slice3A_98, %max3A_97, %dot_general3A_99 {dimension_numbers = #tpu.dot_dimension_numbers<[1], [0], [0], [1], [0, 0, 1, 1], [], []>, transpose_lhs_hint = false} : vector<1x128xf32>, vector<128x128xf32>, vector<1x128xf32> -> vector<1x128xf32>
    %add3A_101 = arith.addf %add3A_80, %dot_general3A_100 : vector<1x128xf32>
    %slice3A_102 = vector.extract_strided_slice %get3A_5 {offsets = [3, 0], sizes = [1, 128], strides = [1, 1]} : vector<4x128xf32> to vector<1x128xf32>
    %broadcast_in_dim3A_103 = vector.shape_cast %slice3A_102 : vector<1x128xf32> to vector<1x128xf32>
    %broadcast_in_dim3A_104 = vector.broadcast %broadcast_in_dim3A_103 : vector<1x128xf32> to vector<128x128xf32>
    %jit3A_105 = arith.constant 0.000000e+00 : f32
    %broadcast_in_dim3A_106 = vector.broadcast %jit3A_105 : f32 to vector<128x128xf32>
    %select_n3A_107 = arith.select %eq3A_24, %broadcast_in_dim3A_104, %broadcast_in_dim3A_106 : vector<128x128xi1>, vector<128x128xf32>
    %slice3A_108 = vector.extract_strided_slice %add3A_39 {offsets = [384, 0], sizes = [128, 128], strides = [1, 1]} : vector<512x128xf32> to vector<128x128xf32>
    %dot_general3A_109 = arith.constant dense<0.000000e+00> : vector<128x128xf32>
    %dot_general3A_110 = tpu.matmul %select_n3A_107, %slice3A_108, %dot_general3A_109 {dimension_numbers = #tpu.dot_dimension_numbers<[1], [0], [0], [1], [0, 0, 1, 1], [], []>, transpose_lhs_hint = false} : vector<128x128xf32>, vector<128x128xf32>, vector<128x128xf32> -> vector<128x128xf32>
    %get3A_111 = arith.constant 0 : index
    %get3A_112 = arith.constant 0 : index
    %get3A_113 = vector.load %arg5[%get3A_111, %get3A_112] : memref<1x128xf32, #tpu.memory_space<vmem>>, vector<1x128xf32>
    %add3A_114 = vector.broadcast %get3A_113 : vector<1x128xf32> to vector<128x128xf32>
    %add3A_115 = arith.addf %dot_general3A_110, %add3A_114 : vector<128x128xf32>
    %max3A_116 = arith.constant 0.000000e+00 : f32
    %max3A_117 = vector.broadcast %max3A_116 : f32 to vector<128x128xf32>
    %max3A_118 = arith.maximumf %add3A_115, %max3A_117 : vector<128x128xf32>
    %slice3A_119 = vector.extract_strided_slice %select_n3A {offsets = [3, 0], sizes = [1, 128], strides = [1, 1]} : vector<4x128xf32> to vector<1x128xf32>
    %dot_general3A_120 = arith.constant dense<0.000000e+00> : vector<1x128xf32>
    %dot_general3A_121 = tpu.matmul %slice3A_119, %max3A_118, %dot_general3A_120 {dimension_numbers = #tpu.dot_dimension_numbers<[1], [0], [0], [1], [0, 0, 1, 1], [], []>, transpose_lhs_hint = false} : vector<1x128xf32>, vector<128x128xf32>, vector<1x128xf32> -> vector<1x128xf32>
    %add3A_122 = arith.addf %add3A_101, %dot_general3A_121 : vector<1x128xf32>
    %get3A_123 = arith.constant 0 : index
    %get3A_124 = arith.constant 0 : index
    %get3A_125 = vector.load %arg9[%get3A_123, %get3A_124] : memref<1x128xf32, #tpu.memory_space<vmem>>, vector<1x128xf32>
    %add3A_126 = arith.addf %get3A_125, %add3A_122 : vector<1x128xf32>
    %swap3A = arith.constant 0 : index
    %swap3A_127 = arith.constant 0 : index
    %swap3A_128 = vector.load %arg9[%swap3A, %swap3A_127] : memref<1x128xf32, #tpu.memory_space<vmem>>, vector<1x128xf32>
    tpu.vector_store %arg9[%swap3A, %swap3A_127], %add3A_126 {strides = array<i32>} : memref<1x128xf32, #tpu.memory_space<vmem>>, vector<1x128xf32>,
    %eq3A_129 = arith.constant 19 : i32
    %eq3A_130 = arith.cmpi eq, %arg0, %eq3A_129 : i32
    %convert_element_type3A_131 = arith.extui %eq3A_130 : i1 to i32
    %cond3A_132 = arith.constant 0 : i32
    %cond3A_133 = arith.cmpi ne, %convert_element_type3A_131, %cond3A_132 : i32
    scf.if %cond3A_133 {
      %get3A_134 = arith.constant 0 : index
      %get3A_135 = arith.constant 0 : index
      %get3A_136 = vector.load %arg9[%get3A_134, %get3A_135] : memref<1x128xf32, #tpu.memory_space<vmem>>, vector<1x128xf32>
      %get3A_137 = arith.constant 0 : index
      %get3A_138 = arith.constant 0 : index
      %get3A_139 = vector.load %arg6[%get3A_137, %get3A_138] : memref<128x128xf32, #tpu.memory_space<vmem>>, vector<128x128xf32>
      %dot_general3A_140 = arith.constant dense<0.000000e+00> : vector<1x128xf32>
      %dot_general3A_141 = tpu.matmul %get3A_136, %get3A_139, %dot_general3A_140 {dimension_numbers = #tpu.dot_dimension_numbers<[1], [0], [0], [1], [0, 0, 1, 1], [], []>, transpose_lhs_hint = false} : vector<1x128xf32>, vector<128x128xf32>, vector<1x128xf32> -> vector<1x128xf32>
      %mul3A_142 = arith.constant 9.99999974E-5 : f32
      %mul3A_143 = vector.broadcast %mul3A_142 : f32 to vector<1x128xf32>
      %mul3A_144 = arith.mulf %dot_general3A_141, %mul3A_143 : vector<1x128xf32>
      %get3A_145 = arith.constant 0 : index
      %get3A_146 = arith.constant 0 : index
      %get3A_147 = vector.load %arg7[%get3A_145, %get3A_146] : memref<1x128xf32, #tpu.memory_space<vmem>>, vector<1x128xf32>
      %add3A_148 = arith.addf %mul3A_144, %get3A_147 : vector<1x128xf32>
      %tanh3A = math.tanh %add3A_148 : vector<1x128xf32>
      %swap3A_149 = arith.constant 0 : index
      %swap3A_150 = arith.constant 0 : index
      %swap3A_151 = vector.load %arg8[%swap3A_149, %swap3A_150] : memref<1x128xf32, #tpu.memory_space<vmem>>, vector<1x128xf32>
      tpu.vector_store %arg8[%swap3A_149, %swap3A_150], %tanh3A {strides = array<i32>} : memref<1x128xf32, #tpu.memory_space<vmem>>, vector<1x128xf32>,
    } else {
    }
    return
  }
  func.func @transform_0(%arg0: i32) -> (i32, i32) {
    %c0_i32 = arith.constant 0 : i32
    %c0_i32_0 = arith.constant 0 : i32
    return %arg0, %c0_i32 : i32, i32
  }
  func.func @transform_1(%arg0: i32) -> (i32, i32, i32) {
    %c0_i32 = arith.constant 0 : i32
    %c0_i32_0 = arith.constant 0 : i32
    %c0_i32_1 = arith.constant 0 : i32
    return %c0_i32, %arg0, %c0_i32_0 : i32, i32, i32
  }
  func.func @transform_2(%arg0: i32) -> (i32, i32, i32) {
    %c0_i32 = arith.constant 0 : i32
    %c0_i32_0 = arith.constant 0 : i32
    %c0_i32_1 = arith.constant 0 : i32
    return %arg0, %c0_i32, %c0_i32_0 : i32, i32, i32
  }
  func.func @transform_3(%arg0: i32) -> (i32, i32, i32) {
    %c0_i32 = arith.constant 0 : i32
    %c0_i32_0 = arith.constant 0 : i32
    %c0_i32_1 = arith.constant 0 : i32
    return %arg0, %c0_i32, %c0_i32_0 : i32, i32, i32
  }
  func.func @transform_4(%arg0: i32) -> (i32, i32) {
    %c0_i32 = arith.constant 0 : i32
    %c0_i32_0 = arith.constant 0 : i32
    %c0_i32_1 = arith.constant 0 : i32
    return %c0_i32, %c0_i32_0 : i32, i32
  }
  func.func @transform_5(%arg0: i32) -> (i32, i32) {
    %c0_i32 = arith.constant 0 : i32
    %c0_i32_0 = arith.constant 0 : i32
    %c0_i32_1 = arith.constant 0 : i32
    return %c0_i32, %c0_i32_0 : i32, i32
  }
  func.func @transform_6(%arg0: i32) -> (i32, i32) {
    %c0_i32 = arith.constant 0 : i32
    %c0_i32_0 = arith.constant 0 : i32
    %c0_i32_1 = arith.constant 0 : i32
    return %c0_i32, %c0_i32_0 : i32, i32
  }
  func.func @transform_7(%arg0: i32) -> (i32, i32) {
    %c0_i32 = arith.constant 0 : i32
    %c0_i32_0 = arith.constant 0 : i32
    %c0_i32_1 = arith.constant 0 : i32
    return %c0_i32, %c0_i32_0 : i32, i32
  }
}

</mosaic_0001>

<sc_bundles>
// kernel: kernel.6.cloned.1.call-start
scs
__scs_entry_jumppad:
0x0: {  	(pc) =	sbr.rel $0x88, $3  }
0x1: {  	(tag) =	ssettag $0x0;
	lr =	simm.s32 $0x1  }
0x2: {  	[smem:$0x3F9B] =	sst lr;
	_ =	strace $0xD0000000  }
0x3: {  	_ = 	snop  }
0x4: {  	_ = 	snop  }
0x5: {  	_ = 	snop  }
0x6: {  	_ = 	snop  }
0x7: {  	_ = 	snop  }
__scs_overlays_trampoline_lowered:
0x8: {  	[smem:$0x3FAA] =	sst s0  }
0x9: {  	[smem:$0x3FAB] =	sst s1  }
0xa: {  	[smem:$0x3FAC] =	sst s2  }
0xb: {  	[smem:$0x3FAD] =	sst s3  }
0xc: {  	[smem:$0x3FAE] =	sst s4  }
0xd: {  	[smem:$0x3FAF] =	sst s5  }
0xe: {  	[smem:$0x3FB0] =	sst s6  }
0xf: {  	[smem:$0x3FB1] =	sst s7  }
0x10: {  	[smem:$0x3FB2] =	sst s8  }
0x11: {  	[smem:$0x3FB3] =	sst s9;
	s0 =	simm.s32 @!p0 $0x0  }
0x12: {  	s1 =	sld [smem:$0x3F99];
	s0 =	simm.s32 @p0 $0x1  }
0x13: {  	[smem:$0x3FB4] =	sst s0;
	s0 =	simm.s32 @!p1 $0x0  }
0x14: {  	s2 =	sld [smem:$0x3F98];
	s0 =	simm.s32 @p1 $0x1  }
0x15: {  	[smem:$0x3FB5] =	sst s0;
	s0 =	simm.s32 @!p2 $0x0  }
0x16: {  	s3 =	sld [smem:$0x3FDB];
	s0 =	simm.s32 @p2 $0x1  }
0x17: {  	s4 =	simm.s32 $0x1BF5;
	[smem:$0x3FB7] =	sst s0  }
0x18: {  	s0 =	sld [smem:$0x3F9A];
	_ =	swait.ge [sflag:s4], $0x0  }
0x19: {  	s7 =	sld [smem:$0x3F9B]  }
0x1a: {  	s8 =	sadd.s32 $0xFFFFE003, lr  }
0x1b: {  	s9 =	sadd.s32 $0xFFFFFEF7, lr;
	s5 =	simm.s32 $0xFFFFFFFF;
	p2 =	slt.u32 s8, $0xFFFFF086  }
0x1c: {  	p1 =	slt.u32 s9, $0xF7A;
	s5 =	simm.s32 @!p2 $0x0  }
0x1d: {  	s5 =	simm.s32 @p1 $0x1;
	p0 =	seq.s32 s7, s2  }
0x1e: {  	s7 =	smul.u32 @!p0 $0xF7A, s2;
	p2 =	seq.s32 @!p0 s5, $0x0  }
0x1f: {  	s9 =	smul.u32 $0xF7A, s1;
	s8 =	simm.s32 @!p0 $0x1BF5;
	p2 =	por !p2, p0  }
0x20: {  	[sflag:s8] =	ssyncset.s32 @!p0 $0xFFFFF086;
	s6 =	sadd.s32 @!p0 s3, s7;
	s7 =	simm.s32 @!p0 $0x108  }
0x21: {  	s3 =	sadd.s32 s3, s9;
	s6 =	sadd.s32 @!p0 $0x88, s6;
	s7 =	simm.s32 @p2 $0x1082  }
0x22: {  	[simem:s7], [sflag:s8] =	dma.local @!p0 [hbm:s6], $0xF7A  }
0x23: {  	s9 =	sor.u32 $0xD0000000, s2;
	s6 =	simm.s32 $0x108;
	_ =	swait.ge @!p0 [sflag:s8], $0x0  }
0x24: {  	s3 =	sadd.s32 $0x88, s3;
	s6 =	simm.s32 @!p1 $0x1082;
	[sflag:s4] =	ssyncset.s32 $0xFFFFF086  }
0x25: {  	[simem:s6], [sflag:s4] =	dma.local [hbm:s3], $0xF7A  }
0x26: {  	[smem:$0x3F9B] =	sst s1;
	(tag) =	ssettag s2;
	_ =	strace s9  }
0x27: {  	s1 =	sld [smem:$0x3FAB]  }
0x28: {  	s2 =	sld [smem:$0x3FAC]  }
0x29: {  	s4 =	sld [smem:$0x3FAE]  }
0x2a: {  	p0 =	seq.s32 s5, $0x0;
	s5 =	sld [smem:$0x3FAF]  }
0x2b: {  	s6 =	sld [smem:$0x3FB0]  }
0x2c: {  	s7 =	sld [smem:$0x3FB1]  }
0x2d: {  	s3 =	simm.s32 $0x108;
	s8 =	sld [smem:$0x3FB2]  }
0x2e: {  	s3 =	simm.s32 @!p0 $0x1082;
	s9 =	sld [smem:$0x3FB3]  }
0x2f: {  	lr =	sadd.s32 s0, s3;
	s0 =	sld [smem:$0x3FAA]  }
0x30: {  	s3 =	sld [smem:$0x3FAD]  }
0x31: {  	[smem:$0x3FB6] =	sst s10  }
0x32: {  	s10 =	sld [smem:$0x3FB4];
	_ =	sdelay $0x3  }
0x33: {  	p0 =	seq.s32 s10, $0x1;
	s10 =	sld [smem:$0x3FB6];
	_ =	sdelay $0x3  }
0x34: {  	[smem:$0x3FB6] =	sst s10  }
0x35: {  	s10 =	sld [smem:$0x3FB5];
	_ =	sdelay $0x3  }
0x36: {  	p1 =	seq.s32 s10, $0x1;
	s10 =	sld [smem:$0x3FB6];
	_ =	sdelay $0x3  }
0x37: {  	[smem:$0x3FB6] =	sst s10  }
0x38: {  	s10 =	sld [smem:$0x3FB7]  }
0x39: {  	_ = 	snop;
	(pc) =	sbr.ind lr, $3  }
0x3a: {  	_ = 	snop  }
0x3b: {  	_ = 	snop  }
0x3c: {  	p2 =	seq.s32 s10, $0x1;
	s10 =	sld [smem:$0x3FB6]  }
0x3d: {  	_ =	shalt  }
0x3e: {  	_ =	shalt  }
0x3f: {  	_ =	shalt  }
0x40: {  	_ =	shalt  }
0x41: {  	_ =	shalt  }
0x42: {  	_ =	shalt  }
0x43: {  	_ =	shalt  }
0x44: {  	_ =	shalt  }
0x45: {  	_ =	shalt  }
0x46: {  	_ =	shalt  }
0x47: {  	_ =	shalt  }
0x48: {  	_ =	shalt  }
0x49: {  	_ =	shalt  }
0x4a: {  	_ =	shalt  }
0x4b: {  	_ =	shalt  }
0x4c: {  	_ =	shalt  }
0x4d: {  	_ =	shalt  }
0x4e: {  	_ =	shalt  }
0x4f: {  	_ =	shalt  }
0x50: {  	_ =	shalt  }
0x51: {  	_ =	shalt  }
0x52: {  	_ =	shalt  }
0x53: {  	_ =	shalt  }
0x54: {  	_ =	shalt  }
0x55: {  	_ =	shalt  }
0x56: {  	_ =	shalt  }
0x57: {  	_ =	shalt  }
0x58: {  	_ =	shalt  }
0x59: {  	_ =	shalt  }
0x5a: {  	_ =	shalt  }
0x5b: {  	_ =	shalt  }
0x5c: {  	_ =	shalt  }
0x5d: {  	_ =	shalt  }
0x5e: {  	_ =	shalt  }
0x5f: {  	_ =	shalt  }
0x60: {  	_ =	shalt  }
0x61: {  	_ =	shalt  }
0x62: {  	_ =	shalt  }
0x63: {  	_ =	shalt  }
0x64: {  	_ =	shalt  }
0x65: {  	_ =	shalt  }
0x66: {  	_ =	shalt  }
0x67: {  	_ =	shalt  }
0x68: {  	_ =	shalt  }
0x69: {  	_ =	shalt  }
0x6a: {  	_ =	shalt  }
0x6b: {  	_ =	shalt  }
0x6c: {  	_ =	shalt  }
0x6d: {  	_ =	shalt  }
0x6e: {  	_ =	shalt  }
0x6f: {  	_ =	shalt  }
0x70: {  	_ =	shalt  }
0x71: {  	_ =	shalt  }
0x72: {  	_ =	shalt  }
0x73: {  	_ =	shalt  }
0x74: {  	_ =	shalt  }
0x75: {  	_ =	shalt  }
0x76: {  	_ =	shalt  }
0x77: {  	_ =	shalt  }
0x78: {  	_ =	shalt  }
0x79: {  	_ =	shalt  }
0x7a: {  	_ =	shalt  }
0x7b: {  	_ =	shalt  }
0x7c: {  	_ =	shalt  }
0x7d: {  	_ =	shalt  }
0x7e: {  	_ =	shalt  }
0x7f: {  	_ =	shalt  }
0x80: {  	_ =	shalt  }
0x81: {  	_ =	shalt  }
0x82: {  	_ =	shalt  }
0x83: {  	_ =	shalt  }
0x84: {  	_ =	shalt  }
0x85: {  	_ =	shalt  }
0x86: {  	_ =	shalt  }
0x87: {  	_ =	shalt  }
.Lfunc_end0:
.L_simem_size_0:
called_computation_lowered:
.L_overlay_start_0:
0x88: {  	s2 =	sld [smem:$0x3FD9]  }
0x89: {  	s3 =	sld [smem:$0x3FFE];
	_ =	sdelay $0x1  }
0x8a: {  	s1 =	srdreg.scid  }
0x8b: {  	s0 =	sand.u32 $0x1, s1  }
0x8c: {  	s16 =	sshll.u32 s0, $0xA;
	s2 =	sadd.s32 s3, s2  }
0x8d: {  	s2 =	sadd.s32 s2, s16  }
0x8e: {  	[smem:$0x3FC2] =	sst s2  }
0x8f: {  	_ = 	snop  }
0x90: {  	(tm) =	ssettm $0x1  }
0x91: {  	s17 =	sld [smem:$0x3FFB];
	_ =	sdelay $0x3  }
0x92: {  	_ =	strace s17  }
0x93: {  	s2 =	sld [smem:$0x3FFC];
	_ =	sdelay $0x3  }
0x94: {  	_ =	strace s2  }
0x95: {  	s2 =	sld [smem:$0x3FFD];
	_ =	sdelay $0x3  }
0x96: {  	_ =	strace s2  }
0x97: {  	_ =	strace $0x8FFFFFFF  }
0x98: {  	s18 =	sld [smem:$0x3FDB];
	_ =	sdelay $0x1  }
0x99: {  	s19 =	simm.s32 $_scs_section_size  }
0x9a: {  	s4 =	simm.s32 $_size__tile_overlayer_lowered;
	s5 =	simm.s32 $_tile_overlayer_lowered  }
0x9b: {  	s22 =	simm.s32 $0x1BFF;
	s21 =	sshll.u32 s5, $0x1;
	s2 =	sadd.s32 s19, s18  }
0x9c: {  	s6 =	simm.s32 $0x0;
	s20 =	sshll.u32 s4, $0x1;
	s4 =	sadd.s32 s21, s2  }
0x9d: {  	[timem:s6], [sflag:s22] =	dma.local [hbm:s4], s20  }
0x9e: {  	_ =	swait.ge [sflag:s22], s20  }
0x9f: {  	s3 =	ssub.s32 $0x0, s20;
	[sflag:s22] =	ssyncset.done $0x0  }
0xa0: {  	[sflag:s22] =	ssyncadd.s32 s3;
	_ =	sdelay $0x1  }
0xa1: {  	s23 =	simm.s32 $0x1B8B  }
0xa2: {  	_ =	swait.ge [sflag:s23], $0x1  }
0xa3: {  	[sflag:s23] =	ssyncset.done $0x0  }
0xa4: {  	s25 =	simm.s32 $0x1B8E;
	s24 =	sld [smem:$0x3FFE];
	[sflag:s23] =	ssyncadd.s32 $0xFFFFFFFF  }
0xa5: {  	s26 =	simm.s32 $execute0_lowered;
	[smem:$0x3FD2] =	sst s25  }
0xa6: {  	s4 =	sshll.u32 s26, $0x1;
	_ =	strace $0x80000046;
	[dreg:$0x1] =	wrdreg $0xFFFFFFFF  }
0xa7: {  	s28 =	simm.s32 $_size_execute0_lowered;
	s2 =	sadd.s32 s2, s4;
	[dreg:$0x0] =	wrdreg $0x0  }
0xa8: {  	s4 =	sshll.u32 s28, $0x1;
	[dreg:$0x2] =	wrdreg s2  }
0xa9: {  	[dreg:$0x3] =	wrdreg s4  }
0xaa: {  	[dreg:$0x4] =	wrdreg $0xC0  }
0xab: {  	_ =	task [dreg:s6], $0x5FFFF  }
0xac: {  	[dreg:$0x1] =	wrdreg $0xFFFFFFFF  }
0xad: {  	[dreg:$0x0] =	wrdreg $0x60  }
0xae: {  	[dreg:$0x2] =	wrdreg s24  }
0xaf: {  	[dreg:$0x3] =	wrdreg $0x29000  }
0xb0: {  	[dreg:$0x4] =	wrdreg $0x9  }
0xb1: {  	_ =	task.clear_ibuf [dreg:s6], $0x5FFFF;
	_ =	strace $0x90000046  }
0xb2: {  	s29 =	simm.s32 $0x9;
	_ =	strace $0x80000048  }
0xb3: {  	_ =	swait.ge [sflag:s29], $0x1  }
0xb4: {  	[sflag:s29] =	ssyncadd.s32 $0xFFFFFFFF  }
0xb5: {  	_ =	strace $0x90000048  }
0xb6: {  	_ =	sfence  }
0xb7: {  	s30 =	sld [smem:$0x0];
	_ =	sdelay $0x2  }
0xb8: {  	s31 =	sshll.u32 s1, $0xD;
	s1 =	sshrl.u32 s1, $0x2  }
0xb9: {  	s3 =	sand.u32 $0x4000, s31;
	s1 =	sadd.s32 s1, s30  }
0xba: {  	s0 =	sor.u32 s3, s0;
	s1 =	sshll.u32 s1, $0x11  }
0xbb: {  	s0 =	sor.u32 s1, s0  }
0xbc: {  	s0 =	sadd.s32 $0x8F2B, s0  }
0xbd: {  	[sflag:s0] =	ssyncadd.remote.s32 $0x1  }
0xbe: {  	_ =	sfence.sel $0xFFFF  }
0xbf: {  	[dreg:$0x0] =	wrdreg $0xFFFFFFFF;
	(pc) =	sbr.abs _section_cstart, $3  }
0xc0: {  	[dreg:$0x1] =	wrdreg $0xFFFFFFFF  }
0xc1: {  	_ =	task.clear_ibuf [dreg:s6], $0x2FFFF;
	_ =	strace $0x9FFFFFFF  }
0xc2: {  	(tm) =	ssettm $0x7FFFFFFF  }
0xc3: {  	_ =	shalt  }
tec
execute0_lowered:
.L_overlay_start_1:
0x0: {  	(tag) =	ssettag $0x1  }
0x1: {  	s0 =	srdreg.scid;
	s4 =	rddreg [dreg:$0x0]  }
0x2: {  	s2 =	rddreg [dreg:$0x1];
	s1 =	stileid.u32;
	s3 =	simm.s32 $0x0  }
0x3: {  	s19 =	simm.s32 $0x2800;
	s20 =	simm.s32 $0x1;
	s21 =	simm.s32 $0x0  }
0x4: {  	s9 =	sand.u32 $0x1, s0;
	s0 =	rddreg [dreg:$0x2];
	s10 =	smul.u32 $0x280, s1  }
0x5: {  	[smem:$0x7FF] =	sst s3;
	s14 =	sadd.s32 $0x16800, s4;
	s16 =	smul.u32 $0x500, s1  }
0x6: {  	s5 =	sshll.u32 s9, $0x4;
	_ =	strace $0x80000047;
	s6 =	ssub.s32 $0x2, s9  }
0x7: {  	s17 =	sshll.u32 s9, $0x7;
	s5 =	sor.u32 s1, s5;
	s28 =	sshrl.u32 s6, $0x1  }
0x8: {  	s11 =	sadd.s32 $0x80, s10;
	s12 =	sadd.s32 $0x100, s10;
	s13 =	sadd.s32 $0x180, s10  }
0x9: {  	s18 =	sadd.s32 $0x200, s10;
	s30 =	sor.u32 s17, s16;
	s5 =	smul.u32 $0x500, s5  }
0xa: {  	s15 =	ssub.s32 s6, s28;
	s6 =	sadd.s32 s11, s2;
	s7 =	sadd.s32 s12, s2  }
0xb: {  	s8 =	sadd.s32 s13, s2;
	s29 =	sshll.u32 s11, $0x1;
	s9 =	sadd.s32 s18, s2  }
0xc: {  	s12 =	sshll.u32 s12, $0x1;
	s13 =	sshll.u32 s13, $0x1;
	s31 =	sshll.u32 s18, $0x1  }
0xd: {  	s18 =	simm.s32 $0x80;
	s11 =	sor.u32 s17, s29;
	s12 =	sor.u32 s17, s12  }
0xe: {  	s13 =	sor.u32 s17, s13;
	s16 =	sor.u32 s17, s31;
	s15 =	smax.u32 s15, $0x1  }
0xf: {  	s17 =	simm.s32 $0x2880;
	s5 =	sadd.s32 s5, s4;
	s11 =	sshrl.u32 s11, $0x3  }
0x10: {  	s12 =	sshrl.u32 s12, $0x3;
	s13 =	sshrl.u32 s13, $0x3;
	s16 =	sshrl.u32 s16, $0x3  }
0x11: {  	s4 =	sadd.s32 $0xC800, s5;
	s5 =	sadd.s32 s10, s2;
	s10 =	sshrl.u32 s30, $0x3  }
0x12: {  	s11 =	sadd.s32 s14, s11;
	s12 =	sadd.s32 s14, s12;
	s13 =	sadd.s32 s14, s13  }
0x13: {  	v0 =	vimm.f32 $1.000000000e+00;
	v1 =	vimm.f32 $0.0e+00;
	s10 =	sadd.s32 s14, s10;
	s14 =	sadd.s32 s14, s16;
	s16 =	simm.s32 $0x2  }
.LBB2_1:
0x14: {  	[tilespmem:$0x2800] =	vst v0  }
0x15: {  	[tilespmem:$0x2880] =	vst v1  }
0x16: {  	[tilespmem:$0x2810] =	vst v0  }
0x17: {  	[tilespmem:$0x2890] =	vst v1  }
0x18: {  	[tilespmem:$0x2820] =	vst v0  }
0x19: {  	[tilespmem:$0x28A0] =	vst v1  }
0x1a: {  	[tilespmem:$0x2830] =	vst v0  }
0x1b: {  	[tilespmem:$0x28B0] =	vst v1  }
0x1c: {  	[tilespmem:$0x2840] =	vst v0  }
0x1d: {  	[tilespmem:$0x28C0] =	vst v1  }
0x1e: {  	[tilespmem:$0x2850] =	vst v0  }
0x1f: {  	[tilespmem:$0x28D0] =	vst v1  }
0x20: {  	[tilespmem:$0x2860] =	vst v0  }
0x21: {  	[tilespmem:$0x28E0] =	vst v1  }
0x22: {  	[tilespmem:$0x2870] =	vst v0  }
0x23: {  	[tilespmem:$0x28F0] =	vst v1  }
0x24: {  	[tilespmem:s3], [sflag:$0x2] =	stream.linear.gather [hbm4b:s4+s3], $0x2800, $0x38;
	[tilespmem:$0x2B80] =	vst v63  }
0x25: {  	_ =	swait.ge [sflag:s16], $0x2800  }
0x26: {  	[sflag:s16] =	ssyncset.done $0x0  }
0x27: {  	[sflag:s16] =	ssyncadd.s32 $0xFFFFD800  }
0x28: {  	[spmem:s5] =	stream.linear.scatter [tilespmem:s17], [sflag:$0x2], $0x80, $0x38;
	[tilespmem:$0x2B80] =	vst v63  }
0x29: {  	_ =	swait.ge [sflag:s16], $0x80  }
0x2a: {  	[sflag:s16] =	ssyncset.done $0x0  }
0x2b: {  	[sflag:s16] =	ssyncadd.s32 $0xFFFFFF80  }
0x2c: {  	[spmem:s6] =	stream.linear.scatter [tilespmem:s17], [sflag:$0x2], $0x80, $0x38;
	[tilespmem:$0x2B80] =	vst v63  }
0x2d: {  	_ =	swait.ge [sflag:s16], $0x80  }
0x2e: {  	[sflag:s16] =	ssyncset.done $0x0  }
0x2f: {  	[sflag:s16] =	ssyncadd.s32 $0xFFFFFF80  }
0x30: {  	[spmem:s7] =	stream.linear.scatter [tilespmem:s17], [sflag:$0x2], $0x80, $0x38;
	[tilespmem:$0x2B80] =	vst v63  }
0x31: {  	_ =	swait.ge [sflag:s16], $0x80  }
0x32: {  	[sflag:s16] =	ssyncset.done $0x0  }
0x33: {  	[sflag:s16] =	ssyncadd.s32 $0xFFFFFF80  }
0x34: {  	[spmem:s8] =	stream.linear.scatter [tilespmem:s17], [sflag:$0x2], $0x80, $0x38;
	[tilespmem:$0x2B80] =	vst v63  }
0x35: {  	_ =	swait.ge [sflag:s16], $0x80  }
0x36: {  	[sflag:s16] =	ssyncset.done $0x0  }
0x37: {  	[sflag:s16] =	ssyncadd.s32 $0xFFFFFF80  }
0x38: {  	[spmem:s9] =	stream.linear.scatter [tilespmem:s17], [sflag:$0x2], $0x80, $0x38;
	[tilespmem:$0x2B80] =	vst v63  }
0x39: {  	_ =	swait.ge [sflag:s16], $0x80  }
0x3a: {  	[sflag:s16] =	ssyncset.done $0x0  }
0x3b: {  	[sflag:s16] =	ssyncadd.s32 $0xFFFFFF80  }
0x3c: {  	s22 =	simm.s32 $0x0;
	[bflag:$0x0] =	sbarrier.arrive $0xFFFF  }
0x3d: {  	[spmem:s2] =	stream.indirect.scatter.add.f32 [tilespmem:s19], [sflag:$0x1], $0x1, s22, s18, $0xb8;
	[tilespmem:$0x2B80] =	vst v63  }
0x3e: {  	s24 =	simm.s32 $0x80  }
0x3f: {  	[spmem:s2] =	stream.indirect.scatter.add.f32 [tilespmem:s19], [sflag:$0x1], $0x1, s24, s18, $0xb8;
	[tilespmem:$0x2B80] =	vst v63  }
0x40: {  	s25 =	simm.s32 $0x100  }
0x41: {  	[spmem:s2] =	stream.indirect.scatter.add.f32 [tilespmem:s19], [sflag:$0x1], $0x1, s25, s18, $0xb8;
	[tilespmem:$0x2B80] =	vst v63  }
0x42: {  	s26 =	simm.s32 $0x180  }
0x43: {  	[spmem:s2] =	stream.indirect.scatter.add.f32 [tilespmem:s19], [sflag:$0x1], $0x1, s26, s18, $0xb8;
	[tilespmem:$0x2B80] =	vst v63  }
0x44: {  	s28 =	simm.s32 $0x200  }
0x45: {  	[spmem:s2] =	stream.indirect.scatter.add.f32 [tilespmem:s19], [sflag:$0x1], $0x1, s28, s18, $0xb8;
	[tilespmem:$0x2B80] =	vst v63  }
0x46: {  	s29 =	simm.s32 $0x280  }
0x47: {  	[spmem:s2] =	stream.indirect.scatter.add.f32 [tilespmem:s19], [sflag:$0x1], $0x1, s29, s18, $0xb8;
	[tilespmem:$0x2B80] =	vst v63  }
0x48: {  	s30 =	simm.s32 $0x300  }
0x49: {  	[spmem:s2] =	stream.indirect.scatter.add.f32 [tilespmem:s19], [sflag:$0x1], $0x1, s30, s18, $0xb8;
	[tilespmem:$0x2B80] =	vst v63  }
0x4a: {  	s31 =	simm.s32 $0x380  }
0x4b: {  	[spmem:s2] =	stream.indirect.scatter.add.f32 [tilespmem:s19], [sflag:$0x1], $0x1, s31, s18, $0xb8;
	[tilespmem:$0x2B80] =	vst v63  }
0x4c: {  	s23 =	simm.s32 $0x400  }
0x4d: {  	[spmem:s2] =	stream.indirect.scatter.add.f32 [tilespmem:s19], [sflag:$0x1], $0x1, s23, s18, $0xb8;
	[tilespmem:$0x2B80] =	vst v63  }
0x4e: {  	s24 =	simm.s32 $0x480  }
0x4f: {  	[spmem:s2] =	stream.indirect.scatter.add.f32 [tilespmem:s19], [sflag:$0x1], $0x1, s24, s18, $0xb8;
	[tilespmem:$0x2B80] =	vst v63  }
0x50: {  	s25 =	simm.s32 $0x500  }
0x51: {  	[spmem:s2] =	stream.indirect.scatter.add.f32 [tilespmem:s19], [sflag:$0x1], $0x1, s25, s18, $0xb8;
	[tilespmem:$0x2B80] =	vst v63  }
0x52: {  	s26 =	simm.s32 $0x580  }
0x53: {  	[spmem:s2] =	stream.indirect.scatter.add.f32 [tilespmem:s19], [sflag:$0x1], $0x1, s26, s18, $0xb8;
	[tilespmem:$0x2B80] =	vst v63  }
0x54: {  	s28 =	simm.s32 $0x600  }
0x55: {  	[spmem:s2] =	stream.indirect.scatter.add.f32 [tilespmem:s19], [sflag:$0x1], $0x1, s28, s18, $0xb8;
	[tilespmem:$0x2B80] =	vst v63  }
0x56: {  	s29 =	simm.s32 $0x680  }
0x57: {  	[spmem:s2] =	stream.indirect.scatter.add.f32 [tilespmem:s19], [sflag:$0x1], $0x1, s29, s18, $0xb8;
	[tilespmem:$0x2B80] =	vst v63  }
0x58: {  	s30 =	simm.s32 $0x700  }
0x59: {  	[spmem:s2] =	stream.indirect.scatter.add.f32 [tilespmem:s19], [sflag:$0x1], $0x1, s30, s18, $0xb8;
	[tilespmem:$0x2B80] =	vst v63  }
0x5a: {  	s31 =	simm.s32 $0x780  }
0x5b: {  	[spmem:s2] =	stream.indirect.scatter.add.f32 [tilespmem:s19], [sflag:$0x1], $0x1, s31, s18, $0xb8;
	[tilespmem:$0x2B80] =	vst v63  }
0x5c: {  	_ =	swait.ge [sflag:s20], $0x80  }
0x5d: {  	[sflag:s20] =	ssyncset.done $0x0  }
0x5e: {  	[sflag:s20] =	ssyncadd.s32 $0xFFFFFF80  }
0x5f: {  	_ =	swait.ge [sflag:s20], $0x80  }
0x60: {  	[sflag:s20] =	ssyncset.done $0x0  }
0x61: {  	[sflag:s20] =	ssyncadd.s32 $0xFFFFFF80  }
0x62: {  	_ =	swait.ge [sflag:s20], $0x80  }
0x63: {  	[sflag:s20] =	ssyncset.done $0x0  }
0x64: {  	[sflag:s20] =	ssyncadd.s32 $0xFFFFFF80  }
0x65: {  	_ =	swait.ge [sflag:s20], $0x80  }
0x66: {  	[sflag:s20] =	ssyncset.done $0x0  }
0x67: {  	[sflag:s20] =	ssyncadd.s32 $0xFFFFFF80  }
0x68: {  	_ =	swait.ge [sflag:s20], $0x80  }
0x69: {  	[sflag:s20] =	ssyncset.done $0x0  }
0x6a: {  	[sflag:s20] =	ssyncadd.s32 $0xFFFFFF80  }
0x6b: {  	_ =	swait.ge [sflag:s20], $0x80  }
0x6c: {  	[sflag:s20] =	ssyncset.done $0x0  }
0x6d: {  	[sflag:s20] =	ssyncadd.s32 $0xFFFFFF80  }
0x6e: {  	_ =	swait.ge [sflag:s20], $0x80  }
0x6f: {  	[sflag:s20] =	ssyncset.done $0x0  }
0x70: {  	[sflag:s20] =	ssyncadd.s32 $0xFFFFFF80  }
0x71: {  	_ =	swait.ge [sflag:s20], $0x80  }
0x72: {  	[sflag:s20] =	ssyncset.done $0x0  }
0x73: {  	[sflag:s20] =	ssyncadd.s32 $0xFFFFFF80  }
0x74: {  	_ =	swait.ge [sflag:s20], $0x80  }
0x75: {  	[sflag:s20] =	ssyncset.done $0x0  }
0x76: {  	[sflag:s20] =	ssyncadd.s32 $0xFFFFFF80  }
0x77: {  	_ =	swait.ge [sflag:s20], $0x80  }
0x78: {  	[sflag:s20] =	ssyncset.done $0x0  }
0x79: {  	[sflag:s20] =	ssyncadd.s32 $0xFFFFFF80  }
0x7a: {  	_ =	swait.ge [sflag:s20], $0x80  }
0x7b: {  	[sflag:s20] =	ssyncset.done $0x0  }
0x7c: {  	[sflag:s20] =	ssyncadd.s32 $0xFFFFFF80  }
0x7d: {  	_ =	swait.ge [sflag:s20], $0x80  }
0x7e: {  	[sflag:s20] =	ssyncset.done $0x0  }
0x7f: {  	[sflag:s20] =	ssyncadd.s32 $0xFFFFFF80  }
0x80: {  	_ =	swait.ge [sflag:s20], $0x80  }
0x81: {  	[sflag:s20] =	ssyncset.done $0x0  }
0x82: {  	[sflag:s20] =	ssyncadd.s32 $0xFFFFFF80  }
0x83: {  	_ =	swait.ge [sflag:s20], $0x80  }
0x84: {  	[sflag:s20] =	ssyncset.done $0x0  }
0x85: {  	[sflag:s20] =	ssyncadd.s32 $0xFFFFFF80  }
0x86: {  	_ =	swait.ge [sflag:s20], $0x80  }
0x87: {  	[sflag:s20] =	ssyncset.done $0x0  }
0x88: {  	[sflag:s20] =	ssyncadd.s32 $0xFFFFFF80  }
0x89: {  	_ =	swait.ge [sflag:s20], $0x80  }
0x8a: {  	s22 =	simm.s32 $0x2000;
	s25 =	simm.s32 $0x4000;
	[sflag:s20] =	ssyncset.done $0x0  }
.LBB2_2:
0x8b: {  	s24 =	sshra.s32 s22, $0x2  }
0x8c: {  	[sflag:s20] =	ssyncadd.s32 $0xFFFFFF80;
	s22 =	smov.u32 s25;
	s23 =	sadd.s32 $0x2000, s25  }
0x8d: {  	[spmem:s2] =	stream.indirect.scatter.add.f32 [tilespmem:s19], [sflag:$0x1], $0x1, s24, s18, $0xb8;
	[tilespmem:$0x2B80] =	vst v63  }
0x8e: {  	p0 =	sne.s32 s25, $0x8000;
	s25 =	sadd.s32 $0x80, s24  }
0x8f: {  	[spmem:s2] =	stream.indirect.scatter.add.f32 [tilespmem:s19], [sflag:$0x1], $0x1, s25, s18, $0xb8;
	[tilespmem:$0x2B80] =	vst v63  }
0x90: {  	s25 =	sadd.s32 $0x100, s24  }
0x91: {  	[spmem:s2] =	stream.indirect.scatter.add.f32 [tilespmem:s19], [sflag:$0x1], $0x1, s25, s18, $0xb8;
	[tilespmem:$0x2B80] =	vst v63  }
0x92: {  	s25 =	sadd.s32 $0x180, s24  }
0x93: {  	[spmem:s2] =	stream.indirect.scatter.add.f32 [tilespmem:s19], [sflag:$0x1], $0x1, s25, s18, $0xb8;
	[tilespmem:$0x2B80] =	vst v63  }
0x94: {  	s25 =	sadd.s32 $0x200, s24  }
0x95: {  	[spmem:s2] =	stream.indirect.scatter.add.f32 [tilespmem:s19], [sflag:$0x1], $0x1, s25, s18, $0xb8;
	[tilespmem:$0x2B80] =	vst v63  }
0x96: {  	s25 =	sadd.s32 $0x280, s24  }
0x97: {  	[spmem:s2] =	stream.indirect.scatter.add.f32 [tilespmem:s19], [sflag:$0x1], $0x1, s25, s18, $0xb8;
	[tilespmem:$0x2B80] =	vst v63  }
0x98: {  	s25 =	sadd.s32 $0x300, s24  }
0x99: {  	[spmem:s2] =	stream.indirect.scatter.add.f32 [tilespmem:s19], [sflag:$0x1], $0x1, s25, s18, $0xb8;
	[tilespmem:$0x2B80] =	vst v63  }
0x9a: {  	s25 =	sadd.s32 $0x380, s24  }
0x9b: {  	[spmem:s2] =	stream.indirect.scatter.add.f32 [tilespmem:s19], [sflag:$0x1], $0x1, s25, s18, $0xb8;
	[tilespmem:$0x2B80] =	vst v63  }
0x9c: {  	s25 =	sadd.s32 $0x400, s24  }
0x9d: {  	[spmem:s2] =	stream.indirect.scatter.add.f32 [tilespmem:s19], [sflag:$0x1], $0x1, s25, s18, $0xb8;
	[tilespmem:$0x2B80] =	vst v63  }
0x9e: {  	s25 =	sadd.s32 $0x480, s24  }
0x9f: {  	[spmem:s2] =	stream.indirect.scatter.add.f32 [tilespmem:s19], [sflag:$0x1], $0x1, s25, s18, $0xb8;
	[tilespmem:$0x2B80] =	vst v63  }
0xa0: {  	s25 =	sadd.s32 $0x500, s24  }
0xa1: {  	[spmem:s2] =	stream.indirect.scatter.add.f32 [tilespmem:s19], [sflag:$0x1], $0x1, s25, s18, $0xb8;
	[tilespmem:$0x2B80] =	vst v63  }
0xa2: {  	s25 =	sadd.s32 $0x580, s24  }
0xa3: {  	[spmem:s2] =	stream.indirect.scatter.add.f32 [tilespmem:s19], [sflag:$0x1], $0x1, s25, s18, $0xb8;
	[tilespmem:$0x2B80] =	vst v63  }
0xa4: {  	s25 =	sadd.s32 $0x600, s24  }
0xa5: {  	[spmem:s2] =	stream.indirect.scatter.add.f32 [tilespmem:s19], [sflag:$0x1], $0x1, s25, s18, $0xb8;
	[tilespmem:$0x2B80] =	vst v63  }
0xa6: {  	s25 =	sadd.s32 $0x680, s24  }
0xa7: {  	[spmem:s2] =	stream.indirect.scatter.add.f32 [tilespmem:s19], [sflag:$0x1], $0x1, s25, s18, $0xb8;
	[tilespmem:$0x2B80] =	vst v63  }
0xa8: {  	s25 =	sadd.s32 $0x700, s24  }
0xa9: {  	[spmem:s2] =	stream.indirect.scatter.add.f32 [tilespmem:s19], [sflag:$0x1], $0x1, s25, s18, $0xb8;
	[tilespmem:$0x2B80] =	vst v63  }
0xaa: {  	s24 =	sadd.s32 $0x780, s24  }
0xab: {  	[spmem:s2] =	stream.indirect.scatter.add.f32 [tilespmem:s19], [sflag:$0x1], $0x1, s24, s18, $0xb8;
	[tilespmem:$0x2B80] =	vst v63  }
0xac: {  	_ =	swait.ge [sflag:s20], $0x80  }
0xad: {  	[sflag:s20] =	ssyncset.done $0x0  }
0xae: {  	[sflag:s20] =	ssyncadd.s32 $0xFFFFFF80  }
0xaf: {  	_ =	swait.ge [sflag:s20], $0x80  }
0xb0: {  	[sflag:s20] =	ssyncset.done $0x0  }
0xb1: {  	[sflag:s20] =	ssyncadd.s32 $0xFFFFFF80  }
0xb2: {  	_ =	swait.ge [sflag:s20], $0x80  }
0xb3: {  	[sflag:s20] =	ssyncset.done $0x0  }
0xb4: {  	[sflag:s20] =	ssyncadd.s32 $0xFFFFFF80  }
0xb5: {  	_ =	swait.ge [sflag:s20], $0x80  }
0xb6: {  	[sflag:s20] =	ssyncset.done $0x0  }
0xb7: {  	[sflag:s20] =	ssyncadd.s32 $0xFFFFFF80  }
0xb8: {  	_ =	swait.ge [sflag:s20], $0x80  }
0xb9: {  	[sflag:s20] =	ssyncset.done $0x0  }
0xba: {  	[sflag:s20] =	ssyncadd.s32 $0xFFFFFF80  }
0xbb: {  	_ =	swait.ge [sflag:s20], $0x80  }
0xbc: {  	[sflag:s20] =	ssyncset.done $0x0  }
0xbd: {  	[sflag:s20] =	ssyncadd.s32 $0xFFFFFF80  }
0xbe: {  	_ =	swait.ge [sflag:s20], $0x80  }
0xbf: {  	[sflag:s20] =	ssyncset.done $0x0  }
0xc0: {  	[sflag:s20] =	ssyncadd.s32 $0xFFFFFF80  }
0xc1: {  	_ =	swait.ge [sflag:s20], $0x80  }
0xc2: {  	[sflag:s20] =	ssyncset.done $0x0  }
0xc3: {  	[sflag:s20] =	ssyncadd.s32 $0xFFFFFF80  }
0xc4: {  	_ =	swait.ge [sflag:s20], $0x80  }
0xc5: {  	[sflag:s20] =	ssyncset.done $0x0  }
0xc6: {  	[sflag:s20] =	ssyncadd.s32 $0xFFFFFF80  }
0xc7: {  	_ =	swait.ge [sflag:s20], $0x80  }
0xc8: {  	[sflag:s20] =	ssyncset.done $0x0  }
0xc9: {  	[sflag:s20] =	ssyncadd.s32 $0xFFFFFF80  }
0xca: {  	_ =	swait.ge [sflag:s20], $0x80  }
0xcb: {  	[sflag:s20] =	ssyncset.done $0x0  }
0xcc: {  	[sflag:s20] =	ssyncadd.s32 $0xFFFFFF80  }
0xcd: {  	_ =	swait.ge [sflag:s20], $0x80  }
0xce: {  	[sflag:s20] =	ssyncset.done $0x0  }
0xcf: {  	[sflag:s20] =	ssyncadd.s32 $0xFFFFFF80  }
0xd0: {  	_ =	swait.ge [sflag:s20], $0x80  }
0xd1: {  	[sflag:s20] =	ssyncset.done $0x0  }
0xd2: {  	[sflag:s20] =	ssyncadd.s32 $0xFFFFFF80  }
0xd3: {  	_ =	swait.ge [sflag:s20], $0x80  }
0xd4: {  	[sflag:s20] =	ssyncset.done $0x0  }
0xd5: {  	[sflag:s20] =	ssyncadd.s32 $0xFFFFFF80  }
.Ltmp0:
0xd6: {  	_ =	swait.ge [sflag:s20], $0x80;
	(pc) =	sbr.rel @p0 .LBB2_2-.Ltmp0, $4  }
0xd7: {  	[sflag:s20] =	ssyncset.done $0x0  }
0xd8: {  	[sflag:s20] =	ssyncadd.s32 $0xFFFFFF80  }
0xd9: {  	_ =	swait.ge [sflag:s20], $0x80  }
0xda: {  	s25 =	smov.u32 s23;
	[sflag:s20] =	ssyncset.done $0x0  }
0xdb: {  	s22 =	sshra.s32 s22, $0x2;
	[sflag:s20] =	ssyncadd.s32 $0xFFFFFF80  }
0xdc: {  	[spmem:s2] =	stream.indirect.scatter.add.f32 [tilespmem:s19], [sflag:$0x1], $0x1, s22, s18, $0xb8;
	[tilespmem:$0x2B80] =	vst v63  }
0xdd: {  	s23 =	sadd.s32 $0x80, s22  }
0xde: {  	[spmem:s2] =	stream.indirect.scatter.add.f32 [tilespmem:s19], [sflag:$0x1], $0x1, s23, s18, $0xb8;
	[tilespmem:$0x2B80] =	vst v63  }
0xdf: {  	s26 =	sadd.s32 $0x100, s22  }
0xe0: {  	[spmem:s2] =	stream.indirect.scatter.add.f32 [tilespmem:s19], [sflag:$0x1], $0x1, s26, s18, $0xb8;
	[tilespmem:$0x2B80] =	vst v63  }
0xe1: {  	s28 =	sadd.s32 $0x180, s22  }
0xe2: {  	[spmem:s2] =	stream.indirect.scatter.add.f32 [tilespmem:s19], [sflag:$0x1], $0x1, s28, s18, $0xb8;
	[tilespmem:$0x2B80] =	vst v63  }
0xe3: {  	s29 =	sadd.s32 $0x200, s22  }
0xe4: {  	[spmem:s2] =	stream.indirect.scatter.add.f32 [tilespmem:s19], [sflag:$0x1], $0x1, s29, s18, $0xb8;
	[tilespmem:$0x2B80] =	vst v63  }
0xe5: {  	s30 =	sadd.s32 $0x280, s22  }
0xe6: {  	[spmem:s2] =	stream.indirect.scatter.add.f32 [tilespmem:s19], [sflag:$0x1], $0x1, s30, s18, $0xb8;
	[tilespmem:$0x2B80] =	vst v63  }
0xe7: {  	s31 =	sadd.s32 $0x300, s22  }
0xe8: {  	[spmem:s2] =	stream.indirect.scatter.add.f32 [tilespmem:s19], [sflag:$0x1], $0x1, s31, s18, $0xb8;
	[tilespmem:$0x2B80] =	vst v63  }
0xe9: {  	s24 =	sadd.s32 $0x380, s22  }
0xea: {  	[spmem:s2] =	stream.indirect.scatter.add.f32 [tilespmem:s19], [sflag:$0x1], $0x1, s24, s18, $0xb8;
	[tilespmem:$0x2B80] =	vst v63  }
0xeb: {  	s25 =	sadd.s32 $0x400, s22  }
0xec: {  	[spmem:s2] =	stream.indirect.scatter.add.f32 [tilespmem:s19], [sflag:$0x1], $0x1, s25, s18, $0xb8;
	[tilespmem:$0x2B80] =	vst v63  }
0xed: {  	s26 =	sadd.s32 $0x480, s22  }
0xee: {  	[spmem:s2] =	stream.indirect.scatter.add.f32 [tilespmem:s19], [sflag:$0x1], $0x1, s26, s18, $0xb8;
	[tilespmem:$0x2B80] =	vst v63  }
0xef: {  	s28 =	sadd.s32 $0x500, s22  }
0xf0: {  	[spmem:s2] =	stream.indirect.scatter.add.f32 [tilespmem:s19], [sflag:$0x1], $0x1, s28, s18, $0xb8;
	[tilespmem:$0x2B80] =	vst v63  }
0xf1: {  	s29 =	sadd.s32 $0x580, s22  }
0xf2: {  	[spmem:s2] =	stream.indirect.scatter.add.f32 [tilespmem:s19], [sflag:$0x1], $0x1, s29, s18, $0xb8;
	[tilespmem:$0x2B80] =	vst v63  }
0xf3: {  	s30 =	sadd.s32 $0x600, s22  }
0xf4: {  	[spmem:s2] =	stream.indirect.scatter.add.f32 [tilespmem:s19], [sflag:$0x1], $0x1, s30, s18, $0xb8;
	[tilespmem:$0x2B80] =	vst v63  }
0xf5: {  	s31 =	sadd.s32 $0x680, s22  }
0xf6: {  	[spmem:s2] =	stream.indirect.scatter.add.f32 [tilespmem:s19], [sflag:$0x1], $0x1, s31, s18, $0xb8;
	[tilespmem:$0x2B80] =	vst v63  }
0xf7: {  	s24 =	sadd.s32 $0x700, s22  }
0xf8: {  	[spmem:s2] =	stream.indirect.scatter.add.f32 [tilespmem:s19], [sflag:$0x1], $0x1, s24, s18, $0xb8;
	[tilespmem:$0x2B80] =	vst v63  }
0xf9: {  	s22 =	sadd.s32 $0x780, s22  }
0xfa: {  	[spmem:s2] =	stream.indirect.scatter.add.f32 [tilespmem:s19], [sflag:$0x1], $0x1, s22, s18, $0xb8;
	[tilespmem:$0x2B80] =	vst v63  }
0xfb: {  	_ =	swait.ge [sflag:s20], $0x80  }
0xfc: {  	[sflag:s20] =	ssyncset.done $0x0  }
0xfd: {  	[sflag:s20] =	ssyncadd.s32 $0xFFFFFF80  }
0xfe: {  	_ =	swait.ge [sflag:s20], $0x80  }
0xff: {  	[sflag:s20] =	ssyncset.done $0x0  }
0x100: {  	[sflag:s20] =	ssyncadd.s32 $0xFFFFFF80  }
0x101: {  	_ =	swait.ge [sflag:s20], $0x80  }
0x102: {  	[sflag:s20] =	ssyncset.done $0x0  }
0x103: {  	[sflag:s20] =	ssyncadd.s32 $0xFFFFFF80  }
0x104: {  	_ =	swait.ge [sflag:s20], $0x80  }
0x105: {  	[sflag:s20] =	ssyncset.done $0x0  }
0x106: {  	[sflag:s20] =	ssyncadd.s32 $0xFFFFFF80  }
0x107: {  	_ =	swait.ge [sflag:s20], $0x80  }
0x108: {  	[sflag:s20] =	ssyncset.done $0x0  }
0x109: {  	[sflag:s20] =	ssyncadd.s32 $0xFFFFFF80  }
0x10a: {  	_ =	swait.ge [sflag:s20], $0x80  }
0x10b: {  	[sflag:s20] =	ssyncset.done $0x0  }
0x10c: {  	[sflag:s20] =	ssyncadd.s32 $0xFFFFFF80  }
0x10d: {  	_ =	swait.ge [sflag:s20], $0x80  }
0x10e: {  	[sflag:s20] =	ssyncset.done $0x0  }
0x10f: {  	[sflag:s20] =	ssyncadd.s32 $0xFFFFFF80  }
0x110: {  	_ =	swait.ge [sflag:s20], $0x80  }
0x111: {  	[sflag:s20] =	ssyncset.done $0x0  }
0x112: {  	[sflag:s20] =	ssyncadd.s32 $0xFFFFFF80  }
0x113: {  	_ =	swait.ge [sflag:s20], $0x80  }
0x114: {  	[sflag:s20] =	ssyncset.done $0x0  }
0x115: {  	[sflag:s20] =	ssyncadd.s32 $0xFFFFFF80  }
0x116: {  	_ =	swait.ge [sflag:s20], $0x80  }
0x117: {  	[sflag:s20] =	ssyncset.done $0x0  }
0x118: {  	[sflag:s20] =	ssyncadd.s32 $0xFFFFFF80  }
0x119: {  	_ =	swait.ge [sflag:s20], $0x80  }
0x11a: {  	[sflag:s20] =	ssyncset.done $0x0  }
0x11b: {  	[sflag:s20] =	ssyncadd.s32 $0xFFFFFF80  }
0x11c: {  	_ =	swait.ge [sflag:s20], $0x80  }
0x11d: {  	[sflag:s20] =	ssyncset.done $0x0  }
0x11e: {  	[sflag:s20] =	ssyncadd.s32 $0xFFFFFF80  }
0x11f: {  	_ =	swait.ge [sflag:s20], $0x80  }
0x120: {  	[sflag:s20] =	ssyncset.done $0x0  }
0x121: {  	[sflag:s20] =	ssyncadd.s32 $0xFFFFFF80  }
0x122: {  	_ =	swait.ge [sflag:s20], $0x80  }
0x123: {  	[sflag:s20] =	ssyncset.done $0x0  }
0x124: {  	[sflag:s20] =	ssyncadd.s32 $0xFFFFFF80  }
0x125: {  	_ =	swait.ge [sflag:s20], $0x80  }
0x126: {  	[sflag:s20] =	ssyncset.done $0x0  }
0x127: {  	[sflag:s20] =	ssyncadd.s32 $0xFFFFFF80  }
0x128: {  	_ =	swait.ge [sflag:s20], $0x80  }
0x129: {  	[sflag:s20] =	ssyncset.done $0x0  }
0x12a: {  	s25 =	sshll.u32 s1, $0x6;
	[sflag:s20] =	ssyncadd.s32 $0xFFFFFF80  }
0x12b: {  	s26 =	sshrl.u32 s5, $0x3;
	s22 =	sor.u32 $0x1C02, s25;
	[bflag:$0x0] =	sbarrier.arrive $0xFFFF  }
0x12c: {  	[hbm:s10], [sflag:s22] =	dma.local [spmem:s26], $0x10  }
0x12d: {  	_ =	swait.ge [sflag:s16], $0x10  }
0x12e: {  	[sflag:s16] =	ssyncset.done $0x0  }
0x12f: {  	s28 =	sshrl.u32 s6, $0x3;
	[sflag:s16] =	ssyncadd.s32 $0xFFFFFFF0  }
0x130: {  	[hbm:s11], [sflag:s22] =	dma.local [spmem:s28], $0x10  }
0x131: {  	_ =	swait.ge [sflag:s16], $0x10  }
0x132: {  	[sflag:s16] =	ssyncset.done $0x0  }
0x133: {  	s29 =	sshrl.u32 s7, $0x3;
	[sflag:s16] =	ssyncadd.s32 $0xFFFFFFF0  }
0x134: {  	[hbm:s12], [sflag:s22] =	dma.local [spmem:s29], $0x10  }
0x135: {  	_ =	swait.ge [sflag:s16], $0x10  }
0x136: {  	[sflag:s16] =	ssyncset.done $0x0  }
0x137: {  	s30 =	sshrl.u32 s8, $0x3;
	[sflag:s16] =	ssyncadd.s32 $0xFFFFFFF0  }
0x138: {  	[hbm:s13], [sflag:s22] =	dma.local [spmem:s30], $0x10  }
0x139: {  	s21 =	sadd.s32 $0x1, s21;
	_ =	swait.ge [sflag:s16], $0x10  }
0x13a: {  	p0 =	sne.s32 s21, s15;
	[sflag:s16] =	ssyncset.done $0x0  }
.Ltmp1:
0x13b: {  	s31 =	sshrl.u32 s9, $0x3;
	[sflag:s16] =	ssyncadd.s32 $0xFFFFFFF0;
	(pc) =	sbr.rel @p0 .LBB2_1-.Ltmp1, $4  }
0x13c: {  	[hbm:s14], [sflag:s22] =	dma.local [spmem:s31], $0x10  }
0x13d: {  	_ =	swait.ge [sflag:s16], $0x10  }
0x13e: {  	[sflag:s16] =	ssyncset.done $0x0  }
0x13f: {  	[sflag:s16] =	ssyncadd.s32 $0xFFFFFFF0  }
0x140: {  	_ =	sfence.sel $0x180000  }
0x141: {  	[bflag:$0x0] =	sbarrier.arrive $0xFFFF  }
0x142: {  	p0 =	sne.s32 s1, $0x0;
	_ =	strace $0x90000047  }
0x143: {  	s0 =	sadd.s32 @!p0 $0x100000, s0;
	[bflag:$0x2] =	sbarrier.arrive $0xFFFF  }
0x144: {  	[sflag:s0] =	ssyncadd.tile.s32 @!p0 $0x1;
	_ =	shalt  }
.Lfunc_end2:
_tile_overlayer_lowered:
.L_overlay_start_2:
0x145: {  	(tag) =	ssettag $0x2  }
0x146: {  	s0 =	rddreg [dreg:$0x0];
	s2 =	stileid.u32  }
0x147: {  	s1 =	rddreg [dreg:$0x1];
	p0 =	sne.s32 s2, $0x0  }
0x148: {  	s3 =	rddreg [dreg:$0x2];
	[bflag:$0x3] =	sbarrier.arrive $0xFFFF;
	s2 =	simm.s32 @!p0 $0x1C02  }
0x149: {  	[timem:s3], [sflag:s2] =	dma.local @!p0 [hbm:s0], s1  }
0x14a: {  	s0 =	simm.s32 @!p0 $0x2  }
0x14b: {  	_ =	swait.ge @!p0 [sflag:s0], s1  }
0x14c: {  	s1 =	ssub.s32 @!p0 $0x0, s1;
	[sflag:s0] =	ssyncset.done @!p0 $0x0  }
0x14d: {  	[sflag:s0] =	ssyncadd.s32 @!p0 s1  }
0x14e: {  	[bflag:$0x3] =	sbarrier.arrive $0xFFFF  }
0x14f: {  	_ =	shalt  }

// kernel: kernel.9.cloned.1.call-start
scs
__scs_entry_jumppad:
0x0: {  	(pc) =	sbr.rel $0x88, $3  }
0x1: {  	(tag) =	ssettag $0x0;
	lr =	simm.s32 $0x1  }
0x2: {  	[smem:$0x3F9B] =	sst lr;
	_ =	strace $0xD0000000  }
0x3: {  	_ = 	snop  }
0x4: {  	_ = 	snop  }
0x5: {  	_ = 	snop  }
0x6: {  	_ = 	snop  }
0x7: {  	_ = 	snop  }
__scs_overlays_trampoline_lowered:
0x8: {  	[smem:$0x3FAA] =	sst s0  }
0x9: {  	[smem:$0x3FAB] =	sst s1  }
0xa: {  	[smem:$0x3FAC] =	sst s2  }
0xb: {  	[smem:$0x3FAD] =	sst s3  }
0xc: {  	[smem:$0x3FAE] =	sst s4  }
0xd: {  	[smem:$0x3FAF] =	sst s5  }
0xe: {  	[smem:$0x3FB0] =	sst s6  }
0xf: {  	[smem:$0x3FB1] =	sst s7  }
0x10: {  	[smem:$0x3FB2] =	sst s8  }
0x11: {  	[smem:$0x3FB3] =	sst s9;
	s0 =	simm.s32 @!p0 $0x0  }
0x12: {  	s1 =	sld [smem:$0x3F99];
	s0 =	simm.s32 @p0 $0x1  }
0x13: {  	[smem:$0x3FB4] =	sst s0;
	s0 =	simm.s32 @!p1 $0x0  }
0x14: {  	s2 =	sld [smem:$0x3F98];
	s0 =	simm.s32 @p1 $0x1  }
0x15: {  	[smem:$0x3FB5] =	sst s0;
	s0 =	simm.s32 @!p2 $0x0  }
0x16: {  	s3 =	sld [smem:$0x3FDB];
	s0 =	simm.s32 @p2 $0x1  }
0x17: {  	s4 =	simm.s32 $0x1BF5;
	[smem:$0x3FB7] =	sst s0  }
0x18: {  	s0 =	sld [smem:$0x3F9A];
	_ =	swait.ge [sflag:s4], $0x0  }
0x19: {  	s7 =	sld [smem:$0x3F9B]  }
0x1a: {  	s8 =	sadd.s32 $0xFFFFE003, lr  }
0x1b: {  	s9 =	sadd.s32 $0xFFFFFEF7, lr;
	s5 =	simm.s32 $0xFFFFFFFF;
	p2 =	slt.u32 s8, $0xFFFFF086  }
0x1c: {  	p1 =	slt.u32 s9, $0xF7A;
	s5 =	simm.s32 @!p2 $0x0  }
0x1d: {  	s5 =	simm.s32 @p1 $0x1;
	p0 =	seq.s32 s7, s2  }
0x1e: {  	s7 =	smul.u32 @!p0 $0xF7A, s2;
	p2 =	seq.s32 @!p0 s5, $0x0  }
0x1f: {  	s9 =	smul.u32 $0xF7A, s1;
	s8 =	simm.s32 @!p0 $0x1BF5;
	p2 =	por !p2, p0  }
0x20: {  	[sflag:s8] =	ssyncset.s32 @!p0 $0xFFFFF086;
	s6 =	sadd.s32 @!p0 s3, s7;
	s7 =	simm.s32 @!p0 $0x108  }
0x21: {  	s3 =	sadd.s32 s3, s9;
	s6 =	sadd.s32 @!p0 $0x88, s6;
	s7 =	simm.s32 @p2 $0x1082  }
0x22: {  	[simem:s7], [sflag:s8] =	dma.local @!p0 [hbm:s6], $0xF7A  }
0x23: {  	s9 =	sor.u32 $0xD0000000, s2;
	s6 =	simm.s32 $0x108;
	_ =	swait.ge @!p0 [sflag:s8], $0x0  }
0x24: {  	s3 =	sadd.s32 $0x88, s3;
	s6 =	simm.s32 @!p1 $0x1082;
	[sflag:s4] =	ssyncset.s32 $0xFFFFF086  }
0x25: {  	[simem:s6], [sflag:s4] =	dma.local [hbm:s3], $0xF7A  }
0x26: {  	[smem:$0x3F9B] =	sst s1;
	(tag) =	ssettag s2;
	_ =	strace s9  }
0x27: {  	s1 =	sld [smem:$0x3FAB]  }
0x28: {  	s2 =	sld [smem:$0x3FAC]  }
0x29: {  	s4 =	sld [smem:$0x3FAE]  }
0x2a: {  	p0 =	seq.s32 s5, $0x0;
	s5 =	sld [smem:$0x3FAF]  }
0x2b: {  	s6 =	sld [smem:$0x3FB0]  }
0x2c: {  	s7 =	sld [smem:$0x3FB1]  }
0x2d: {  	s3 =	simm.s32 $0x108;
	s8 =	sld [smem:$0x3FB2]  }
0x2e: {  	s3 =	simm.s32 @!p0 $0x1082;
	s9 =	sld [smem:$0x3FB3]  }
0x2f: {  	lr =	sadd.s32 s0, s3;
	s0 =	sld [smem:$0x3FAA]  }
0x30: {  	s3 =	sld [smem:$0x3FAD]  }
0x31: {  	[smem:$0x3FB6] =	sst s10  }
0x32: {  	s10 =	sld [smem:$0x3FB4];
	_ =	sdelay $0x3  }
0x33: {  	p0 =	seq.s32 s10, $0x1;
	s10 =	sld [smem:$0x3FB6];
	_ =	sdelay $0x3  }
0x34: {  	[smem:$0x3FB6] =	sst s10  }
0x35: {  	s10 =	sld [smem:$0x3FB5];
	_ =	sdelay $0x3  }
0x36: {  	p1 =	seq.s32 s10, $0x1;
	s10 =	sld [smem:$0x3FB6];
	_ =	sdelay $0x3  }
0x37: {  	[smem:$0x3FB6] =	sst s10  }
0x38: {  	s10 =	sld [smem:$0x3FB7]  }
0x39: {  	_ = 	snop;
	(pc) =	sbr.ind lr, $3  }
0x3a: {  	_ = 	snop  }
0x3b: {  	_ = 	snop  }
0x3c: {  	p2 =	seq.s32 s10, $0x1;
	s10 =	sld [smem:$0x3FB6]  }
0x3d: {  	_ =	shalt  }
0x3e: {  	_ =	shalt  }
0x3f: {  	_ =	shalt  }
0x40: {  	_ =	shalt  }
0x41: {  	_ =	shalt  }
0x42: {  	_ =	shalt  }
0x43: {  	_ =	shalt  }
0x44: {  	_ =	shalt  }
0x45: {  	_ =	shalt  }
0x46: {  	_ =	shalt  }
0x47: {  	_ =	shalt  }
0x48: {  	_ =	shalt  }
0x49: {  	_ =	shalt  }
0x4a: {  	_ =	shalt  }
0x4b: {  	_ =	shalt  }
0x4c: {  	_ =	shalt  }
0x4d: {  	_ =	shalt  }
0x4e: {  	_ =	shalt  }
0x4f: {  	_ =	shalt  }
0x50: {  	_ =	shalt  }
0x51: {  	_ =	shalt  }
0x52: {  	_ =	shalt  }
0x53: {  	_ =	shalt  }
0x54: {  	_ =	shalt  }
0x55: {  	_ =	shalt  }
0x56: {  	_ =	shalt  }
0x57: {  	_ =	shalt  }
0x58: {  	_ =	shalt  }
0x59: {  	_ =	shalt  }
0x5a: {  	_ =	shalt  }
0x5b: {  	_ =	shalt  }
0x5c: {  	_ =	shalt  }
0x5d: {  	_ =	shalt  }
0x5e: {  	_ =	shalt  }
0x5f: {  	_ =	shalt  }
0x60: {  	_ =	shalt  }
0x61: {  	_ =	shalt  }
0x62: {  	_ =	shalt  }
0x63: {  	_ =	shalt  }
0x64: {  	_ =	shalt  }
0x65: {  	_ =	shalt  }
0x66: {  	_ =	shalt  }
0x67: {  	_ =	shalt  }
0x68: {  	_ =	shalt  }
0x69: {  	_ =	shalt  }
0x6a: {  	_ =	shalt  }
0x6b: {  	_ =	shalt  }
0x6c: {  	_ =	shalt  }
0x6d: {  	_ =	shalt  }
0x6e: {  	_ =	shalt  }
0x6f: {  	_ =	shalt  }
0x70: {  	_ =	shalt  }
0x71: {  	_ =	shalt  }
0x72: {  	_ =	shalt  }
0x73: {  	_ =	shalt  }
0x74: {  	_ =	shalt  }
0x75: {  	_ =	shalt  }
0x76: {  	_ =	shalt  }
0x77: {  	_ =	shalt  }
0x78: {  	_ =	shalt  }
0x79: {  	_ =	shalt  }
0x7a: {  	_ =	shalt  }
0x7b: {  	_ =	shalt  }
0x7c: {  	_ =	shalt  }
0x7d: {  	_ =	shalt  }
0x7e: {  	_ =	shalt  }
0x7f: {  	_ =	shalt  }
0x80: {  	_ =	shalt  }
0x81: {  	_ =	shalt  }
0x82: {  	_ =	shalt  }
0x83: {  	_ =	shalt  }
0x84: {  	_ =	shalt  }
0x85: {  	_ =	shalt  }
0x86: {  	_ =	shalt  }
0x87: {  	_ =	shalt  }
.Lfunc_end0:
.L_simem_size_0:
called_computation.1_lowered:
.L_overlay_start_0:
0x88: {  	s2 =	sld [smem:$0x3FD9]  }
0x89: {  	s3 =	sld [smem:$0x3FFE];
	_ =	sdelay $0x1  }
0x8a: {  	s1 =	srdreg.scid  }
0x8b: {  	s0 =	sand.u32 $0x1, s1  }
0x8c: {  	s16 =	sshll.u32 s0, $0xA;
	s2 =	sadd.s32 s3, s2  }
0x8d: {  	s2 =	sadd.s32 s2, s16  }
0x8e: {  	[smem:$0x3FC2] =	sst s2  }
0x8f: {  	_ = 	snop  }
0x90: {  	(tm) =	ssettm $0x1  }
0x91: {  	s17 =	sld [smem:$0x3FFB];
	_ =	sdelay $0x3  }
0x92: {  	_ =	strace s17  }
0x93: {  	s2 =	sld [smem:$0x3FFC];
	_ =	sdelay $0x3  }
0x94: {  	_ =	strace s2  }
0x95: {  	s2 =	sld [smem:$0x3FFD];
	_ =	sdelay $0x3  }
0x96: {  	_ =	strace s2  }
0x97: {  	_ =	strace $0x8FFFFFFF  }
0x98: {  	s18 =	sld [smem:$0x3FDB];
	_ =	sdelay $0x1  }
0x99: {  	s19 =	simm.s32 $_scs_section_size  }
0x9a: {  	s4 =	simm.s32 $_size__tile_overlayer_lowered;
	s5 =	simm.s32 $_tile_overlayer_lowered  }
0x9b: {  	s22 =	simm.s32 $0x1BFF;
	s21 =	sshll.u32 s5, $0x1;
	s2 =	sadd.s32 s19, s18  }
0x9c: {  	s6 =	simm.s32 $0x0;
	s20 =	sshll.u32 s4, $0x1;
	s4 =	sadd.s32 s21, s2  }
0x9d: {  	[timem:s6], [sflag:s22] =	dma.local [hbm:s4], s20  }
0x9e: {  	_ =	swait.ge [sflag:s22], s20  }
0x9f: {  	s3 =	ssub.s32 $0x0, s20;
	[sflag:s22] =	ssyncset.done $0x0  }
0xa0: {  	[sflag:s22] =	ssyncadd.s32 s3;
	_ =	sdelay $0x1  }
0xa1: {  	s23 =	simm.s32 $0x1B8B  }
0xa2: {  	_ =	swait.ge [sflag:s23], $0x1  }
0xa3: {  	[sflag:s23] =	ssyncset.done $0x0  }
0xa4: {  	s25 =	simm.s32 $0x1B8E;
	s24 =	sld [smem:$0x3FFE];
	[sflag:s23] =	ssyncadd.s32 $0xFFFFFFFF  }
0xa5: {  	s26 =	simm.s32 $execute0_lowered;
	[smem:$0x3FD2] =	sst s25  }
0xa6: {  	s4 =	sshll.u32 s26, $0x1;
	_ =	strace $0x80000049;
	[dreg:$0x1] =	wrdreg $0xFFFFFFFF  }
0xa7: {  	s28 =	simm.s32 $_size_execute0_lowered;
	s2 =	sadd.s32 s2, s4;
	[dreg:$0x0] =	wrdreg $0x0  }
0xa8: {  	s4 =	sshll.u32 s28, $0x1;
	[dreg:$0x2] =	wrdreg s2  }
0xa9: {  	[dreg:$0x3] =	wrdreg s4  }
0xaa: {  	[dreg:$0x4] =	wrdreg $0xC0  }
0xab: {  	_ =	task [dreg:s6], $0x5FFFF  }
0xac: {  	[dreg:$0x1] =	wrdreg $0xFFFFFFFF  }
0xad: {  	[dreg:$0x0] =	wrdreg $0x60  }
0xae: {  	[dreg:$0x2] =	wrdreg s24  }
0xaf: {  	[dreg:$0x3] =	wrdreg $0x90800  }
0xb0: {  	[dreg:$0x4] =	wrdreg $0x1D0800  }
0xb1: {  	[dreg:$0x5] =	wrdreg $0x1D3000  }
0xb2: {  	[dreg:$0x6] =	wrdreg $0x9  }
0xb3: {  	_ =	task.clear_ibuf [dreg:s6], $0x7FFFF;
	_ =	strace $0x90000049  }
0xb4: {  	s29 =	simm.s32 $0x9;
	_ =	strace $0x8000004B  }
0xb5: {  	_ =	swait.ge [sflag:s29], $0x1  }
0xb6: {  	[sflag:s29] =	ssyncadd.s32 $0xFFFFFFFF  }
0xb7: {  	_ =	strace $0x9000004B  }
0xb8: {  	_ =	sfence  }
0xb9: {  	s30 =	sld [smem:$0x0];
	_ =	sdelay $0x2  }
0xba: {  	s31 =	sshll.u32 s1, $0xD;
	s1 =	sshrl.u32 s1, $0x2  }
0xbb: {  	s3 =	sand.u32 $0x4000, s31;
	s1 =	sadd.s32 s1, s30  }
0xbc: {  	s0 =	sor.u32 s3, s0;
	s1 =	sshll.u32 s1, $0x11  }
0xbd: {  	s0 =	sor.u32 s1, s0  }
0xbe: {  	s0 =	sadd.s32 $0x8F2B, s0  }
0xbf: {  	[sflag:s0] =	ssyncadd.remote.s32 $0x1  }
0xc0: {  	_ =	sfence.sel $0xFFFF  }
0xc1: {  	[dreg:$0x0] =	wrdreg $0xFFFFFFFF;
	(pc) =	sbr.abs _section_cstart, $3  }
0xc2: {  	[dreg:$0x1] =	wrdreg $0xFFFFFFFF  }
0xc3: {  	_ =	task.clear_ibuf [dreg:s6], $0x2FFFF;
	_ =	strace $0x9FFFFFFF  }
0xc4: {  	(tm) =	ssettm $0x7FFFFFFF  }
0xc5: {  	_ =	shalt  }
tec
execute0_lowered:
.L_overlay_start_1:
0x0: {  	(tag) =	ssettag $0x1  }
0x1: {  	s0 =	srdreg.scid;
	s20 =	stileid.u32  }
0x2: {  	s2 =	rddreg [dreg:$0x0];
	s4 =	sand.u32 $0x1, s0;
	s0 =	smul.u32 $0x280, s20  }
0x3: {  	s12 =	sadd.s32 $0x16800, s2;
	s13 =	sadd.s32 $0x3F800, s2;
	s11 =	smul.u32 $0x14000, s20  }
0x4: {  	s19 =	smul.u32 $0x500, s20;
	s3 =	ssub.s32 $0x2, s4;
	s1 =	sadd.s32 $0x80, s0  }
0x5: {  	s14 =	smul.u32 $0x140000, s4;
	s5 =	sshrl.u32 s3, $0x1;
	s24 =	sshrl.u32 s1, $0x3  }
0x6: {  	s6 =	sshrl.u32 s0, $0x3;
	s3 =	ssub.s32 s3, s5;
	s5 =	sadd.s32 s12, s24  }
0x7: {  	s9 =	sadd.s32 $0x200, s0;
	[dreg:$0x6] =	wrdreg s5;
	s5 =	sadd.s32 $0x100, s0  }
0x8: {  	s23 =	sadd.s32 s12, s6;
	s7 =	sshll.u32 s1, $0x7;
	s25 =	sshrl.u32 s5, $0x3  }
0x9: {  	s26 =	sshrl.u32 s9, $0x3;
	s16 =	sadd.s32 s11, s14;
	s6 =	sadd.s32 s12, s25  }
0xa: {  	s11 =	sshll.u32 s9, $0x7;
	[dreg:$0x7] =	wrdreg s6;
	s6 =	sadd.s32 $0x180, s0  }
0xb: {  	[dreg:$0x5] =	wrdreg s23;
	s17 =	sshrl.u32 s16, $0x3;
	s15 =	sshrl.u32 s6, $0x3  }
0xc: {  	s18 =	sadd.s32 s14, s7;
	s24 =	sshll.u32 s1, $0x1;
	s15 =	sadd.s32 s12, s15  }
0xd: {  	s10 =	sshll.u32 s6, $0x7;
	s12 =	sadd.s32 s12, s26;
	[dreg:$0x8] =	wrdreg s15  }
0xe: {  	s8 =	sshll.u32 s5, $0x7;
	s22 =	sadd.s32 s14, s10;
	[dreg:$0x9] =	wrdreg s12  }
0xf: {  	s12 =	sadd.s32 s13, s17;
	s15 =	sshrl.u32 s18, $0x3;
	s17 =	sadd.s32 s14, s8  }
0x10: {  	s23 =	sshrl.u32 s22, $0x3;
	s14 =	sadd.s32 s14, s11;
	s22 =	sshll.u32 s9, $0x1  }
0x11: {  	s18 =	sadd.s32 $0x3EE00, s2;
	[dreg:$0xa] =	wrdreg s12;
	s12 =	sshll.u32 s4, $0x7  }
0x12: {  	s15 =	sadd.s32 s13, s15;
	s21 =	sshrl.u32 s17, $0x3;
	s17 =	rddreg [dreg:$0x2]  }
0x13: {  	s14 =	sshrl.u32 s14, $0x3;
	[dreg:$0xb] =	wrdreg s15;
	s15 =	sadd.s32 s13, s21  }
0x14: {  	s25 =	sor.u32 s12, s19;
	s26 =	sor.u32 s12, s24;
	s19 =	sshll.u32 s5, $0x1  }
0x15: {  	s21 =	sshll.u32 s6, $0x1;
	s29 =	sadd.s32 s0, s17;
	s31 =	sadd.s32 s1, s17  }
0x16: {  	[dreg:$0xc] =	wrdreg s15;
	s15 =	sadd.s32 s13, s23;
	s13 =	sadd.s32 s13, s14  }
0x17: {  	s16 =	sor.u32 s12, s21;
	s23 =	simm.s32 $0x0;
	s14 =	rddreg [dreg:$0x1]  }
0x18: {  	s24 =	sshrl.u32 s26, $0x3;
	s21 =	sadd.s32 $0x16E00, s2;
	[dreg:$0xd] =	wrdreg s15  }
0x19: {  	[dreg:$0xe] =	wrdreg s13;
	s15 =	sor.u32 s12, s19;
	s12 =	sor.u32 s12, s22  }
0x1a: {  	s13 =	sshrl.u32 s25, $0x3;
	[smem:$0x7FF] =	sst s23;
	s26 =	sshrl.u32 s16, $0x3  }
0x1b: {  	s19 =	rddreg [dreg:$0x3];
	s22 =	sadd.s32 $0x2800, s2;
	s23 =	sadd.s32 $0xC800, s2  }
0x1c: {  	s16 =	sshll.u32 s4, $0x4;
	s30 =	sadd.s32 s7, s14;
	s4 =	simm.s32 $0x700  }
0x1d: {  	s7 =	simm.s32 $0x0;
	s13 =	sadd.s32 s18, s13;
	s25 =	sshrl.u32 s15, $0x3  }
0x1e: {  	s12 =	sshrl.u32 s12, $0x3;
	[dreg:$0xf] =	wrdreg s13;
	s13 =	sadd.s32 s18, s24  }
0x1f: {  	s15 =	smul.u32 $0x50000, s20;
	s12 =	sadd.s32 s18, s12;
	[dreg:$0x10] =	wrdreg s13  }
0x20: {  	s2 =	sor.u32 s20, s16;
	s13 =	sadd.s32 s18, s25;
	[dreg:$0x13] =	wrdreg s12  }
0x21: {  	s16 =	smax.u32 s3, $0x1;
	[dreg:$0x11] =	wrdreg s13;
	s13 =	sadd.s32 s18, s26  }
0x22: {  	s25 =	sadd.s32 s1, s19;
	s26 =	sadd.s32 s8, s14;
	[dreg:$0x12] =	wrdreg s13  }
0x23: {  	s1 =	sadd.s32 s5, s17;
	_ =	strace $0x8000004A;
	[dreg:$0x15] =	wrdreg s26  }
0x24: {  	s3 =	simm.s32 $0xF00;
	s8 =	sadd.s32 s10, s14;
	[dreg:$0x16] =	wrdreg s1  }
0x25: {  	s24 =	sadd.s32 s0, s19;
	s10 =	sadd.s32 s6, s17;
	[dreg:$0x17] =	wrdreg s8  }
0x26: {  	s2 =	smul.u32 $0x2800, s2;
	s12 =	sadd.s32 s11, s14;
	[dreg:$0x18] =	wrdreg s10  }
0x27: {  	s5 =	sadd.s32 s5, s19;
	s13 =	sadd.s32 s9, s17;
	[dreg:$0x19] =	wrdreg s12  }
0x28: {  	s11 =	simm.s32 $0x9000;
	s18 =	sshrl.u32 s15, $0x2;
	[dreg:$0x1a] =	wrdreg s13  }
0x29: {  	s28 =	sadd.s32 s18, s14;
	s18 =	sshrl.u32 s24, $0x3;
	[dreg:$0x1b] =	wrdreg s16  }
0x2a: {  	s6 =	sadd.s32 s6, s19;
	s20 =	sshrl.u32 s25, $0x3;
	[dreg:$0x1c] =	wrdreg s18  }
0x2b: {  	s15 =	sadd.s32 s9, s19;
	s24 =	sshrl.u32 s5, $0x3;
	[dreg:$0x1d] =	wrdreg s20  }
0x2c: {  	s25 =	sshrl.u32 s6, $0x3;
	s9 =	simm.s32 $0x1000;
	[dreg:$0x1e] =	wrdreg s24  }
0x2d: {  	s5 =	simm.s32 $0xF80;
	s6 =	simm.s32 $0x780;
	[dreg:$0x1f] =	wrdreg s25  }
0x2e: {  	s26 =	sshrl.u32 s15, $0x3;
	s10 =	simm.s32 $0x3;
	s12 =	simm.s32 $0x800  }
0x2f: {  	s13 =	simm.s32 $0x80;
	s15 =	simm.s32 $0x5000;
	[dreg:$0x14] =	wrdreg s29  }
0x30: {  	v0 =	vimm.f32 $0.0e+00;
	s18 =	simm.s32 $0x1;
	s20 =	simm.s32 $0x2;
	[smem:$0x7FD] =	sst s26  }
.LBB2_1:
0x31: {  	s24 =	simm.s32 $0x0  }
0x32: {  	s8 =	sand.u32 $0xFE00, s24  }
0x33: {  	s24 =	sand.u32 $0x70, s24;
	s25 =	sshrl.u32 s8, $0x2  }
0x34: {  	s8 =	simm.s32 $0x40;
	s25 =	sor.u32 s24, s25;
	s24 =	simm.s32 $0x0  }
.LBB2_2:
0x35: {  	p0 =	sne.s32 s8, $0xFFC0  }
0x36: {  	[tilespmem:s25+$0x1000] =	vst v0;
	s24 =	sadd.s32 $0x10, s24;
	s25 =	smov.u32 s8;
	s8 =	sadd.s32 $0x40, s8  }
.Ltmp0:
0x37: {  	(pc) =	sbr.rel @p0 .LBB2_2-.Ltmp0, $4  }
0x38: {  	_ = 	snop  }
0x39: {  	s25 =	sand.u32 $0xFE00, s25  }
0x3a: {  	s26 =	sand.u32 $0x70, s24;
	s25 =	sshrl.u32 s25, $0x2  }
0x3b: {  	s25 =	sor.u32 s26, s25  }
0x3c: {  	[tilespmem:s25+$0x1000] =	vst v0  }
0x3d: {  	[tilespmem:$0x9000] =	vst v0  }
0x3e: {  	[tilespmem:$0x9010] =	vst v0  }
0x3f: {  	[tilespmem:$0x9020] =	vst v0  }
0x40: {  	[tilespmem:$0x9030] =	vst v0  }
0x41: {  	[tilespmem:$0x9040] =	vst v0  }
0x42: {  	[tilespmem:$0x9050] =	vst v0  }
0x43: {  	[tilespmem:$0x9060] =	vst v0  }
0x44: {  	[tilespmem:$0x9070] =	vst v0  }
0x45: {  	[spmem:s28] =	stream.linear.scatter [tilespmem:s9], [sflag:$0x3], $0x4000, $0x38;
	[tilespmem:$0x1D580] =	vst v63  }
0x46: {  	_ =	swait.ge [sflag:s10], $0x4000  }
0x47: {  	[sflag:s10] =	ssyncset.done $0x0  }
0x48: {  	[sflag:s10] =	ssyncadd.s32 $0xFFFFC000  }
0x49: {  	[spmem:s29] =	stream.linear.scatter [tilespmem:s11], [sflag:$0x3], $0x80, $0x38;
	[tilespmem:$0x1D580] =	vst v63  }
0x4a: {  	s8 =	stileid.u32;
	_ =	swait.ge [sflag:s10], $0x80  }
0x4b: {  	s8 =	sshll.u32 s8, $0x6;
	[sflag:s10] =	ssyncset.done $0x0;
	s24 =	rddreg [dreg:$0x5]  }
0x4c: {  	s8 =	sor.u32 $0x1C03, s8;
	s0 =	rddreg [dreg:$0x1c];
	[sflag:s10] =	ssyncadd.s32 $0xFFFFFF80  }
0x4d: {  	[spmem:s0], [sflag:s8] =	dma.local [hbm:s24], $0x10  }
0x4e: {  	_ =	swait.ge [sflag:s10], $0x10  }
0x4f: {  	[sflag:s10] =	ssyncset.done $0x0  }
0x50: {  	[sflag:s10] =	ssyncadd.s32 $0xFFFFFFF0  }
0x51: {  	[spmem:s30] =	stream.linear.scatter [tilespmem:s9], [sflag:$0x3], $0x4000, $0x38;
	[tilespmem:$0x1D580] =	vst v63  }
0x52: {  	_ =	swait.ge [sflag:s10], $0x4000  }
0x53: {  	[sflag:s10] =	ssyncset.done $0x0  }
0x54: {  	[sflag:s10] =	ssyncadd.s32 $0xFFFFC000  }
0x55: {  	[spmem:s31] =	stream.linear.scatter [tilespmem:s11], [sflag:$0x3], $0x80, $0x38;
	[tilespmem:$0x1D580] =	vst v63  }
0x56: {  	_ =	swait.ge [sflag:s10], $0x80  }
0x57: {  	s1 =	smov.u32 s30;
	[sflag:s10] =	ssyncset.done $0x0;
	s30 =	rddreg [dreg:$0x6]  }
0x58: {  	s0 =	smov.u32 s31;
	s31 =	rddreg [dreg:$0x1d];
	[sflag:s10] =	ssyncadd.s32 $0xFFFFFF80  }
0x59: {  	[spmem:s31], [sflag:s8] =	dma.local [hbm:s30], $0x10  }
0x5a: {  	_ =	swait.ge [sflag:s10], $0x10  }
0x5b: {  	[sflag:s10] =	ssyncset.done $0x0  }
0x5c: {  	s25 =	rddreg [dreg:$0x15];
	[sflag:s10] =	ssyncadd.s32 $0xFFFFFFF0  }
0x5d: {  	[spmem:s25] =	stream.linear.scatter [tilespmem:s9], [sflag:$0x3], $0x4000, $0x38;
	[tilespmem:$0x1D580] =	vst v63  }
0x5e: {  	_ =	swait.ge [sflag:s10], $0x4000  }
0x5f: {  	[sflag:s10] =	ssyncset.done $0x0  }
0x60: {  	s26 =	rddreg [dreg:$0x16];
	[sflag:s10] =	ssyncadd.s32 $0xFFFFC000  }
0x61: {  	[spmem:s26] =	stream.linear.scatter [tilespmem:s11], [sflag:$0x3], $0x80, $0x38;
	[tilespmem:$0x1D580] =	vst v63  }
0x62: {  	_ =	swait.ge [sflag:s10], $0x80  }
0x63: {  	s16 =	smov.u32 s28;
	[sflag:s10] =	ssyncset.done $0x0;
	s28 =	rddreg [dreg:$0x7]  }
0x64: {  	s29 =	rddreg [dreg:$0x1e];
	[sflag:s10] =	ssyncadd.s32 $0xFFFFFF80  }
0x65: {  	[spmem:s29], [sflag:s8] =	dma.local [hbm:s28], $0x10  }
0x66: {  	_ =	swait.ge [sflag:s10], $0x10  }
0x67: {  	[sflag:s10] =	ssyncset.done $0x0  }
0x68: {  	s30 =	rddreg [dreg:$0x17];
	[sflag:s10] =	ssyncadd.s32 $0xFFFFFFF0  }
0x69: {  	[spmem:s30] =	stream.linear.scatter [tilespmem:s9], [sflag:$0x3], $0x4000, $0x38;
	[tilespmem:$0x1D580] =	vst v63  }
0x6a: {  	_ =	swait.ge [sflag:s10], $0x4000  }
0x6b: {  	[sflag:s10] =	ssyncset.done $0x0  }
0x6c: {  	s31 =	rddreg [dreg:$0x18];
	[sflag:s10] =	ssyncadd.s32 $0xFFFFC000  }
0x6d: {  	[spmem:s31] =	stream.linear.scatter [tilespmem:s11], [sflag:$0x3], $0x80, $0x38;
	[tilespmem:$0x1D580] =	vst v63  }
0x6e: {  	_ =	swait.ge [sflag:s10], $0x80  }
0x6f: {  	[sflag:s10] =	ssyncset.done $0x0;
	s25 =	rddreg [dreg:$0x8]  }
0x70: {  	s26 =	rddreg [dreg:$0x1f];
	[sflag:s10] =	ssyncadd.s32 $0xFFFFFF80  }
0x71: {  	[spmem:s26], [sflag:s8] =	dma.local [hbm:s25], $0x10  }
0x72: {  	_ =	swait.ge [sflag:s10], $0x10  }
0x73: {  	[sflag:s10] =	ssyncset.done $0x0  }
0x74: {  	s28 =	rddreg [dreg:$0x19];
	[sflag:s10] =	ssyncadd.s32 $0xFFFFFFF0  }
0x75: {  	[spmem:s28] =	stream.linear.scatter [tilespmem:s9], [sflag:$0x3], $0x4000, $0x38;
	[tilespmem:$0x1D580] =	vst v63  }
0x76: {  	_ =	swait.ge [sflag:s10], $0x4000  }
0x77: {  	[sflag:s10] =	ssyncset.done $0x0  }
0x78: {  	s29 =	rddreg [dreg:$0x1a];
	[sflag:s10] =	ssyncadd.s32 $0xFFFFC000  }
0x79: {  	[spmem:s29] =	stream.linear.scatter [tilespmem:s11], [sflag:$0x3], $0x80, $0x38;
	[tilespmem:$0x1D580] =	vst v63  }
0x7a: {  	_ =	swait.ge [sflag:s10], $0x80  }
0x7b: {  	s31 =	sld [smem:$0x7FD]  }
0x7c: {  	[sflag:s10] =	ssyncset.done $0x0  }
0x7d: {  	s30 =	rddreg [dreg:$0x9];
	[sflag:s10] =	ssyncadd.s32 $0xFFFFFF80  }
0x7e: {  	[spmem:s31], [sflag:s8] =	dma.local [hbm:s30], $0x10  }
0x7f: {  	_ =	swait.ge [sflag:s10], $0x10  }
0x80: {  	[sflag:s10] =	ssyncset.done $0x0  }
0x81: {  	[sflag:s10] =	ssyncadd.s32 $0xFFFFFFF0  }
0x82: {  	s24 =	simm.s32 $0x0;
	s25 =	simm.s32 $0x0;
	[bflag:$0x0] =	sbarrier.arrive $0xFFFF  }
.LBB2_4:
0x83: {  	s26 =	sshll.u32 s25, $0xB  }
0x84: {  	s26 =	sadd.s32 s2, s26  }
0x85: {  	s26 =	sshrl.u32 s26, $0x3  }
0x86: {  	s28 =	sadd.s32 s22, s26  }
0x87: {  	[tilespmem:s24], [sflag:$0x3] =	stream.linear.gather [hbm4b:s28+s24], $0x800, $0x38;
	[tilespmem:$0x1D580] =	vst v63  }
0x88: {  	_ =	swait.ge [sflag:s10], $0x800  }
0x89: {  	[sflag:s10] =	ssyncset.done $0x0  }
0x8a: {  	s26 =	sadd.s32 s23, s26;
	[sflag:s10] =	ssyncadd.s32 $0xFFFFF800  }
0x8b: {  	[tilespmem:s12], [sflag:$0x3] =	stream.linear.gather [hbm4b:s26+s24], $0x800, $0x38;
	[tilespmem:$0x1D580] =	vst v63  }
0x8c: {  	_ =	swait.ge [sflag:s10], $0x800  }
0x8d: {  	[sflag:s10] =	ssyncset.done $0x0  }
0x8e: {  	[sflag:s10] =	ssyncadd.s32 $0xFFFFF800  }
0x8f: {  	[tilespmem:s9], [sflag:$0x1] =	stream.indirect.gather [hbm4b:s21+s13], $0x80, s24, s13, $0xb8;
	[tilespmem:$0x1D580] =	vst v63  }
0x90: {  	_ = 	snop  }
0x91: {  	[tilespmem:s15], [sflag:$0x2] =	stream.indirect.gather [hbm4b:s21+s13], $0x80, s13, s13, $0xb8;
	[tilespmem:$0x1D580] =	vst v63  }
0x92: {  	s30 =	simm.s32 $0x800  }
0x93: {  	[tilespmem:s11], [sflag:$0x3] =	stream.indirect.gather [spmem:s19], $0x1, s30, s13, $0xb8;
	[tilespmem:$0x1D580] =	vst v63  }
0x94: {  	_ =	swait.ge [sflag:s10], $0x80  }
0x95: {  	[sflag:s10] =	ssyncset.done $0x0  }
0x96: {  	s28 =	simm.s32 $0x0;
	[sflag:s10] =	ssyncadd.s32 $0xFFFFFF80  }
0x97: {  	[spmem:s17] =	stream.indirect.scatter.add.f32 [tilespmem:s11], [sflag:$0x3], $0x1, s28, s13, $0xb8;
	[tilespmem:$0x1D580] =	vst v63  }
0x98: {  	_ =	swait.ge [sflag:s10], $0x80  }
0x99: {  	[sflag:s10] =	ssyncset.done $0x0  }
0x9a: {  	[sflag:s10] =	ssyncadd.s32 $0xFFFFFF80  }
0x9b: {  	_ =	swait.ge [sflag:s18], $0x4000  }
0x9c: {  	[sflag:s18] =	ssyncset.done $0x0  }
0x9d: {  	[sflag:s18] =	ssyncadd.s32 $0xFFFFC000  }
0x9e: {  	[spmem:s14] =	stream.indirect.scatter.add.f32 [tilespmem:s9], [sflag:$0x3], $0x80, s30, s13, $0xb8;
	[tilespmem:$0x1D580] =	vst v63  }
0x9f: {  	_ =	swait.ge [sflag:s10], $0x4000  }
0xa0: {  	[sflag:s10] =	ssyncset.done $0x0  }
0xa1: {  	s29 =	simm.s32 $0x100;
	[sflag:s10] =	ssyncadd.s32 $0xFFFFC000  }
0xa2: {  	[tilespmem:s9], [sflag:$0x1] =	stream.indirect.gather [hbm4b:s21+s13], $0x80, s29, s13, $0xb8;
	[tilespmem:$0x1D580] =	vst v63  }
0xa3: {  	s30 =	simm.s32 $0x880  }
0xa4: {  	[tilespmem:s11], [sflag:$0x3] =	stream.indirect.gather [spmem:s19], $0x1, s30, s13, $0xb8;
	[tilespmem:$0x1D580] =	vst v63  }
0xa5: {  	_ =	swait.ge [sflag:s10], $0x80  }
0xa6: {  	[sflag:s10] =	ssyncset.done $0x0  }
0xa7: {  	s28 =	simm.s32 $0x80;
	[sflag:s10] =	ssyncadd.s32 $0xFFFFFF80  }
0xa8: {  	[spmem:s17] =	stream.indirect.scatter.add.f32 [tilespmem:s11], [sflag:$0x3], $0x1, s28, s13, $0xb8;
	[tilespmem:$0x1D580] =	vst v63  }
0xa9: {  	_ =	swait.ge [sflag:s10], $0x80  }
0xaa: {  	[sflag:s10] =	ssyncset.done $0x0  }
0xab: {  	[sflag:s10] =	ssyncadd.s32 $0xFFFFFF80  }
0xac: {  	_ =	swait.ge [sflag:s20], $0x4000  }
0xad: {  	[sflag:s20] =	ssyncset.done $0x0  }
0xae: {  	[sflag:s20] =	ssyncadd.s32 $0xFFFFC000  }
0xaf: {  	[spmem:s14] =	stream.indirect.scatter.add.f32 [tilespmem:s15], [sflag:$0x3], $0x80, s30, s13, $0xb8;
	[tilespmem:$0x1D580] =	vst v63  }
0xb0: {  	_ =	swait.ge [sflag:s10], $0x4000  }
0xb1: {  	s31 =	simm.s32 $0x180;
	[sflag:s10] =	ssyncset.done $0x0  }
0xb2: {  	s26 =	simm.s32 $0x100;
	s28 =	simm.s32 $0x800;
	[sflag:s10] =	ssyncadd.s32 $0xFFFFC000  }
.LBB2_5:
0xb3: {  	[tilespmem:s15], [sflag:$0x2] =	stream.indirect.gather [hbm4b:s21+s13], $0x80, s31, s13, $0xb8;
	[tilespmem:$0x1D580] =	vst v63  }
0xb4: {  	s29 =	smov.u32 s28  }
0xb5: {  	s30 =	sadd.s32 $0x400, s28;
	s31 =	sadd.s32 $0x800, s26;
	s29 =	sshra.s32 s29, $0x2  }
0xb6: {  	[tilespmem:s11], [sflag:$0x3] =	stream.indirect.gather [spmem:s19], $0x1, s31, s13, $0xb8;
	[tilespmem:$0x1D580] =	vst v63  }
0xb7: {  	p0 =	sne.s32 s28, $0x1800;
	_ =	swait.ge [sflag:s10], $0x80  }
0xb8: {  	[sflag:s10] =	ssyncset.done $0x0  }
0xb9: {  	[sflag:s10] =	ssyncadd.s32 $0xFFFFFF80  }
0xba: {  	[spmem:s17] =	stream.indirect.scatter.add.f32 [tilespmem:s11], [sflag:$0x3], $0x1, s26, s13, $0xb8;
	[tilespmem:$0x1D580] =	vst v63  }
0xbb: {  	_ =	swait.ge [sflag:s10], $0x80  }
0xbc: {  	[sflag:s10] =	ssyncset.done $0x0  }
0xbd: {  	[sflag:s10] =	ssyncadd.s32 $0xFFFFFF80  }
0xbe: {  	_ =	swait.ge [sflag:s18], $0x4000  }
0xbf: {  	[sflag:s18] =	ssyncset.done $0x0  }
0xc0: {  	[sflag:s18] =	ssyncadd.s32 $0xFFFFC000  }
0xc1: {  	[spmem:s14] =	stream.indirect.scatter.add.f32 [tilespmem:s9], [sflag:$0x3], $0x80, s31, s13, $0xb8;
	[tilespmem:$0x1D580] =	vst v63  }
0xc2: {  	_ =	swait.ge [sflag:s10], $0x4000  }
0xc3: {  	[sflag:s10] =	ssyncset.done $0x0  }
0xc4: {  	s28 =	sadd.s32 $0x100, s26;
	[sflag:s10] =	ssyncadd.s32 $0xFFFFC000  }
0xc5: {  	[tilespmem:s9], [sflag:$0x1] =	stream.indirect.gather [hbm4b:s21+s13], $0x80, s28, s13, $0xb8;
	[tilespmem:$0x1D580] =	vst v63  }
0xc6: {  	s28 =	sadd.s32 $0x880, s26  }
0xc7: {  	[tilespmem:s11], [sflag:$0x3] =	stream.indirect.gather [spmem:s19], $0x1, s28, s13, $0xb8;
	[tilespmem:$0x1D580] =	vst v63  }
0xc8: {  	_ =	swait.ge [sflag:s10], $0x80  }
0xc9: {  	[sflag:s10] =	ssyncset.done $0x0  }
0xca: {  	s31 =	sadd.s32 $0x80, s26;
	[sflag:s10] =	ssyncadd.s32 $0xFFFFFF80  }
0xcb: {  	[spmem:s17] =	stream.indirect.scatter.add.f32 [tilespmem:s11], [sflag:$0x3], $0x1, s31, s13, $0xb8;
	[tilespmem:$0x1D580] =	vst v63  }
0xcc: {  	_ =	swait.ge [sflag:s10], $0x80  }
0xcd: {  	[sflag:s10] =	ssyncset.done $0x0  }
0xce: {  	[sflag:s10] =	ssyncadd.s32 $0xFFFFFF80  }
0xcf: {  	_ =	swait.ge [sflag:s20], $0x4000  }
0xd0: {  	[sflag:s20] =	ssyncset.done $0x0  }
.Ltmp1:
0xd1: {  	[sflag:s20] =	ssyncadd.s32 $0xFFFFC000;
	(pc) =	sbr.rel @p0 .LBB2_5-.Ltmp1, $4  }
0xd2: {  	[spmem:s14] =	stream.indirect.scatter.add.f32 [tilespmem:s15], [sflag:$0x3], $0x80, s28, s13, $0xb8;
	[tilespmem:$0x1D580] =	vst v63  }
0xd3: {  	_ =	swait.ge [sflag:s10], $0x4000  }
0xd4: {  	s31 =	sadd.s32 $0x180, s26;
	[sflag:s10] =	ssyncset.done $0x0  }
0xd5: {  	s26 =	smov.u32 s29;
	s28 =	smov.u32 s30;
	[sflag:s10] =	ssyncadd.s32 $0xFFFFC000  }
0xd6: {  	[tilespmem:s15], [sflag:$0x2] =	stream.indirect.gather [hbm4b:s21+s13], $0x80, s31, s13, $0xb8;
	[tilespmem:$0x1D580] =	vst v63  }
0xd7: {  	s28 =	sadd.s32 $0x800, s26  }
0xd8: {  	[tilespmem:s11], [sflag:$0x3] =	stream.indirect.gather [spmem:s19], $0x1, s28, s13, $0xb8;
	[tilespmem:$0x1D580] =	vst v63  }
0xd9: {  	_ =	swait.ge [sflag:s10], $0x80  }
0xda: {  	[sflag:s10] =	ssyncset.done $0x0  }
0xdb: {  	[sflag:s10] =	ssyncadd.s32 $0xFFFFFF80  }
0xdc: {  	[spmem:s17] =	stream.indirect.scatter.add.f32 [tilespmem:s11], [sflag:$0x3], $0x1, s26, s13, $0xb8;
	[tilespmem:$0x1D580] =	vst v63  }
0xdd: {  	_ =	swait.ge [sflag:s10], $0x80  }
0xde: {  	[sflag:s10] =	ssyncset.done $0x0  }
0xdf: {  	[sflag:s10] =	ssyncadd.s32 $0xFFFFFF80  }
0xe0: {  	_ =	swait.ge [sflag:s18], $0x4000  }
0xe1: {  	[sflag:s18] =	ssyncset.done $0x0  }
0xe2: {  	[sflag:s18] =	ssyncadd.s32 $0xFFFFC000  }
0xe3: {  	[spmem:s14] =	stream.indirect.scatter.add.f32 [tilespmem:s9], [sflag:$0x3], $0x80, s28, s13, $0xb8;
	[tilespmem:$0x1D580] =	vst v63  }
0xe4: {  	_ =	swait.ge [sflag:s10], $0x4000  }
0xe5: {  	[sflag:s10] =	ssyncset.done $0x0  }
0xe6: {  	s29 =	sadd.s32 $0x100, s26;
	[sflag:s10] =	ssyncadd.s32 $0xFFFFC000  }
0xe7: {  	[tilespmem:s9], [sflag:$0x1] =	stream.indirect.gather [hbm4b:s21+s13], $0x80, s29, s13, $0xb8;
	[tilespmem:$0x1D580] =	vst v63  }
0xe8: {  	s30 =	sadd.s32 $0x880, s26  }
0xe9: {  	[tilespmem:s11], [sflag:$0x3] =	stream.indirect.gather [spmem:s19], $0x1, s30, s13, $0xb8;
	[tilespmem:$0x1D580] =	vst v63  }
0xea: {  	_ =	swait.ge [sflag:s10], $0x80  }
0xeb: {  	[sflag:s10] =	ssyncset.done $0x0  }
0xec: {  	s29 =	sadd.s32 $0x80, s26;
	[sflag:s10] =	ssyncadd.s32 $0xFFFFFF80  }
0xed: {  	[spmem:s17] =	stream.indirect.scatter.add.f32 [tilespmem:s11], [sflag:$0x3], $0x1, s29, s13, $0xb8;
	[tilespmem:$0x1D580] =	vst v63  }
0xee: {  	_ =	swait.ge [sflag:s10], $0x80  }
0xef: {  	[sflag:s10] =	ssyncset.done $0x0  }
0xf0: {  	[sflag:s10] =	ssyncadd.s32 $0xFFFFFF80  }
0xf1: {  	_ =	swait.ge [sflag:s20], $0x4000  }
0xf2: {  	[sflag:s20] =	ssyncset.done $0x0  }
0xf3: {  	[sflag:s20] =	ssyncadd.s32 $0xFFFFC000  }
0xf4: {  	[spmem:s14] =	stream.indirect.scatter.add.f32 [tilespmem:s15], [sflag:$0x3], $0x80, s30, s13, $0xb8;
	[tilespmem:$0x1D580] =	vst v63  }
0xf5: {  	_ =	swait.ge [sflag:s10], $0x4000  }
0xf6: {  	[sflag:s10] =	ssyncset.done $0x0  }
0xf7: {  	s31 =	sadd.s32 $0x180, s26;
	[sflag:s10] =	ssyncadd.s32 $0xFFFFC000  }
0xf8: {  	[tilespmem:s15], [sflag:$0x2] =	stream.indirect.gather [hbm4b:s21+s13], $0x80, s31, s13, $0xb8;
	[tilespmem:$0x1D580] =	vst v63  }
0xf9: {  	_ = 	snop  }
0xfa: {  	[tilespmem:s11], [sflag:$0x3] =	stream.indirect.gather [spmem:s19], $0x1, s3, s13, $0xb8;
	[tilespmem:$0x1D580] =	vst v63  }
0xfb: {  	_ =	swait.ge [sflag:s10], $0x80  }
0xfc: {  	[sflag:s10] =	ssyncset.done $0x0  }
0xfd: {  	[sflag:s10] =	ssyncadd.s32 $0xFFFFFF80  }
0xfe: {  	[spmem:s17] =	stream.indirect.scatter.add.f32 [tilespmem:s11], [sflag:$0x3], $0x1, s4, s13, $0xb8;
	[tilespmem:$0x1D580] =	vst v63  }
0xff: {  	_ =	swait.ge [sflag:s10], $0x80  }
0x100: {  	[sflag:s10] =	ssyncset.done $0x0  }
0x101: {  	[sflag:s10] =	ssyncadd.s32 $0xFFFFFF80  }
0x102: {  	_ =	swait.ge [sflag:s18], $0x4000  }
0x103: {  	[sflag:s18] =	ssyncset.done $0x0  }
0x104: {  	[sflag:s18] =	ssyncadd.s32 $0xFFFFC000  }
0x105: {  	[spmem:s14] =	stream.indirect.scatter.add.f32 [tilespmem:s9], [sflag:$0x3], $0x80, s3, s13, $0xb8;
	[tilespmem:$0x1D580] =	vst v63  }
0x106: {  	_ =	swait.ge [sflag:s10], $0x4000  }
0x107: {  	[sflag:s10] =	ssyncset.done $0x0  }
0x108: {  	[sflag:s10] =	ssyncadd.s32 $0xFFFFC000  }
0x109: {  	[tilespmem:s11], [sflag:$0x3] =	stream.indirect.gather [spmem:s19], $0x1, s5, s13, $0xb8;
	[tilespmem:$0x1D580] =	vst v63  }
0x10a: {  	_ =	swait.ge [sflag:s10], $0x80  }
0x10b: {  	[sflag:s10] =	ssyncset.done $0x0  }
0x10c: {  	[sflag:s10] =	ssyncadd.s32 $0xFFFFFF80  }
0x10d: {  	[spmem:s17] =	stream.indirect.scatter.add.f32 [tilespmem:s11], [sflag:$0x3], $0x1, s6, s13, $0xb8;
	[tilespmem:$0x1D580] =	vst v63  }
0x10e: {  	_ =	swait.ge [sflag:s10], $0x80  }
0x10f: {  	[sflag:s10] =	ssyncset.done $0x0  }
0x110: {  	[sflag:s10] =	ssyncadd.s32 $0xFFFFFF80  }
0x111: {  	s25 =	sadd.s32 $0x1, s25;
	_ =	swait.ge [sflag:s20], $0x4000  }
0x112: {  	p0 =	sne.s32 s25, $0x5;
	[sflag:s20] =	ssyncset.done $0x0  }
.Ltmp2:
0x113: {  	[sflag:s20] =	ssyncadd.s32 $0xFFFFC000;
	(pc) =	sbr.rel @p0 .LBB2_4-.Ltmp2, $4  }
0x114: {  	[spmem:s14] =	stream.indirect.scatter.add.f32 [tilespmem:s15], [sflag:$0x3], $0x80, s5, s13, $0xb8;
	[tilespmem:$0x1D580] =	vst v63  }
0x115: {  	_ =	swait.ge [sflag:s10], $0x4000  }
0x116: {  	[sflag:s10] =	ssyncset.done $0x0  }
0x117: {  	[sflag:s10] =	ssyncadd.s32 $0xFFFFC000  }
0x118: {  	[bflag:$0x0] =	sbarrier.arrive $0xFFFF  }
0x119: {  	s24 =	sshrl.u32 s16, $0x3;
	s25 =	rddreg [dreg:$0xa]  }
0x11a: {  	[hbm:s25], [sflag:s8] =	dma.local [spmem:s24], $0x800  }
0x11b: {  	_ =	swait.ge [sflag:s10], $0x800  }
0x11c: {  	s28 =	smov.u32 s16;
	[sflag:s10] =	ssyncset.done $0x0;
	s29 =	rddreg [dreg:$0x14]  }
0x11d: {  	s16 =	rddreg [dreg:$0xf];
	[sflag:s10] =	ssyncadd.s32 $0xFFFFF800;
	s26 =	sshrl.u32 s29, $0x3  }
0x11e: {  	[hbm:s16], [sflag:s8] =	dma.local [spmem:s26], $0x10  }
0x11f: {  	_ =	swait.ge [sflag:s10], $0x10  }
0x120: {  	[sflag:s10] =	ssyncset.done $0x0  }
0x121: {  	s25 =	sshrl.u32 s1, $0x3;
	s26 =	rddreg [dreg:$0xb];
	[sflag:s10] =	ssyncadd.s32 $0xFFFFFFF0  }
0x122: {  	[hbm:s26], [sflag:s8] =	dma.local [spmem:s25], $0x800  }
0x123: {  	_ =	swait.ge [sflag:s10], $0x800  }
0x124: {  	s30 =	smov.u32 s1;
	[sflag:s10] =	ssyncset.done $0x0  }
0x125: {  	s1 =	sshrl.u32 s0, $0x3;
	s16 =	rddreg [dreg:$0x10];
	[sflag:s10] =	ssyncadd.s32 $0xFFFFF800  }
0x126: {  	[hbm:s16], [sflag:s8] =	dma.local [spmem:s1], $0x10  }
0x127: {  	_ =	swait.ge [sflag:s10], $0x10  }
0x128: {  	[sflag:s10] =	ssyncset.done $0x0;
	s26 =	rddreg [dreg:$0x15]  }
0x129: {  	s16 =	rddreg [dreg:$0xc];
	[sflag:s10] =	ssyncadd.s32 $0xFFFFFFF0;
	s1 =	sshrl.u32 s26, $0x3  }
0x12a: {  	[hbm:s16], [sflag:s8] =	dma.local [spmem:s1], $0x800  }
0x12b: {  	_ =	swait.ge [sflag:s10], $0x800  }
0x12c: {  	[sflag:s10] =	ssyncset.done $0x0;
	s26 =	rddreg [dreg:$0x16]  }
0x12d: {  	s16 =	rddreg [dreg:$0x11];
	[sflag:s10] =	ssyncadd.s32 $0xFFFFF800;
	s1 =	sshrl.u32 s26, $0x3  }
0x12e: {  	[hbm:s16], [sflag:s8] =	dma.local [spmem:s1], $0x10  }
0x12f: {  	_ =	swait.ge [sflag:s10], $0x10  }
0x130: {  	[sflag:s10] =	ssyncset.done $0x0;
	s26 =	rddreg [dreg:$0x17]  }
0x131: {  	s16 =	rddreg [dreg:$0xd];
	[sflag:s10] =	ssyncadd.s32 $0xFFFFFFF0;
	s1 =	sshrl.u32 s26, $0x3  }
0x132: {  	[hbm:s16], [sflag:s8] =	dma.local [spmem:s1], $0x800  }
0x133: {  	_ =	swait.ge [sflag:s10], $0x800  }
0x134: {  	[sflag:s10] =	ssyncset.done $0x0;
	s26 =	rddreg [dreg:$0x18]  }
0x135: {  	s16 =	rddreg [dreg:$0x12];
	[sflag:s10] =	ssyncadd.s32 $0xFFFFF800;
	s1 =	sshrl.u32 s26, $0x3  }
0x136: {  	[hbm:s16], [sflag:s8] =	dma.local [spmem:s1], $0x10  }
0x137: {  	_ =	swait.ge [sflag:s10], $0x10  }
0x138: {  	[sflag:s10] =	ssyncset.done $0x0;
	s26 =	rddreg [dreg:$0x19]  }
0x139: {  	s16 =	rddreg [dreg:$0xe];
	[sflag:s10] =	ssyncadd.s32 $0xFFFFFFF0;
	s1 =	sshrl.u32 s26, $0x3  }
0x13a: {  	[hbm:s16], [sflag:s8] =	dma.local [spmem:s1], $0x800  }
0x13b: {  	_ =	swait.ge [sflag:s10], $0x800  }
0x13c: {  	[sflag:s10] =	ssyncset.done $0x0;
	s26 =	rddreg [dreg:$0x1a]  }
0x13d: {  	s16 =	rddreg [dreg:$0x13];
	[sflag:s10] =	ssyncadd.s32 $0xFFFFF800;
	s1 =	sshrl.u32 s26, $0x3  }
0x13e: {  	[hbm:s16], [sflag:s8] =	dma.local [spmem:s1], $0x10  }
0x13f: {  	_ =	swait.ge [sflag:s10], $0x10  }
0x140: {  	s7 =	sadd.s32 $0x1, s7;
	s26 =	rddreg [dreg:$0x1b]  }
0x141: {  	p0 =	sne.s32 s7, s26  }
.Ltmp3:
0x142: {  	_ = 	snop;
	(pc) =	sbr.rel @p0 .LBB2_1-.Ltmp3, $3  }
0x143: {  	_ =	sdelay $0x1  }
0x144: {  	[sflag:s10] =	ssyncset.done $0x0  }
0x145: {  	s31 =	smov.u32 s0;
	[sflag:s10] =	ssyncadd.s32 $0xFFFFFFF0  }
0x146: {  	_ =	sfence.sel $0x180000  }
0x147: {  	[bflag:$0x0] =	sbarrier.arrive $0xFFFF  }
0x148: {  	_ =	strace $0x9000004A  }
0x149: {  	s0 =	stileid.u32;
	[bflag:$0x2] =	sbarrier.arrive $0xFFFF  }
0x14a: {  	p0 =	sne.s32 s0, $0x0;
	s0 =	rddreg [dreg:$0x4]  }
0x14b: {  	s0 =	sadd.s32 @!p0 $0x100000, s0  }
0x14c: {  	[sflag:s0] =	ssyncadd.tile.s32 @!p0 $0x1;
	_ =	shalt  }
.Lfunc_end2:
_tile_overlayer_lowered:
.L_overlay_start_2:
0x14d: {  	(tag) =	ssettag $0x2  }
0x14e: {  	s0 =	rddreg [dreg:$0x0];
	s2 =	stileid.u32  }
0x14f: {  	s1 =	rddreg [dreg:$0x1];
	p0 =	sne.s32 s2, $0x0  }
0x150: {  	s3 =	rddreg [dreg:$0x2];
	[bflag:$0x3] =	sbarrier.arrive $0xFFFF;
	s2 =	simm.s32 @!p0 $0x1C03  }
0x151: {  	[timem:s3], [sflag:s2] =	dma.local @!p0 [hbm:s0], s1  }
0x152: {  	s0 =	simm.s32 @!p0 $0x3  }
0x153: {  	_ =	swait.ge @!p0 [sflag:s0], s1  }
0x154: {  	s1 =	ssub.s32 @!p0 $0x0, s1;
	[sflag:s0] =	ssyncset.done @!p0 $0x0  }
0x155: {  	[sflag:s0] =	ssyncadd.s32 @!p0 s1  }
0x156: {  	[bflag:$0x3] =	sbarrier.arrive $0xFFFF  }
0x157: {  	_ =	shalt  }

</sc_bundles>
